<compile_context>
chip_gen: v7x
topology: tpu7x:2x2x1
jax: 0.10.2.dev20260603
libtpu: 0.0.44.dev20260713+nightly
codegen_flags: <defaults>
</compile_context>

<pallas_src>
import functools

import jax
import jax.numpy as jnp
import numpy as np
from jax import lax
from jax.experimental import pallas as pl
from jax.experimental.pallas import tpu as pltpu
from jax.experimental.pallas import tpu_sc as plsc

N = 10000
E = 320000
F = 128
H = 64
G = 64

NC = 2
NS = 16
NW = NC * NS
CHUNK = 128
CH = 80
CH2 = CH // 2
EW = CH * CHUNK
EP = NW * EW
NP = 10240
NB = NP // 128
EB = 512
NEB = EP // EB
RPS = NP // NS
H0OFF = 48

_INV = float(1.0 / np.sqrt(1.0 + 1e-3))


def _full_spec(shape):
    nd = len(shape)
    return pl.BlockSpec(shape, lambda b: (0,) * nd)



def _node_enc_body(xb, wx1, bx1, wx2, bx2, qmat, sel4, sel32, selh0, t_out):
    x = xb[...]
    h = x @ wx1[...] + bx1[...]
    h0 = jnp.maximum(h @ wx2[...] + bx2[...], 0.0)
    q = x @ qmat[...]
    t_out[...] = x @ sel4[...] + q @ sel32[...] + h0 @ selh0[...]


def _edge_enc_body(trb, tsb, selp, wvp, wd, be1, we2, be2, sel72, mrow, ee_out):
    dx = trb[...] - tsb[...]
    lane = lax.broadcasted_iota(jnp.int32, dx.shape, 1)
    dxm = jnp.where(lane < 3, dx, 0.0)
    ss = jnp.sum(dxm * dxm, axis=1, keepdims=True)
    dist = jnp.sqrt(ss)
    safe = jnp.where(dist > 0.0, dist, 1.0)
    vects = dxm / safe
    e1 = dx @ selp[...] + dist * wd[...] + vects @ wvp[...] + be1[...]
    ee = jnp.maximum(e1 @ we2[...] + be2[...], 0.0)
    col3 = jnp.sum(jnp.where(lane == 3, dx, 0.0), axis=1, keepdims=True)
    maskf = (col3 > 0.0).astype(jnp.float32)
    ee_out[...] = ee @ sel72[...] + maskf * mrow[...]


def _msg_body(grb, gsb, eeb, w1r, w1s, w1e, b1, w2, b2, m_out):
    g = grb[...] @ w1r[...] + gsb[...] @ w1s[...]
    ee = eeb[...]
    m1 = jnp.maximum(g + ee @ w1e[...] + b1[...], 0.0)
    lane = lax.broadcasted_iota(jnp.int32, ee.shape, 1)
    maskf = jnp.sum(jnp.where(lane == H, ee, 0.0), axis=1, keepdims=True)
    m_out[...] = jnp.maximum(m1 @ w2[...] + b2[...], 0.0) * maskf


def _update_body(pb, w3, b3, w4, b4, h_out):
    agg = pb[0] + pb[1]
    u = jnp.maximum(agg @ w3[...] + b3[...], 0.0)
    h_out[...] = jnp.maximum(u @ w4[...] + b4[...], 0.0)


def _pool_dec_body(hb, segb, selh, c64, seltop, e64, af, cf,
                   wd1, bd1, wd2, bd2, wd3, bd3, wd4, bd4,
                   wo1, bo1, wo2, bo2, sel7, o_out, acc):
    b = pl.program_id(0)

    @pl.when(b == 0)
    def _():
        acc[...] = jnp.zeros_like(acc)

    seg = segb[0]
    onehot = (lax.broadcasted_iota(jnp.int32, (G, 128), 0) == seg).astype(
        jnp.float32)
    hbx = hb[...] @ selh[...] + c64[...]
    acc[...] += onehot @ hbx

    @pl.when(b == NB - 1)
    def _():
        s = acc[...]
        sums = s @ seltop[...]
        cnt = s @ e64[...]
        d = (sums / jnp.maximum(cnt, 1.0)) * af[...] + cf[...]
        d = jnp.maximum(d @ wd1[...] + bd1[...], 0.0)
        d = jnp.maximum(d @ wd2[...] + bd2[...], 0.0)
        d = jnp.maximum(d @ wd3[...] + bd3[...], 0.0)
        d = jnp.maximum(d @ wd4[...] + bd4[...], 0.0)
        o = jnp.tanh(d @ wo1[...] + bo1[...])
        o = o @ wo2[...] + bo2[...]
        o_out[...] = o @ sel7[...]



def _sc_mesh():
    return plsc.VectorSubcoreMesh(core_axis_name="c", subcore_axis_name="s",
                                  num_cores=NC, num_subcores=NS)


def _make_gather2():

    @functools.partial(
        pl.kernel,
        out_type=(jax.ShapeDtypeStruct((EP, 128), jnp.float32),
                  jax.ShapeDtypeStruct((EP, 128), jnp.float32)),
        mesh=_sc_mesh(),
        scratch_types=[
            pltpu.VMEM((CHUNK, 128), jnp.float32),
            pltpu.VMEM((CHUNK, 128), jnp.float32),
            pltpu.VMEM((CHUNK, 128), jnp.float32),
            pltpu.VMEM((CHUNK, 128), jnp.float32),
            pltpu.VMEM((CHUNK,), jnp.int32),
            pltpu.VMEM((CHUNK,), jnp.int32),
            pltpu.VMEM((CHUNK,), jnp.int32),
            pltpu.VMEM((CHUNK,), jnp.int32),
            pltpu.SemaphoreType.DMA,
            pltpu.SemaphoreType.DMA,
            pltpu.SemaphoreType.DMA,
            pltpu.SemaphoreType.DMA,
        ],
    )
    def gather2(table, idx_a, idx_b, out_a, out_b,
                ra0, rb0, ra1, rb1,
                ia0, ia1, ib0, ib1, sa0, sb0, sa1, sb1):
        wid = lax.axis_index("s") * NC + lax.axis_index("c")
        base0 = wid * EW

        def body(j, carry):
            c0 = 2 * j
            c1 = c0 + 1
            pltpu.sync_copy(idx_a.at[pl.ds(base0 + c0 * CHUNK, CHUNK)], ia0)
            pltpu.sync_copy(idx_b.at[pl.ds(base0 + c0 * CHUNK, CHUNK)], ib0)
            pltpu.sync_copy(idx_a.at[pl.ds(base0 + c1 * CHUNK, CHUNK)], ia1)
            pltpu.sync_copy(idx_b.at[pl.ds(base0 + c1 * CHUNK, CHUNK)], ib1)
            cpa0 = pltpu.async_copy(table.at[ia0], ra0, sa0)
            cpb0 = pltpu.async_copy(table.at[ib0], rb0, sb0)
            cpa1 = pltpu.async_copy(table.at[ia1], ra1, sa1)
            cpb1 = pltpu.async_copy(table.at[ib1], rb1, sb1)
            cpa0.wait()
            cpb0.wait()
            cpa1.wait()
            cpb1.wait()
            pltpu.sync_copy(ra0, out_a.at[pl.ds(base0 + c0 * CHUNK, CHUNK)])
            pltpu.sync_copy(rb0, out_b.at[pl.ds(base0 + c0 * CHUNK, CHUNK)])
            pltpu.sync_copy(ra1, out_a.at[pl.ds(base0 + c1 * CHUNK, CHUNK)])
            pltpu.sync_copy(rb1, out_b.at[pl.ds(base0 + c1 * CHUNK, CHUNK)])
            return carry

        lax.fori_loop(0, CH2, body, 0)

    return gather2


def _make_scatter_add():

    @functools.partial(
        pl.kernel,
        out_type=jax.ShapeDtypeStruct((NC, NP, F), jnp.float32),
        mesh=_sc_mesh(),
        scratch_types=[
            pltpu.VMEM((CHUNK, F), jnp.float32),
            pltpu.VMEM((CHUNK, F), jnp.float32),
            pltpu.VMEM((CHUNK,), jnp.int32),
            pltpu.VMEM((CHUNK,), jnp.int32),
            pltpu.VMEM_SHARED((NP, F), jnp.float32),
            pltpu.SemaphoreType.DMA,
            pltpu.SemaphoreType.DMA,
        ],
    )
    def scatter_add(m2, ridx, zeros_hbm, out, r0, r1, i0, i1,
                    acc, s0, s1):
        cid = lax.axis_index("c")
        sid = lax.axis_index("s")
        wid = cid * NS + sid
        base0 = wid * EW
        pltpu.sync_copy(zeros_hbm.at[pl.ds(sid * RPS, RPS)],
                        acc.at[pl.ds(sid * RPS, RPS)])
        plsc.subcore_barrier()

        def body(j, carry):
            c0 = 2 * j
            c1 = c0 + 1
            cp0 = pltpu.async_copy(m2.at[pl.ds(base0 + c0 * CHUNK, CHUNK)],
                                   r0, s0)
            cp1 = pltpu.async_copy(m2.at[pl.ds(base0 + c1 * CHUNK, CHUNK)],
                                   r1, s1)
            pltpu.sync_copy(ridx.at[pl.ds(base0 + c0 * CHUNK, CHUNK)], i0)
            pltpu.sync_copy(ridx.at[pl.ds(base0 + c1 * CHUNK, CHUNK)], i1)
            cp0.wait()
            cp1.wait()
            pltpu.sync_copy(r0, acc.at[i0], add=True)
            pltpu.sync_copy(r1, acc.at[i1], add=True)
            return carry

        lax.fori_loop(0, CH2, body, 0)
        plsc.subcore_barrier()
        pltpu.sync_copy(acc.at[pl.ds(sid * RPS, RPS)],
                        out.at[cid, pl.ds(sid * RPS, RPS)])

    return scatter_add



def _row(v):
    return jnp.reshape(v, (1, -1))


def kernel(x, edge_index, i, params):
    f32 = jnp.float32
    send = edge_index[0].astype(jnp.int32)
    recv = edge_index[1].astype(jnp.int32)
    seg = i.astype(jnp.int32)

    pad_e = EP - E
    send_p = jnp.concatenate([send, jnp.zeros((pad_e,), jnp.int32)])
    recv_p = jnp.concatenate([recv, jnp.zeros((pad_e,), jnp.int32)])
    xp = jnp.pad(x, ((0, NP - N), (0, 0)))
    seg_p = jnp.concatenate([seg, jnp.full((NP - N,), G, jnp.int32)])
    seg3 = seg_p.reshape(NB, 1, 128)

    wx1, bx1 = params['enc_x1']
    wx2, bx2 = params['enc_x2']
    we1, be1 = params['enc_e1']
    we2, be2 = params['enc_e2']

    qmat = jnp.zeros((F, H // 2), f32).at[3:].set(we1[0:F - 3])
    wd = _row(we1[F - 3])
    wvp = jnp.zeros((128, H // 2), f32).at[0:3].set(we1[F - 2:F + 1])
    selp = jnp.zeros((128, H // 2), f32).at[4:4 + H // 2].set(jnp.eye(H // 2))
    sel4 = jnp.zeros((F, 128), f32).at[0:4, 0:4].set(jnp.eye(4))
    sel32 = jnp.zeros((H // 2, 128), f32).at[:, 4:4 + H // 2].set(
        jnp.eye(H // 2))
    selh0 = jnp.zeros((H, 128), f32).at[:, H0OFF:H0OFF + H].set(jnp.eye(H))
    sel72 = jnp.zeros((H, H + 8), f32).at[:, 0:H].set(jnp.eye(H))
    mrow = jnp.zeros((1, H + 8), f32).at[0, H].set(1.0)

    layers = []
    for li, lp in enumerate(params['mp']):
        a = lp['bn_g'] * _INV
        c = lp['bn_b']
        w1, b1 = lp['msg1']
        off = H0OFF if li == 0 else 0
        w1r = jnp.zeros((128, 4 * H), f32).at[off:off + H].set(
            a[:, None] * w1[0:H])
        w1s = jnp.zeros((128, 4 * H), f32).at[off:off + H].set(
            a[:, None] * w1[H:2 * H])
        w1e = jnp.zeros((H + 8, 4 * H), f32).at[0:H].set(w1[2 * H:3 * H])
        b1f = _row(b1 + c @ w1[0:H] + c @ w1[H:2 * H])
        w2, b2 = lp['msg2']
        w3, b3 = lp['upd1']
        w4, b4 = lp['upd2']
        w4p = jnp.zeros((2 * H, 128), f32).at[:, 0:H].set(w4)
        b4p = jnp.zeros((1, 128), f32).at[0, 0:H].set(b4)
        layers.append((w1r, w1s, w1e, b1f, w2, _row(b2), w3, _row(b3),
                       w4p, b4p))

    af = _row(params['bnd_g'] * _INV)
    cf = _row(params['bnd_b'])
    dec = params['dec']
    wo1, bo1 = params['out1']
    wo2, bo2 = params['out2']

    selh = jnp.zeros((128, 128), f32).at[0:H, 0:H].set(jnp.eye(H))
    c64 = jnp.zeros((1, 128), f32).at[0, H].set(1.0)
    seltop = jnp.zeros((128, H), f32).at[0:H].set(jnp.eye(H))
    e64 = jnp.zeros((128, H), f32).at[H, :].set(1.0)
    sel7 = jnp.zeros((7, 128), f32).at[:, 0:7].set(jnp.eye(7))

    t_tab = pl.pallas_call(
        _node_enc_body,
        grid=(NB,),
        in_specs=[
            pl.BlockSpec((128, F), lambda b: (b, 0)),
            _full_spec((F, H // 2)), _full_spec((1, H // 2)),
            _full_spec((H // 2, H)), _full_spec((1, H)),
            _full_spec((F, H // 2)),
            _full_spec((F, 128)), _full_spec((H // 2, 128)),
            _full_spec((H, 128)),
        ],
        out_specs=pl.BlockSpec((128, 128), lambda b: (b, 0)),
        out_shape=jax.ShapeDtypeStruct((NP, 128), f32),
    )(xp, wx1, _row(bx1), wx2, _row(bx2), qmat, sel4, sel32, selh0)

    gather2 = _make_gather2()
    scatter_add = _make_scatter_add()
    zeros_acc = jnp.zeros((NP, F), f32)

    g_r, g_s = gather2(t_tab, recv_p, send_p)

    eeb = pl.pallas_call(
        _edge_enc_body,
        grid=(NEB,),
        in_specs=[
            pl.BlockSpec((EB, 128), lambda b: (b, 0)),
            pl.BlockSpec((EB, 128), lambda b: (b, 0)),
            _full_spec((128, H // 2)), _full_spec((128, H // 2)),
            _full_spec((1, H // 2)), _full_spec((1, H // 2)),
            _full_spec((H // 2, H)), _full_spec((1, H)),
            _full_spec((H, H + 8)), _full_spec((1, H + 8)),
        ],
        out_specs=pl.BlockSpec((EB, H + 8), lambda b: (b, 0)),
        out_shape=jax.ShapeDtypeStruct((EP, H + 8), f32),
    )(g_r, g_s, selp, wvp, wd, _row(be1), we2, _row(be2), sel72, mrow)

    for li, (w1r, w1s, w1e, b1f, w2, b2, w3, b3, w4p, b4p) in \
            enumerate(layers):
        if li > 0:
            g_r, g_s = gather2(h, recv_p, send_p)
        m2 = pl.pallas_call(
            _msg_body,
            grid=(NEB,),
            in_specs=[
                pl.BlockSpec((EB, 128), lambda b: (b, 0)),
                pl.BlockSpec((EB, 128), lambda b: (b, 0)),
                pl.BlockSpec((EB, H + 8), lambda b: (b, 0)),
                _full_spec((128, 4 * H)), _full_spec((128, 4 * H)),
                _full_spec((H + 8, 4 * H)), _full_spec((1, 4 * H)),
                _full_spec((4 * H, 2 * H)), _full_spec((1, 2 * H)),
            ],
            out_specs=pl.BlockSpec((EB, F), lambda b: (b, 0)),
            out_shape=jax.ShapeDtypeStruct((EP, F), f32),
        )(g_r, g_s, eeb, w1r, w1s, w1e, b1f, w2, b2)

        partial = scatter_add(m2, recv_p, zeros_acc)

        h = pl.pallas_call(
            _update_body,
            grid=(NB,),
            in_specs=[
                pl.BlockSpec((NC, 128, F), lambda b: (0, b, 0)),
                _full_spec((2 * H, 2 * H)), _full_spec((1, 2 * H)),
                _full_spec((2 * H, 128)), _full_spec((1, 128)),
            ],
            out_specs=pl.BlockSpec((128, 128), lambda b: (b, 0)),
            out_shape=jax.ShapeDtypeStruct((NP, 128), f32),
        )(partial, w3, b3, w4p, b4p)

    o_pad = pl.pallas_call(
        _pool_dec_body,
        grid=(NB,),
        in_specs=[
            pl.BlockSpec((128, 128), lambda b: (b, 0)),
            pl.BlockSpec((1, 1, 128), lambda b: (b, 0, 0)),
            _full_spec((128, 128)), _full_spec((1, 128)),
            _full_spec((128, H)), _full_spec((128, H)),
            _full_spec((1, H)), _full_spec((1, H)),
            _full_spec((H, 2 * H)), _full_spec((1, 2 * H)),
            _full_spec((2 * H, 2 * H)), _full_spec((1, 2 * H)),
            _full_spec((2 * H, 2 * H)), _full_spec((1, 2 * H)),
            _full_spec((2 * H, H)), _full_spec((1, H)),
            _full_spec((H, H // 2)), _full_spec((1, H // 2)),
            _full_spec((H // 2, 7)), _full_spec((1, 7)),
            _full_spec((7, 128)),
        ],
        out_specs=pl.BlockSpec((G, 128), lambda b: (0, 0)),
        out_shape=jax.ShapeDtypeStruct((G, 128), f32),
        scratch_shapes=[pltpu.VMEM((G, 128), f32)],
    )(h, seg3, selh, c64, seltop, e64, af, cf,
      dec[0][0], _row(dec[0][1]), dec[1][0], _row(dec[1][1]),
      dec[2][0], _row(dec[2][1]), dec[3][0], _row(dec[3][1]),
      wo1, _row(bo1), wo2, _row(bo2), sel7)

    return o_pad[:, 0:7]

# --- scband reference (transcript-rebuilt; emitter-appended) ---
"""Pipeline reference for scband-model-72662256714110 (READ-ONLY COPY).

The authoritative reference and input builder live on the scoring server;
editing this copy changes nothing except your own understanding.
"""

import jax, jax.numpy as jnp
import numpy as np

N = 10000
E = 320000
F = 128
H = 64
G = 64


def _glorot(key, fan_in, fan_out):
    lim = float(np.sqrt(6.0 / (fan_in + fan_out)))
    return jax.random.uniform(key, (fan_in, fan_out), jnp.float32, -lim, lim)


def _make_params(key):
    keys = jax.random.split(key, 40)
    ctr = [0]

    def nk():
        k = keys[ctr[0]]
        ctr[0] += 1
        return k

    def dense(fi, fo):
        return (_glorot(nk(), fi, fo), jnp.zeros((fo,), jnp.float32))

    p = {}
    p['enc_x1'] = dense(F, H // 2)
    p['enc_x2'] = dense(H // 2, H)
    p['enc_e1'] = dense(F + 1, H // 2)
    p['enc_e2'] = dense(H // 2, H)
    mp = []
    for _ in range(3):
        lp = {}
        lp['bn_g'] = 1.0 + 0.1 * jax.random.normal(nk(), (H,), jnp.float32)
        lp['bn_b'] = 0.1 * jax.random.normal(nk(), (H,), jnp.float32)
        lp['msg1'] = dense(3 * H, 4 * H)
        lp['msg2'] = dense(4 * H, 2 * H)
        lp['upd1'] = dense(2 * H, 2 * H)
        lp['upd2'] = dense(2 * H, H)
        mp.append(lp)
    p['mp'] = mp
    p['bnd_g'] = 1.0 + 0.1 * jax.random.normal(nk(), (H,), jnp.float32)
    p['bnd_b'] = 0.1 * jax.random.normal(nk(), (H,), jnp.float32)
    p['dec'] = [dense(H, 2 * H), dense(2 * H, 2 * H), dense(2 * H, 2 * H), dense(2 * H, H)]
    p['out1'] = dense(H, H // 2)
    p['out2'] = dense(H // 2, 7)
    return p


def _model(x, params, send, receive, seg, edge_mask):
    # generate_edge_features (on raw x, after directional filtering)
    diff_x = x[receive] - x[send]
    ss = jnp.sum(jnp.square(diff_x[:, :3]), axis=1)
    dists = jnp.sqrt(ss)
    safe = jnp.where(dists > 0, dists, 1.0)
    vects = jnp.where((dists > 0)[:, None], diff_x[:, :3] / safe[:, None], jnp.zeros_like(diff_x[:, :3]))
    e = jnp.concatenate([diff_x[:, 3:], dists[:, None], vects], axis=1)
    # node / edge encoders
    W, b = params['enc_x1']
    h = x @ W + b
    W, b = params['enc_x2']
    h = jax.nn.relu(h @ W + b)
    W, b = params['enc_e1']
    ee = e @ W + b
    W, b = params['enc_e2']
    ee = jax.nn.relu(ee @ W + b)
    inv = 1.0 / jnp.sqrt(1.0 + 1e-3)  # BN inference, moving_mean=0, moving_var=1, eps=1e-3
    n = x.shape[0]
    maskf = edge_mask.astype(h.dtype)[:, None]
    for lp in params['mp']:
        hn = lp['bn_g'] * (h * inv) + lp['bn_b']
        m = jnp.concatenate([hn[receive], hn[send], ee], axis=1)
        W, b = lp['msg1']
        m = jax.nn.relu(m @ W + b)
        W, b = lp['msg2']
        m = jax.nn.relu(m @ W + b)
        agg = jax.ops.segment_sum(m * maskf, receive, num_segments=n)
        W, b = lp['upd1']
        u = jax.nn.relu(agg @ W + b)
        W, b = lp['upd2']
        h = jax.nn.relu(u @ W + b)
    h = params['bnd_g'] * (h * inv) + params['bnd_b']
    # GlobalAvgPool over graph segment ids
    sums = jax.ops.segment_sum(h, seg, num_segments=G)
    counts = jax.ops.segment_sum(jnp.ones((n,), h.dtype), seg, num_segments=G)
    d = sums / jnp.maximum(counts, 1.0)[:, None]
    for W, b in params['dec']:
        d = jax.nn.relu(d @ W + b)
    W, b = params['out1']
    o = jnp.tanh(d @ W + b)
    W, b = params['out2']
    o = o @ W + b
    return o


def setup_inputs(seed: int = 0):
    key = jax.random.key(seed)
    kx, ke, ki, kp = jax.random.split(key, 4)
    x = jax.random.normal(kx, (N, F), jnp.float32)
    edge_index = jax.random.randint(ke, (2, E), 0, N).astype(jnp.int64)
    i = jnp.sort(jax.random.randint(ki, (N,), 0, G)).astype(jnp.int64)
    params = _make_params(kp)
    return {'x': x, 'edge_index': edge_index, 'i': i, 'params': params}


def reference(x, edge_index, i, params):
    send0 = edge_index[0]
    receive0 = edge_index[1]
    mask = x[send0, 3] < x[receive0, 3]
    return _model(x, params, send0, receive0, i, mask)

if __name__ == "__main__":
    import jax
    _d = setup_inputs()
    print(jax.jit(kernel)(*tuple(_d.values())))

</pallas_src>

<mosaic_0001>
#map = affine_map<(d0, d1) -> (0, 0)>
#map1 = affine_map<(d0, d1) -> (0)>
#map2 = affine_map<(d0, d1) -> (0, 0, 0)>
module attributes {stable_mosaic.version = 14 : i64} {
  func.func @scatter_add(%arg0: i32, %arg1: i32, %arg2: memref<327680x128xf32, #tpu.memory_space<hbm>>, %arg3: memref<327680xi32, #tpu.memory_space<hbm>>, %arg4: memref<10240x128xf32, #tpu.memory_space<hbm>>, %arg5: memref<2x10240x128xf32, #tpu.memory_space<hbm>>, %arg6: memref<128x128xf32, #tpu.memory_space<vmem>>, %arg7: memref<128x128xf32, #tpu.memory_space<vmem>>, %arg8: memref<128xi32, #tpu.memory_space<vmem>>, %arg9: memref<128xi32, #tpu.memory_space<vmem>>, %arg10: memref<10240x128xf32, #tpu.memory_space<vmem_shared>>, %arg11: memref<!tpu.dma_semaphore, #tpu.memory_space<semaphore_mem>>, %arg12: memref<!tpu.dma_semaphore, #tpu.memory_space<semaphore_mem>>) attributes {dimension_semantics = [#tpu.dimension_semantics<core_parallel>, #tpu.dimension_semantics<subcore_parallel>], iteration_bounds = array<i64: 2, 16>, scalar_prefetch = 0 : i64, scratch_operands = 7 : i64, tpu.core_type = #tpu.core_type<sc_vector_subcore>, window_params = [{transform_indices = #map}, {transform_indices = #map1}, {transform_indices = #map}, {transform_indices = #map2}]} {
    %mul3A = arith.constant 16 : i32
    %mul3A_0 = arith.muli %arg0, %mul3A : i32
    %add3A = arith.addi %mul3A_0, %arg1 : i32
    %mul3A_1 = arith.constant 10240 : i32
    %mul3A_2 = arith.muli %add3A, %mul3A_1 : i32
    %mul3A_3 = arith.constant 640 : i32
    %mul3A_4 = arith.muli %arg1, %mul3A_3 : i32
    %mul3A_5 = arith.constant 640 : i32
    %mul3A_6 = arith.muli %arg1, %mul3A_5 : i32
    "tpu.region"() ({
      %run_scoped3A = tpu.sem_alloc : memref<!tpu.dma_semaphore, #tpu.memory_space<semaphore_mem>>
      %dma_start3A = arith.constant 0 : i32
      %dma_start3A_17 = tpu.memref_slice %arg10[%mul3A_6, %dma_start3A] : memref<10240x128xf32, #tpu.memory_space<vmem_shared>> -> memref<640x128xf32, #tpu.memory_space<vmem_shared>>
      %dma_start3A_18 = arith.constant 0 : i32
      %dma_start3A_19 = tpu.memref_slice %arg4[%mul3A_4, %dma_start3A_18] : memref<10240x128xf32, #tpu.memory_space<hbm>> -> memref<640x128xf32, #tpu.memory_space<hbm>>
      tpu.enqueue_dma source(%dma_start3A_19 : memref<640x128xf32, #tpu.memory_space<hbm>>) target(%dma_start3A_17 : memref<640x128xf32, #tpu.memory_space<vmem_shared>>) target_semaphore(%run_scoped3A : memref<!tpu.dma_semaphore, #tpu.memory_space<semaphore_mem>>)
      %dma_wait3A = arith.constant 0 : i32
      %dma_wait3A_20 = tpu.memref_slice %arg10[%mul3A_6, %dma_wait3A] : memref<10240x128xf32, #tpu.memory_space<vmem_shared>> -> memref<640x128xf32, #tpu.memory_space<vmem_shared>>
      %dma_wait3A_21 = arith.constant 0 : i32
      %dma_wait3A_22 = tpu.memref_slice %arg4[%mul3A_4, %dma_wait3A_21] : memref<10240x128xf32, #tpu.memory_space<hbm>> -> memref<640x128xf32, #tpu.memory_space<hbm>>
      tpu.wait_dma2 semaphore(%run_scoped3A : memref<!tpu.dma_semaphore, #tpu.memory_space<semaphore_mem>>) src(%dma_wait3A_22 : memref<640x128xf32, #tpu.memory_space<hbm>>) dst(%dma_wait3A_20 : memref<640x128xf32, #tpu.memory_space<vmem_shared>>)
      tpu.yield
    }) : () -> ()
    %barrier3A = arith.constant 0 : index
    tpu.barrier barrier_id(%barrier3A)
    %scan3A = arith.constant 0 : i32
    %scan3A_7 = arith.constant 0 : i32
    %scan3A_8 = arith.constant 40 : i32
    %scan3A_9 = arith.addi %scan3A_7, %scan3A_8 : i32
    %scan3A_10 = arith.constant 1 : i32
    scf.for %scan3A_17 = %scan3A_7 to %scan3A_9 step %scan3A_10  : i32 {
      %mul3A_18 = arith.constant 2 : i32
      %mul3A_19 = arith.muli %mul3A_18, %scan3A_17 : i32
      %add3A_20 = arith.constant 1 : i32
      %add3A_21 = arith.addi %mul3A_19, %add3A_20 : i32
      %mul3A_22 = arith.constant 128 : i32
      %mul3A_23 = arith.muli %mul3A_19, %mul3A_22 : i32
      %add3A_24 = arith.addi %mul3A_2, %mul3A_23 : i32
      %dma_start3A = arith.constant 0 : i32
      %dma_start3A_25 = tpu.memref_slice %arg2[%add3A_24, %dma_start3A] : memref<327680x128xf32, #tpu.memory_space<hbm>> -> memref<128x128xf32, #tpu.memory_space<hbm>>
      %dma_start3A_26 = arith.constant 0 : i32
      %dma_start3A_27 = tpu.memref_slice %arg2[%add3A_24, %dma_start3A_26] : memref<327680x128xf32, #tpu.memory_space<hbm>> -> memref<128x128xf32, #tpu.memory_space<hbm>>
      tpu.enqueue_dma source(%dma_start3A_27 : memref<128x128xf32, #tpu.memory_space<hbm>>) target(%arg6 : memref<128x128xf32, #tpu.memory_space<vmem>>) target_semaphore(%arg11 : memref<!tpu.dma_semaphore, #tpu.memory_space<semaphore_mem>>)
      %mul3A_28 = arith.constant 128 : i32
      %mul3A_29 = arith.muli %add3A_21, %mul3A_28 : i32
      %add3A_30 = arith.addi %mul3A_2, %mul3A_29 : i32
      %dma_start3A_31 = arith.constant 0 : i32
      %dma_start3A_32 = tpu.memref_slice %arg2[%add3A_30, %dma_start3A_31] : memref<327680x128xf32, #tpu.memory_space<hbm>> -> memref<128x128xf32, #tpu.memory_space<hbm>>
      %dma_start3A_33 = arith.constant 0 : i32
      %dma_start3A_34 = tpu.memref_slice %arg2[%add3A_30, %dma_start3A_33] : memref<327680x128xf32, #tpu.memory_space<hbm>> -> memref<128x128xf32, #tpu.memory_space<hbm>>
      tpu.enqueue_dma source(%dma_start3A_34 : memref<128x128xf32, #tpu.memory_space<hbm>>) target(%arg7 : memref<128x128xf32, #tpu.memory_space<vmem>>) target_semaphore(%arg12 : memref<!tpu.dma_semaphore, #tpu.memory_space<semaphore_mem>>)
      %mul3A_35 = arith.constant 128 : i32
      %mul3A_36 = arith.muli %mul3A_19, %mul3A_35 : i32
      %add3A_37 = arith.addi %mul3A_2, %mul3A_36 : i32
      "tpu.region"() ({
        %run_scoped3A = tpu.sem_alloc : memref<!tpu.dma_semaphore, #tpu.memory_space<semaphore_mem>>
        %dma_start3A_48 = tpu.memref_slice %arg3[%add3A_37] : memref<327680xi32, #tpu.memory_space<hbm>> -> memref<128xi32, #tpu.memory_space<hbm>>
        %dma_start3A_49 = tpu.memref_slice %arg3[%add3A_37] : memref<327680xi32, #tpu.memory_space<hbm>> -> memref<128xi32, #tpu.memory_space<hbm>>
        tpu.enqueue_dma source(%dma_start3A_49 : memref<128xi32, #tpu.memory_space<hbm>>) target(%arg8 : memref<128xi32, #tpu.memory_space<vmem>>) target_semaphore(%run_scoped3A : memref<!tpu.dma_semaphore, #tpu.memory_space<semaphore_mem>>)
        %dma_wait3A_50 = tpu.memref_slice %arg3[%add3A_37] : memref<327680xi32, #tpu.memory_space<hbm>> -> memref<128xi32, #tpu.memory_space<hbm>>
        %dma_wait3A_51 = tpu.memref_slice %arg3[%add3A_37] : memref<327680xi32, #tpu.memory_space<hbm>> -> memref<128xi32, #tpu.memory_space<hbm>>
        tpu.wait_dma2 semaphore(%run_scoped3A : memref<!tpu.dma_semaphore, #tpu.memory_space<semaphore_mem>>) src(%dma_wait3A_51 : memref<128xi32, #tpu.memory_space<hbm>>) dst(%arg8 : memref<128xi32, #tpu.memory_space<vmem>>)
        tpu.yield
      }) : () -> ()
      %mul3A_38 = arith.constant 128 : i32
      %mul3A_39 = arith.muli %add3A_21, %mul3A_38 : i32
      %add3A_40 = arith.addi %mul3A_2, %mul3A_39 : i32
      "tpu.region"() ({
        %run_scoped3A = tpu.sem_alloc : memref<!tpu.dma_semaphore, #tpu.memory_space<semaphore_mem>>
        %dma_start3A_48 = tpu.memref_slice %arg3[%add3A_40] : memref<327680xi32, #tpu.memory_space<hbm>> -> memref<128xi32, #tpu.memory_space<hbm>>
        %dma_start3A_49 = tpu.memref_slice %arg3[%add3A_40] : memref<327680xi32, #tpu.memory_space<hbm>> -> memref<128xi32, #tpu.memory_space<hbm>>
        tpu.enqueue_dma source(%dma_start3A_49 : memref<128xi32, #tpu.memory_space<hbm>>) target(%arg9 : memref<128xi32, #tpu.memory_space<vmem>>) target_semaphore(%run_scoped3A : memref<!tpu.dma_semaphore, #tpu.memory_space<semaphore_mem>>)
        %dma_wait3A_50 = tpu.memref_slice %arg3[%add3A_40] : memref<327680xi32, #tpu.memory_space<hbm>> -> memref<128xi32, #tpu.memory_space<hbm>>
        %dma_wait3A_51 = tpu.memref_slice %arg3[%add3A_40] : memref<327680xi32, #tpu.memory_space<hbm>> -> memref<128xi32, #tpu.memory_space<hbm>>
        tpu.wait_dma2 semaphore(%run_scoped3A : memref<!tpu.dma_semaphore, #tpu.memory_space<semaphore_mem>>) src(%dma_wait3A_51 : memref<128xi32, #tpu.memory_space<hbm>>) dst(%arg9 : memref<128xi32, #tpu.memory_space<vmem>>)
        tpu.yield
      }) : () -> ()
      %dma_wait3A = arith.constant 0 : i32
      %dma_wait3A_41 = tpu.memref_slice %arg2[%add3A_24, %dma_wait3A] : memref<327680x128xf32, #tpu.memory_space<hbm>> -> memref<128x128xf32, #tpu.memory_space<hbm>>
      %dma_wait3A_42 = arith.constant 0 : i32
      %dma_wait3A_43 = tpu.memref_slice %arg2[%add3A_24, %dma_wait3A_42] : memref<327680x128xf32, #tpu.memory_space<hbm>> -> memref<128x128xf32, #tpu.memory_space<hbm>>
      tpu.wait_dma2 semaphore(%arg11 : memref<!tpu.dma_semaphore, #tpu.memory_space<semaphore_mem>>) src(%dma_wait3A_43 : memref<128x128xf32, #tpu.memory_space<hbm>>) dst(%arg6 : memref<128x128xf32, #tpu.memory_space<vmem>>)
      %dma_wait3A_44 = arith.constant 0 : i32
      %dma_wait3A_45 = tpu.memref_slice %arg2[%add3A_30, %dma_wait3A_44] : memref<327680x128xf32, #tpu.memory_space<hbm>> -> memref<128x128xf32, #tpu.memory_space<hbm>>
      %dma_wait3A_46 = arith.constant 0 : i32
      %dma_wait3A_47 = tpu.memref_slice %arg2[%add3A_30, %dma_wait3A_46] : memref<327680x128xf32, #tpu.memory_space<hbm>> -> memref<128x128xf32, #tpu.memory_space<hbm>>
      tpu.wait_dma2 semaphore(%arg12 : memref<!tpu.dma_semaphore, #tpu.memory_space<semaphore_mem>>) src(%dma_wait3A_47 : memref<128x128xf32, #tpu.memory_space<hbm>>) dst(%arg7 : memref<128x128xf32, #tpu.memory_space<vmem>>)
      "tpu.region"() ({
        %run_scoped3A = tpu.sem_alloc : memref<!tpu.dma_semaphore, #tpu.memory_space<semaphore_mem>>
        %dma_start3A_48 = arith.constant 0 : i32
        %dma_start3A_49 = arith.constant 0 : i32
        %dma_start3A_50 = tpu.memref_slice %arg10[%dma_start3A_48, %dma_start3A_49] : memref<10240x128xf32, #tpu.memory_space<vmem_shared>> -> memref<10240x128xf32, #tpu.memory_space<vmem_shared>>
        tpu.enqueue_indirect_dma source(%arg6 : memref<128x128xf32, #tpu.memory_space<vmem>>) target(%dma_start3A_50 : memref<10240x128xf32, #tpu.memory_space<vmem_shared>>) offsets(%arg8 : memref<128xi32, #tpu.memory_space<vmem>>) semaphore(%run_scoped3A : memref<!tpu.dma_semaphore, #tpu.memory_space<semaphore_mem>>) {add = true}
        %dma_wait3A_51 = arith.constant 0 : i32
        %dma_wait3A_52 = arith.constant 0 : i32
        %dma_wait3A_53 = tpu.memref_slice %arg10[%dma_wait3A_51, %dma_wait3A_52] : memref<10240x128xf32, #tpu.memory_space<vmem_shared>> -> memref<10240x128xf32, #tpu.memory_space<vmem_shared>>
        tpu.wait_indirect_dma semaphore(%run_scoped3A : memref<!tpu.dma_semaphore, #tpu.memory_space<semaphore_mem>>) src(%arg6 : memref<128x128xf32, #tpu.memory_space<vmem>>) dst(%dma_wait3A_53 : memref<10240x128xf32, #tpu.memory_space<vmem_shared>>)
        tpu.yield
      }) : () -> ()
      "tpu.region"() ({
        %run_scoped3A = tpu.sem_alloc : memref<!tpu.dma_semaphore, #tpu.memory_space<semaphore_mem>>
        %dma_start3A_48 = arith.constant 0 : i32
        %dma_start3A_49 = arith.constant 0 : i32
        %dma_start3A_50 = tpu.memref_slice %arg10[%dma_start3A_48, %dma_start3A_49] : memref<10240x128xf32, #tpu.memory_space<vmem_shared>> -> memref<10240x128xf32, #tpu.memory_space<vmem_shared>>
        tpu.enqueue_indirect_dma source(%arg7 : memref<128x128xf32, #tpu.memory_space<vmem>>) target(%dma_start3A_50 : memref<10240x128xf32, #tpu.memory_space<vmem_shared>>) offsets(%arg9 : memref<128xi32, #tpu.memory_space<vmem>>) semaphore(%run_scoped3A : memref<!tpu.dma_semaphore, #tpu.memory_space<semaphore_mem>>) {add = true}
        %dma_wait3A_51 = arith.constant 0 : i32
        %dma_wait3A_52 = arith.constant 0 : i32
        %dma_wait3A_53 = tpu.memref_slice %arg10[%dma_wait3A_51, %dma_wait3A_52] : memref<10240x128xf32, #tpu.memory_space<vmem_shared>> -> memref<10240x128xf32, #tpu.memory_space<vmem_shared>>
        tpu.wait_indirect_dma semaphore(%run_scoped3A : memref<!tpu.dma_semaphore, #tpu.memory_space<semaphore_mem>>) src(%arg7 : memref<128x128xf32, #tpu.memory_space<vmem>>) dst(%dma_wait3A_53 : memref<10240x128xf32, #tpu.memory_space<vmem_shared>>)
        tpu.yield
      }) : () -> ()
    }
    %scan3A_11 = arith.constant 40 : i32
    %barrier3A_12 = arith.constant 0 : index
    tpu.barrier barrier_id(%barrier3A_12)
    %mul3A_13 = arith.constant 640 : i32
    %mul3A_14 = arith.muli %arg1, %mul3A_13 : i32
    %mul3A_15 = arith.constant 640 : i32
    %mul3A_16 = arith.muli %arg1, %mul3A_15 : i32
    "tpu.region"() ({
      %run_scoped3A = tpu.sem_alloc : memref<!tpu.dma_semaphore, #tpu.memory_space<semaphore_mem>>
      %dma_start3A = arith.constant 0 : i32
      %dma_start3A_17 = tpu.memref_slice %arg5[%arg0, %mul3A_16, %dma_start3A] : memref<2x10240x128xf32, #tpu.memory_space<hbm>> -> memref<1x640x128xf32, #tpu.memory_space<hbm>>
      %dma_start3A_18 = tpu.memref_squeeze %dma_start3A_17 : memref<1x640x128xf32, #tpu.memory_space<hbm>> -> memref<640x128xf32, #tpu.memory_space<hbm>>
      %dma_start3A_19 = arith.constant 0 : i32
      %dma_start3A_20 = tpu.memref_slice %arg10[%mul3A_14, %dma_start3A_19] : memref<10240x128xf32, #tpu.memory_space<vmem_shared>> -> memref<640x128xf32, #tpu.memory_space<vmem_shared>>
      tpu.enqueue_dma source(%dma_start3A_20 : memref<640x128xf32, #tpu.memory_space<vmem_shared>>) target(%dma_start3A_18 : memref<640x128xf32, #tpu.memory_space<hbm>>) target_semaphore(%run_scoped3A : memref<!tpu.dma_semaphore, #tpu.memory_space<semaphore_mem>>)
      %dma_wait3A = arith.constant 0 : i32
      %dma_wait3A_21 = tpu.memref_slice %arg5[%arg0, %mul3A_16, %dma_wait3A] : memref<2x10240x128xf32, #tpu.memory_space<hbm>> -> memref<1x640x128xf32, #tpu.memory_space<hbm>>
      %dma_wait3A_22 = tpu.memref_squeeze %dma_wait3A_21 : memref<1x640x128xf32, #tpu.memory_space<hbm>> -> memref<640x128xf32, #tpu.memory_space<hbm>>
      %dma_wait3A_23 = arith.constant 0 : i32
      %dma_wait3A_24 = tpu.memref_slice %arg10[%mul3A_14, %dma_wait3A_23] : memref<10240x128xf32, #tpu.memory_space<vmem_shared>> -> memref<640x128xf32, #tpu.memory_space<vmem_shared>>
      tpu.wait_dma2 semaphore(%run_scoped3A : memref<!tpu.dma_semaphore, #tpu.memory_space<semaphore_mem>>) src(%dma_wait3A_24 : memref<640x128xf32, #tpu.memory_space<vmem_shared>>) dst(%dma_wait3A_22 : memref<640x128xf32, #tpu.memory_space<hbm>>)
      tpu.yield
    }) : () -> ()
    return
  }
}

#map = affine_map<(d0, d1) -> (0, 0)>
#map1 = affine_map<(d0, d1) -> (0)>
module attributes {stable_mosaic.version = 14 : i64} {
  func.func @gather2(%arg0: i32, %arg1: i32, %arg2: memref<10240x128xf32, #tpu.memory_space<hbm>>, %arg3: memref<327680xi32, #tpu.memory_space<hbm>>, %arg4: memref<327680xi32, #tpu.memory_space<hbm>>, %arg5: memref<327680x128xf32, #tpu.memory_space<hbm>>, %arg6: memref<327680x128xf32, #tpu.memory_space<hbm>>, %arg7: memref<128x128xf32, #tpu.memory_space<vmem>>, %arg8: memref<128x128xf32, #tpu.memory_space<vmem>>, %arg9: memref<128x128xf32, #tpu.memory_space<vmem>>, %arg10: memref<128x128xf32, #tpu.memory_space<vmem>>, %arg11: memref<128xi32, #tpu.memory_space<vmem>>, %arg12: memref<128xi32, #tpu.memory_space<vmem>>, %arg13: memref<128xi32, #tpu.memory_space<vmem>>, %arg14: memref<128xi32, #tpu.memory_space<vmem>>, %arg15: memref<!tpu.dma_semaphore, #tpu.memory_space<semaphore_mem>>, %arg16: memref<!tpu.dma_semaphore, #tpu.memory_space<semaphore_mem>>, %arg17: memref<!tpu.dma_semaphore, #tpu.memory_space<semaphore_mem>>, %arg18: memref<!tpu.dma_semaphore, #tpu.memory_space<semaphore_mem>>) attributes {dimension_semantics = [#tpu.dimension_semantics<core_parallel>, #tpu.dimension_semantics<subcore_parallel>], iteration_bounds = array<i64: 2, 16>, scalar_prefetch = 0 : i64, scratch_operands = 12 : i64, tpu.core_type = #tpu.core_type<sc_vector_subcore>, window_params = [{transform_indices = #map}, {transform_indices = #map1}, {transform_indices = #map1}, {transform_indices = #map}, {transform_indices = #map}]} {
    %mul3A = arith.constant 2 : i32
    %mul3A_0 = arith.muli %arg1, %mul3A : i32
    %add3A = arith.addi %mul3A_0, %arg0 : i32
    %mul3A_1 = arith.constant 10240 : i32
    %mul3A_2 = arith.muli %add3A, %mul3A_1 : i32
    %scan3A = arith.constant 0 : i32
    %scan3A_3 = arith.constant 0 : i32
    %scan3A_4 = arith.constant 40 : i32
    %scan3A_5 = arith.addi %scan3A_3, %scan3A_4 : i32
    %scan3A_6 = arith.constant 1 : i32
    scf.for %scan3A_8 = %scan3A_3 to %scan3A_5 step %scan3A_6  : i32 {
      %mul3A_9 = arith.constant 2 : i32
      %mul3A_10 = arith.muli %mul3A_9, %scan3A_8 : i32
      %add3A_11 = arith.constant 1 : i32
      %add3A_12 = arith.addi %mul3A_10, %add3A_11 : i32
      %mul3A_13 = arith.constant 128 : i32
      %mul3A_14 = arith.muli %mul3A_10, %mul3A_13 : i32
      %add3A_15 = arith.addi %mul3A_2, %mul3A_14 : i32
      "tpu.region"() ({
        %run_scoped3A = tpu.sem_alloc : memref<!tpu.dma_semaphore, #tpu.memory_space<semaphore_mem>>
        %dma_start3A_59 = tpu.memref_slice %arg3[%add3A_15] : memref<327680xi32, #tpu.memory_space<hbm>> -> memref<128xi32, #tpu.memory_space<hbm>>
        %dma_start3A_60 = tpu.memref_slice %arg3[%add3A_15] : memref<327680xi32, #tpu.memory_space<hbm>> -> memref<128xi32, #tpu.memory_space<hbm>>
        tpu.enqueue_dma source(%dma_start3A_60 : memref<128xi32, #tpu.memory_space<hbm>>) target(%arg11 : memref<128xi32, #tpu.memory_space<vmem>>) target_semaphore(%run_scoped3A : memref<!tpu.dma_semaphore, #tpu.memory_space<semaphore_mem>>)
        %dma_wait3A_61 = tpu.memref_slice %arg3[%add3A_15] : memref<327680xi32, #tpu.memory_space<hbm>> -> memref<128xi32, #tpu.memory_space<hbm>>
        %dma_wait3A_62 = tpu.memref_slice %arg3[%add3A_15] : memref<327680xi32, #tpu.memory_space<hbm>> -> memref<128xi32, #tpu.memory_space<hbm>>
        tpu.wait_dma2 semaphore(%run_scoped3A : memref<!tpu.dma_semaphore, #tpu.memory_space<semaphore_mem>>) src(%dma_wait3A_62 : memref<128xi32, #tpu.memory_space<hbm>>) dst(%arg11 : memref<128xi32, #tpu.memory_space<vmem>>)
        tpu.yield
      }) : () -> ()
      %mul3A_16 = arith.constant 128 : i32
      %mul3A_17 = arith.muli %mul3A_10, %mul3A_16 : i32
      %add3A_18 = arith.addi %mul3A_2, %mul3A_17 : i32
      "tpu.region"() ({
        %run_scoped3A = tpu.sem_alloc : memref<!tpu.dma_semaphore, #tpu.memory_space<semaphore_mem>>
        %dma_start3A_59 = tpu.memref_slice %arg4[%add3A_18] : memref<327680xi32, #tpu.memory_space<hbm>> -> memref<128xi32, #tpu.memory_space<hbm>>
        %dma_start3A_60 = tpu.memref_slice %arg4[%add3A_18] : memref<327680xi32, #tpu.memory_space<hbm>> -> memref<128xi32, #tpu.memory_space<hbm>>
        tpu.enqueue_dma source(%dma_start3A_60 : memref<128xi32, #tpu.memory_space<hbm>>) target(%arg13 : memref<128xi32, #tpu.memory_space<vmem>>) target_semaphore(%run_scoped3A : memref<!tpu.dma_semaphore, #tpu.memory_space<semaphore_mem>>)
        %dma_wait3A_61 = tpu.memref_slice %arg4[%add3A_18] : memref<327680xi32, #tpu.memory_space<hbm>> -> memref<128xi32, #tpu.memory_space<hbm>>
        %dma_wait3A_62 = tpu.memref_slice %arg4[%add3A_18] : memref<327680xi32, #tpu.memory_space<hbm>> -> memref<128xi32, #tpu.memory_space<hbm>>
        tpu.wait_dma2 semaphore(%run_scoped3A : memref<!tpu.dma_semaphore, #tpu.memory_space<semaphore_mem>>) src(%dma_wait3A_62 : memref<128xi32, #tpu.memory_space<hbm>>) dst(%arg13 : memref<128xi32, #tpu.memory_space<vmem>>)
        tpu.yield
      }) : () -> ()
      %mul3A_19 = arith.constant 128 : i32
      %mul3A_20 = arith.muli %add3A_12, %mul3A_19 : i32
      %add3A_21 = arith.addi %mul3A_2, %mul3A_20 : i32
      "tpu.region"() ({
        %run_scoped3A = tpu.sem_alloc : memref<!tpu.dma_semaphore, #tpu.memory_space<semaphore_mem>>
        %dma_start3A_59 = tpu.memref_slice %arg3[%add3A_21] : memref<327680xi32, #tpu.memory_space<hbm>> -> memref<128xi32, #tpu.memory_space<hbm>>
        %dma_start3A_60 = tpu.memref_slice %arg3[%add3A_21] : memref<327680xi32, #tpu.memory_space<hbm>> -> memref<128xi32, #tpu.memory_space<hbm>>
        tpu.enqueue_dma source(%dma_start3A_60 : memref<128xi32, #tpu.memory_space<hbm>>) target(%arg12 : memref<128xi32, #tpu.memory_space<vmem>>) target_semaphore(%run_scoped3A : memref<!tpu.dma_semaphore, #tpu.memory_space<semaphore_mem>>)
        %dma_wait3A_61 = tpu.memref_slice %arg3[%add3A_21] : memref<327680xi32, #tpu.memory_space<hbm>> -> memref<128xi32, #tpu.memory_space<hbm>>
        %dma_wait3A_62 = tpu.memref_slice %arg3[%add3A_21] : memref<327680xi32, #tpu.memory_space<hbm>> -> memref<128xi32, #tpu.memory_space<hbm>>
        tpu.wait_dma2 semaphore(%run_scoped3A : memref<!tpu.dma_semaphore, #tpu.memory_space<semaphore_mem>>) src(%dma_wait3A_62 : memref<128xi32, #tpu.memory_space<hbm>>) dst(%arg12 : memref<128xi32, #tpu.memory_space<vmem>>)
        tpu.yield
      }) : () -> ()
      %mul3A_22 = arith.constant 128 : i32
      %mul3A_23 = arith.muli %add3A_12, %mul3A_22 : i32
      %add3A_24 = arith.addi %mul3A_2, %mul3A_23 : i32
      "tpu.region"() ({
        %run_scoped3A = tpu.sem_alloc : memref<!tpu.dma_semaphore, #tpu.memory_space<semaphore_mem>>
        %dma_start3A_59 = tpu.memref_slice %arg4[%add3A_24] : memref<327680xi32, #tpu.memory_space<hbm>> -> memref<128xi32, #tpu.memory_space<hbm>>
        %dma_start3A_60 = tpu.memref_slice %arg4[%add3A_24] : memref<327680xi32, #tpu.memory_space<hbm>> -> memref<128xi32, #tpu.memory_space<hbm>>
        tpu.enqueue_dma source(%dma_start3A_60 : memref<128xi32, #tpu.memory_space<hbm>>) target(%arg14 : memref<128xi32, #tpu.memory_space<vmem>>) target_semaphore(%run_scoped3A : memref<!tpu.dma_semaphore, #tpu.memory_space<semaphore_mem>>)
        %dma_wait3A_61 = tpu.memref_slice %arg4[%add3A_24] : memref<327680xi32, #tpu.memory_space<hbm>> -> memref<128xi32, #tpu.memory_space<hbm>>
        %dma_wait3A_62 = tpu.memref_slice %arg4[%add3A_24] : memref<327680xi32, #tpu.memory_space<hbm>> -> memref<128xi32, #tpu.memory_space<hbm>>
        tpu.wait_dma2 semaphore(%run_scoped3A : memref<!tpu.dma_semaphore, #tpu.memory_space<semaphore_mem>>) src(%dma_wait3A_62 : memref<128xi32, #tpu.memory_space<hbm>>) dst(%arg14 : memref<128xi32, #tpu.memory_space<vmem>>)
        tpu.yield
      }) : () -> ()
      %dma_start3A = arith.constant 0 : i32
      %dma_start3A_25 = arith.constant 0 : i32
      %dma_start3A_26 = tpu.memref_slice %arg2[%dma_start3A, %dma_start3A_25] : memref<10240x128xf32, #tpu.memory_space<hbm>> -> memref<10240x128xf32, #tpu.memory_space<hbm>>
      tpu.enqueue_indirect_dma source(%dma_start3A_26 : memref<10240x128xf32, #tpu.memory_space<hbm>>) target(%arg7 : memref<128x128xf32, #tpu.memory_space<vmem>>) offsets(%arg11 : memref<128xi32, #tpu.memory_space<vmem>>) semaphore(%arg15 : memref<!tpu.dma_semaphore, #tpu.memory_space<semaphore_mem>>)
      %dma_start3A_27 = arith.constant 0 : i32
      %dma_start3A_28 = arith.constant 0 : i32
      %dma_start3A_29 = tpu.memref_slice %arg2[%dma_start3A_27, %dma_start3A_28] : memref<10240x128xf32, #tpu.memory_space<hbm>> -> memref<10240x128xf32, #tpu.memory_space<hbm>>
      tpu.enqueue_indirect_dma source(%dma_start3A_29 : memref<10240x128xf32, #tpu.memory_space<hbm>>) target(%arg8 : memref<128x128xf32, #tpu.memory_space<vmem>>) offsets(%arg13 : memref<128xi32, #tpu.memory_space<vmem>>) semaphore(%arg16 : memref<!tpu.dma_semaphore, #tpu.memory_space<semaphore_mem>>)
      %dma_start3A_30 = arith.constant 0 : i32
      %dma_start3A_31 = arith.constant 0 : i32
      %dma_start3A_32 = tpu.memref_slice %arg2[%dma_start3A_30, %dma_start3A_31] : memref<10240x128xf32, #tpu.memory_space<hbm>> -> memref<10240x128xf32, #tpu.memory_space<hbm>>
      tpu.enqueue_indirect_dma source(%dma_start3A_32 : memref<10240x128xf32, #tpu.memory_space<hbm>>) target(%arg9 : memref<128x128xf32, #tpu.memory_space<vmem>>) offsets(%arg12 : memref<128xi32, #tpu.memory_space<vmem>>) semaphore(%arg17 : memref<!tpu.dma_semaphore, #tpu.memory_space<semaphore_mem>>)
      %dma_start3A_33 = arith.constant 0 : i32
      %dma_start3A_34 = arith.constant 0 : i32
      %dma_start3A_35 = tpu.memref_slice %arg2[%dma_start3A_33, %dma_start3A_34] : memref<10240x128xf32, #tpu.memory_space<hbm>> -> memref<10240x128xf32, #tpu.memory_space<hbm>>
      tpu.enqueue_indirect_dma source(%dma_start3A_35 : memref<10240x128xf32, #tpu.memory_space<hbm>>) target(%arg10 : memref<128x128xf32, #tpu.memory_space<vmem>>) offsets(%arg14 : memref<128xi32, #tpu.memory_space<vmem>>) semaphore(%arg18 : memref<!tpu.dma_semaphore, #tpu.memory_space<semaphore_mem>>)
      %dma_wait3A = arith.constant 0 : i32
      %dma_wait3A_36 = arith.constant 0 : i32
      %dma_wait3A_37 = tpu.memref_slice %arg2[%dma_wait3A, %dma_wait3A_36] : memref<10240x128xf32, #tpu.memory_space<hbm>> -> memref<10240x128xf32, #tpu.memory_space<hbm>>
      tpu.wait_indirect_dma semaphore(%arg15 : memref<!tpu.dma_semaphore, #tpu.memory_space<semaphore_mem>>) src(%dma_wait3A_37 : memref<10240x128xf32, #tpu.memory_space<hbm>>) dst(%arg7 : memref<128x128xf32, #tpu.memory_space<vmem>>)
      %dma_wait3A_38 = arith.constant 0 : i32
      %dma_wait3A_39 = arith.constant 0 : i32
      %dma_wait3A_40 = tpu.memref_slice %arg2[%dma_wait3A_38, %dma_wait3A_39] : memref<10240x128xf32, #tpu.memory_space<hbm>> -> memref<10240x128xf32, #tpu.memory_space<hbm>>
      tpu.wait_indirect_dma semaphore(%arg16 : memref<!tpu.dma_semaphore, #tpu.memory_space<semaphore_mem>>) src(%dma_wait3A_40 : memref<10240x128xf32, #tpu.memory_space<hbm>>) dst(%arg8 : memref<128x128xf32, #tpu.memory_space<vmem>>)
      %dma_wait3A_41 = arith.constant 0 : i32
      %dma_wait3A_42 = arith.constant 0 : i32
      %dma_wait3A_43 = tpu.memref_slice %arg2[%dma_wait3A_41, %dma_wait3A_42] : memref<10240x128xf32, #tpu.memory_space<hbm>> -> memref<10240x128xf32, #tpu.memory_space<hbm>>
      tpu.wait_indirect_dma semaphore(%arg17 : memref<!tpu.dma_semaphore, #tpu.memory_space<semaphore_mem>>) src(%dma_wait3A_43 : memref<10240x128xf32, #tpu.memory_space<hbm>>) dst(%arg9 : memref<128x128xf32, #tpu.memory_space<vmem>>)
      %dma_wait3A_44 = arith.constant 0 : i32
      %dma_wait3A_45 = arith.constant 0 : i32
      %dma_wait3A_46 = tpu.memref_slice %arg2[%dma_wait3A_44, %dma_wait3A_45] : memref<10240x128xf32, #tpu.memory_space<hbm>> -> memref<10240x128xf32, #tpu.memory_space<hbm>>
      tpu.wait_indirect_dma semaphore(%arg18 : memref<!tpu.dma_semaphore, #tpu.memory_space<semaphore_mem>>) src(%dma_wait3A_46 : memref<10240x128xf32, #tpu.memory_space<hbm>>) dst(%arg10 : memref<128x128xf32, #tpu.memory_space<vmem>>)
      %mul3A_47 = arith.constant 128 : i32
      %mul3A_48 = arith.muli %mul3A_10, %mul3A_47 : i32
      %add3A_49 = arith.addi %mul3A_2, %mul3A_48 : i32
      "tpu.region"() ({
        %run_scoped3A = tpu.sem_alloc : memref<!tpu.dma_semaphore, #tpu.memory_space<semaphore_mem>>
        %dma_start3A_59 = arith.constant 0 : i32
        %dma_start3A_60 = tpu.memref_slice %arg5[%add3A_49, %dma_start3A_59] : memref<327680x128xf32, #tpu.memory_space<hbm>> -> memref<128x128xf32, #tpu.memory_space<hbm>>
        %dma_start3A_61 = arith.constant 0 : i32
        %dma_start3A_62 = tpu.memref_slice %arg5[%add3A_49, %dma_start3A_61] : memref<327680x128xf32, #tpu.memory_space<hbm>> -> memref<128x128xf32, #tpu.memory_space<hbm>>
        tpu.enqueue_dma source(%arg7 : memref<128x128xf32, #tpu.memory_space<vmem>>) target(%dma_start3A_62 : memref<128x128xf32, #tpu.memory_space<hbm>>) target_semaphore(%run_scoped3A : memref<!tpu.dma_semaphore, #tpu.memory_space<semaphore_mem>>)
        %dma_wait3A_63 = arith.constant 0 : i32
        %dma_wait3A_64 = tpu.memref_slice %arg5[%add3A_49, %dma_wait3A_63] : memref<327680x128xf32, #tpu.memory_space<hbm>> -> memref<128x128xf32, #tpu.memory_space<hbm>>
        %dma_wait3A_65 = arith.constant 0 : i32
        %dma_wait3A_66 = tpu.memref_slice %arg5[%add3A_49, %dma_wait3A_65] : memref<327680x128xf32, #tpu.memory_space<hbm>> -> memref<128x128xf32, #tpu.memory_space<hbm>>
        tpu.wait_dma2 semaphore(%run_scoped3A : memref<!tpu.dma_semaphore, #tpu.memory_space<semaphore_mem>>) src(%arg7 : memref<128x128xf32, #tpu.memory_space<vmem>>) dst(%dma_wait3A_66 : memref<128x128xf32, #tpu.memory_space<hbm>>)
        tpu.yield
      }) : () -> ()
      %mul3A_50 = arith.constant 128 : i32
      %mul3A_51 = arith.muli %mul3A_10, %mul3A_50 : i32
      %add3A_52 = arith.addi %mul3A_2, %mul3A_51 : i32
      "tpu.region"() ({
        %run_scoped3A = tpu.sem_alloc : memref<!tpu.dma_semaphore, #tpu.memory_space<semaphore_mem>>
        %dma_start3A_59 = arith.constant 0 : i32
        %dma_start3A_60 = tpu.memref_slice %arg6[%add3A_52, %dma_start3A_59] : memref<327680x128xf32, #tpu.memory_space<hbm>> -> memref<128x128xf32, #tpu.memory_space<hbm>>
        %dma_start3A_61 = arith.constant 0 : i32
        %dma_start3A_62 = tpu.memref_slice %arg6[%add3A_52, %dma_start3A_61] : memref<327680x128xf32, #tpu.memory_space<hbm>> -> memref<128x128xf32, #tpu.memory_space<hbm>>
        tpu.enqueue_dma source(%arg8 : memref<128x128xf32, #tpu.memory_space<vmem>>) target(%dma_start3A_62 : memref<128x128xf32, #tpu.memory_space<hbm>>) target_semaphore(%run_scoped3A : memref<!tpu.dma_semaphore, #tpu.memory_space<semaphore_mem>>)
        %dma_wait3A_63 = arith.constant 0 : i32
        %dma_wait3A_64 = tpu.memref_slice %arg6[%add3A_52, %dma_wait3A_63] : memref<327680x128xf32, #tpu.memory_space<hbm>> -> memref<128x128xf32, #tpu.memory_space<hbm>>
        %dma_wait3A_65 = arith.constant 0 : i32
        %dma_wait3A_66 = tpu.memref_slice %arg6[%add3A_52, %dma_wait3A_65] : memref<327680x128xf32, #tpu.memory_space<hbm>> -> memref<128x128xf32, #tpu.memory_space<hbm>>
        tpu.wait_dma2 semaphore(%run_scoped3A : memref<!tpu.dma_semaphore, #tpu.memory_space<semaphore_mem>>) src(%arg8 : memref<128x128xf32, #tpu.memory_space<vmem>>) dst(%dma_wait3A_66 : memref<128x128xf32, #tpu.memory_space<hbm>>)
        tpu.yield
      }) : () -> ()
      %mul3A_53 = arith.constant 128 : i32
      %mul3A_54 = arith.muli %add3A_12, %mul3A_53 : i32
      %add3A_55 = arith.addi %mul3A_2, %mul3A_54 : i32
      "tpu.region"() ({
        %run_scoped3A = tpu.sem_alloc : memref<!tpu.dma_semaphore, #tpu.memory_space<semaphore_mem>>
        %dma_start3A_59 = arith.constant 0 : i32
        %dma_start3A_60 = tpu.memref_slice %arg5[%add3A_55, %dma_start3A_59] : memref<327680x128xf32, #tpu.memory_space<hbm>> -> memref<128x128xf32, #tpu.memory_space<hbm>>
        %dma_start3A_61 = arith.constant 0 : i32
        %dma_start3A_62 = tpu.memref_slice %arg5[%add3A_55, %dma_start3A_61] : memref<327680x128xf32, #tpu.memory_space<hbm>> -> memref<128x128xf32, #tpu.memory_space<hbm>>
        tpu.enqueue_dma source(%arg9 : memref<128x128xf32, #tpu.memory_space<vmem>>) target(%dma_start3A_62 : memref<128x128xf32, #tpu.memory_space<hbm>>) target_semaphore(%run_scoped3A : memref<!tpu.dma_semaphore, #tpu.memory_space<semaphore_mem>>)
        %dma_wait3A_63 = arith.constant 0 : i32
        %dma_wait3A_64 = tpu.memref_slice %arg5[%add3A_55, %dma_wait3A_63] : memref<327680x128xf32, #tpu.memory_space<hbm>> -> memref<128x128xf32, #tpu.memory_space<hbm>>
        %dma_wait3A_65 = arith.constant 0 : i32
        %dma_wait3A_66 = tpu.memref_slice %arg5[%add3A_55, %dma_wait3A_65] : memref<327680x128xf32, #tpu.memory_space<hbm>> -> memref<128x128xf32, #tpu.memory_space<hbm>>
        tpu.wait_dma2 semaphore(%run_scoped3A : memref<!tpu.dma_semaphore, #tpu.memory_space<semaphore_mem>>) src(%arg9 : memref<128x128xf32, #tpu.memory_space<vmem>>) dst(%dma_wait3A_66 : memref<128x128xf32, #tpu.memory_space<hbm>>)
        tpu.yield
      }) : () -> ()
      %mul3A_56 = arith.constant 128 : i32
      %mul3A_57 = arith.muli %add3A_12, %mul3A_56 : i32
      %add3A_58 = arith.addi %mul3A_2, %mul3A_57 : i32
      "tpu.region"() ({
        %run_scoped3A = tpu.sem_alloc : memref<!tpu.dma_semaphore, #tpu.memory_space<semaphore_mem>>
        %dma_start3A_59 = arith.constant 0 : i32
        %dma_start3A_60 = tpu.memref_slice %arg6[%add3A_58, %dma_start3A_59] : memref<327680x128xf32, #tpu.memory_space<hbm>> -> memref<128x128xf32, #tpu.memory_space<hbm>>
        %dma_start3A_61 = arith.constant 0 : i32
        %dma_start3A_62 = tpu.memref_slice %arg6[%add3A_58, %dma_start3A_61] : memref<327680x128xf32, #tpu.memory_space<hbm>> -> memref<128x128xf32, #tpu.memory_space<hbm>>
        tpu.enqueue_dma source(%arg10 : memref<128x128xf32, #tpu.memory_space<vmem>>) target(%dma_start3A_62 : memref<128x128xf32, #tpu.memory_space<hbm>>) target_semaphore(%run_scoped3A : memref<!tpu.dma_semaphore, #tpu.memory_space<semaphore_mem>>)
        %dma_wait3A_63 = arith.constant 0 : i32
        %dma_wait3A_64 = tpu.memref_slice %arg6[%add3A_58, %dma_wait3A_63] : memref<327680x128xf32, #tpu.memory_space<hbm>> -> memref<128x128xf32, #tpu.memory_space<hbm>>
        %dma_wait3A_65 = arith.constant 0 : i32
        %dma_wait3A_66 = tpu.memref_slice %arg6[%add3A_58, %dma_wait3A_65] : memref<327680x128xf32, #tpu.memory_space<hbm>> -> memref<128x128xf32, #tpu.memory_space<hbm>>
        tpu.wait_dma2 semaphore(%run_scoped3A : memref<!tpu.dma_semaphore, #tpu.memory_space<semaphore_mem>>) src(%arg10 : memref<128x128xf32, #tpu.memory_space<vmem>>) dst(%dma_wait3A_66 : memref<128x128xf32, #tpu.memory_space<hbm>>)
        tpu.yield
      }) : () -> ()
    }
    %scan3A_7 = arith.constant 40 : i32
    return
  }
}

#map = affine_map<(d0, d1) -> (0, 0)>
#map1 = affine_map<(d0, d1) -> (0)>
module attributes {stable_mosaic.version = 14 : i64} {
  func.func @gather2(%arg0: i32, %arg1: i32, %arg2: memref<10240x128xf32, #tpu.memory_space<hbm>>, %arg3: memref<327680xi32, #tpu.memory_space<hbm>>, %arg4: memref<327680xi32, #tpu.memory_space<hbm>>, %arg5: memref<327680x128xf32, #tpu.memory_space<hbm>>, %arg6: memref<327680x128xf32, #tpu.memory_space<hbm>>, %arg7: memref<128x128xf32, #tpu.memory_space<vmem>>, %arg8: memref<128x128xf32, #tpu.memory_space<vmem>>, %arg9: memref<128x128xf32, #tpu.memory_space<vmem>>, %arg10: memref<128x128xf32, #tpu.memory_space<vmem>>, %arg11: memref<128xi32, #tpu.memory_space<vmem>>, %arg12: memref<128xi32, #tpu.memory_space<vmem>>, %arg13: memref<128xi32, #tpu.memory_space<vmem>>, %arg14: memref<128xi32, #tpu.memory_space<vmem>>, %arg15: memref<!tpu.dma_semaphore, #tpu.memory_space<semaphore_mem>>, %arg16: memref<!tpu.dma_semaphore, #tpu.memory_space<semaphore_mem>>, %arg17: memref<!tpu.dma_semaphore, #tpu.memory_space<semaphore_mem>>, %arg18: memref<!tpu.dma_semaphore, #tpu.memory_space<semaphore_mem>>) attributes {dimension_semantics = [#tpu.dimension_semantics<core_parallel>, #tpu.dimension_semantics<subcore_parallel>], iteration_bounds = array<i64: 2, 16>, scalar_prefetch = 0 : i64, scratch_operands = 12 : i64, tpu.core_type = #tpu.core_type<sc_vector_subcore>, window_params = [{transform_indices = #map}, {transform_indices = #map1}, {transform_indices = #map1}, {transform_indices = #map}, {transform_indices = #map}]} {
    %mul3A = arith.constant 2 : i32
    %mul3A_0 = arith.muli %arg1, %mul3A : i32
    %add3A = arith.addi %mul3A_0, %arg0 : i32
    %mul3A_1 = arith.constant 10240 : i32
    %mul3A_2 = arith.muli %add3A, %mul3A_1 : i32
    %scan3A = arith.constant 0 : i32
    %scan3A_3 = arith.constant 0 : i32
    %scan3A_4 = arith.constant 40 : i32
    %scan3A_5 = arith.addi %scan3A_3, %scan3A_4 : i32
    %scan3A_6 = arith.constant 1 : i32
    scf.for %scan3A_8 = %scan3A_3 to %scan3A_5 step %scan3A_6  : i32 {
      %mul3A_9 = arith.constant 2 : i32
      %mul3A_10 = arith.muli %mul3A_9, %scan3A_8 : i32
      %add3A_11 = arith.constant 1 : i32
      %add3A_12 = arith.addi %mul3A_10, %add3A_11 : i32
      %mul3A_13 = arith.constant 128 : i32
      %mul3A_14 = arith.muli %mul3A_10, %mul3A_13 : i32
      %add3A_15 = arith.addi %mul3A_2, %mul3A_14 : i32
      "tpu.region"() ({
        %run_scoped3A = tpu.sem_alloc : memref<!tpu.dma_semaphore, #tpu.memory_space<semaphore_mem>>
        %dma_start3A_59 = tpu.memref_slice %arg3[%add3A_15] : memref<327680xi32, #tpu.memory_space<hbm>> -> memref<128xi32, #tpu.memory_space<hbm>>
        %dma_start3A_60 = tpu.memref_slice %arg3[%add3A_15] : memref<327680xi32, #tpu.memory_space<hbm>> -> memref<128xi32, #tpu.memory_space<hbm>>
        tpu.enqueue_dma source(%dma_start3A_60 : memref<128xi32, #tpu.memory_space<hbm>>) target(%arg11 : memref<128xi32, #tpu.memory_space<vmem>>) target_semaphore(%run_scoped3A : memref<!tpu.dma_semaphore, #tpu.memory_space<semaphore_mem>>)
        %dma_wait3A_61 = tpu.memref_slice %arg3[%add3A_15] : memref<327680xi32, #tpu.memory_space<hbm>> -> memref<128xi32, #tpu.memory_space<hbm>>
        %dma_wait3A_62 = tpu.memref_slice %arg3[%add3A_15] : memref<327680xi32, #tpu.memory_space<hbm>> -> memref<128xi32, #tpu.memory_space<hbm>>
        tpu.wait_dma2 semaphore(%run_scoped3A : memref<!tpu.dma_semaphore, #tpu.memory_space<semaphore_mem>>) src(%dma_wait3A_62 : memref<128xi32, #tpu.memory_space<hbm>>) dst(%arg11 : memref<128xi32, #tpu.memory_space<vmem>>)
        tpu.yield
      }) : () -> ()
      %mul3A_16 = arith.constant 128 : i32
      %mul3A_17 = arith.muli %mul3A_10, %mul3A_16 : i32
      %add3A_18 = arith.addi %mul3A_2, %mul3A_17 : i32
      "tpu.region"() ({
        %run_scoped3A = tpu.sem_alloc : memref<!tpu.dma_semaphore, #tpu.memory_space<semaphore_mem>>
        %dma_start3A_59 = tpu.memref_slice %arg4[%add3A_18] : memref<327680xi32, #tpu.memory_space<hbm>> -> memref<128xi32, #tpu.memory_space<hbm>>
        %dma_start3A_60 = tpu.memref_slice %arg4[%add3A_18] : memref<327680xi32, #tpu.memory_space<hbm>> -> memref<128xi32, #tpu.memory_space<hbm>>
        tpu.enqueue_dma source(%dma_start3A_60 : memref<128xi32, #tpu.memory_space<hbm>>) target(%arg13 : memref<128xi32, #tpu.memory_space<vmem>>) target_semaphore(%run_scoped3A : memref<!tpu.dma_semaphore, #tpu.memory_space<semaphore_mem>>)
        %dma_wait3A_61 = tpu.memref_slice %arg4[%add3A_18] : memref<327680xi32, #tpu.memory_space<hbm>> -> memref<128xi32, #tpu.memory_space<hbm>>
        %dma_wait3A_62 = tpu.memref_slice %arg4[%add3A_18] : memref<327680xi32, #tpu.memory_space<hbm>> -> memref<128xi32, #tpu.memory_space<hbm>>
        tpu.wait_dma2 semaphore(%run_scoped3A : memref<!tpu.dma_semaphore, #tpu.memory_space<semaphore_mem>>) src(%dma_wait3A_62 : memref<128xi32, #tpu.memory_space<hbm>>) dst(%arg13 : memref<128xi32, #tpu.memory_space<vmem>>)
        tpu.yield
      }) : () -> ()
      %mul3A_19 = arith.constant 128 : i32
      %mul3A_20 = arith.muli %add3A_12, %mul3A_19 : i32
      %add3A_21 = arith.addi %mul3A_2, %mul3A_20 : i32
      "tpu.region"() ({
        %run_scoped3A = tpu.sem_alloc : memref<!tpu.dma_semaphore, #tpu.memory_space<semaphore_mem>>
        %dma_start3A_59 = tpu.memref_slice %arg3[%add3A_21] : memref<327680xi32, #tpu.memory_space<hbm>> -> memref<128xi32, #tpu.memory_space<hbm>>
        %dma_start3A_60 = tpu.memref_slice %arg3[%add3A_21] : memref<327680xi32, #tpu.memory_space<hbm>> -> memref<128xi32, #tpu.memory_space<hbm>>
        tpu.enqueue_dma source(%dma_start3A_60 : memref<128xi32, #tpu.memory_space<hbm>>) target(%arg12 : memref<128xi32, #tpu.memory_space<vmem>>) target_semaphore(%run_scoped3A : memref<!tpu.dma_semaphore, #tpu.memory_space<semaphore_mem>>)
        %dma_wait3A_61 = tpu.memref_slice %arg3[%add3A_21] : memref<327680xi32, #tpu.memory_space<hbm>> -> memref<128xi32, #tpu.memory_space<hbm>>
        %dma_wait3A_62 = tpu.memref_slice %arg3[%add3A_21] : memref<327680xi32, #tpu.memory_space<hbm>> -> memref<128xi32, #tpu.memory_space<hbm>>
        tpu.wait_dma2 semaphore(%run_scoped3A : memref<!tpu.dma_semaphore, #tpu.memory_space<semaphore_mem>>) src(%dma_wait3A_62 : memref<128xi32, #tpu.memory_space<hbm>>) dst(%arg12 : memref<128xi32, #tpu.memory_space<vmem>>)
        tpu.yield
      }) : () -> ()
      %mul3A_22 = arith.constant 128 : i32
      %mul3A_23 = arith.muli %add3A_12, %mul3A_22 : i32
      %add3A_24 = arith.addi %mul3A_2, %mul3A_23 : i32
      "tpu.region"() ({
        %run_scoped3A = tpu.sem_alloc : memref<!tpu.dma_semaphore, #tpu.memory_space<semaphore_mem>>
        %dma_start3A_59 = tpu.memref_slice %arg4[%add3A_24] : memref<327680xi32, #tpu.memory_space<hbm>> -> memref<128xi32, #tpu.memory_space<hbm>>
        %dma_start3A_60 = tpu.memref_slice %arg4[%add3A_24] : memref<327680xi32, #tpu.memory_space<hbm>> -> memref<128xi32, #tpu.memory_space<hbm>>
        tpu.enqueue_dma source(%dma_start3A_60 : memref<128xi32, #tpu.memory_space<hbm>>) target(%arg14 : memref<128xi32, #tpu.memory_space<vmem>>) target_semaphore(%run_scoped3A : memref<!tpu.dma_semaphore, #tpu.memory_space<semaphore_mem>>)
        %dma_wait3A_61 = tpu.memref_slice %arg4[%add3A_24] : memref<327680xi32, #tpu.memory_space<hbm>> -> memref<128xi32, #tpu.memory_space<hbm>>
        %dma_wait3A_62 = tpu.memref_slice %arg4[%add3A_24] : memref<327680xi32, #tpu.memory_space<hbm>> -> memref<128xi32, #tpu.memory_space<hbm>>
        tpu.wait_dma2 semaphore(%run_scoped3A : memref<!tpu.dma_semaphore, #tpu.memory_space<semaphore_mem>>) src(%dma_wait3A_62 : memref<128xi32, #tpu.memory_space<hbm>>) dst(%arg14 : memref<128xi32, #tpu.memory_space<vmem>>)
        tpu.yield
      }) : () -> ()
      %dma_start3A = arith.constant 0 : i32
      %dma_start3A_25 = arith.constant 0 : i32
      %dma_start3A_26 = tpu.memref_slice %arg2[%dma_start3A, %dma_start3A_25] : memref<10240x128xf32, #tpu.memory_space<hbm>> -> memref<10240x128xf32, #tpu.memory_space<hbm>>
      tpu.enqueue_indirect_dma source(%dma_start3A_26 : memref<10240x128xf32, #tpu.memory_space<hbm>>) target(%arg7 : memref<128x128xf32, #tpu.memory_space<vmem>>) offsets(%arg11 : memref<128xi32, #tpu.memory_space<vmem>>) semaphore(%arg15 : memref<!tpu.dma_semaphore, #tpu.memory_space<semaphore_mem>>)
      %dma_start3A_27 = arith.constant 0 : i32
      %dma_start3A_28 = arith.constant 0 : i32
      %dma_start3A_29 = tpu.memref_slice %arg2[%dma_start3A_27, %dma_start3A_28] : memref<10240x128xf32, #tpu.memory_space<hbm>> -> memref<10240x128xf32, #tpu.memory_space<hbm>>
      tpu.enqueue_indirect_dma source(%dma_start3A_29 : memref<10240x128xf32, #tpu.memory_space<hbm>>) target(%arg8 : memref<128x128xf32, #tpu.memory_space<vmem>>) offsets(%arg13 : memref<128xi32, #tpu.memory_space<vmem>>) semaphore(%arg16 : memref<!tpu.dma_semaphore, #tpu.memory_space<semaphore_mem>>)
      %dma_start3A_30 = arith.constant 0 : i32
      %dma_start3A_31 = arith.constant 0 : i32
      %dma_start3A_32 = tpu.memref_slice %arg2[%dma_start3A_30, %dma_start3A_31] : memref<10240x128xf32, #tpu.memory_space<hbm>> -> memref<10240x128xf32, #tpu.memory_space<hbm>>
      tpu.enqueue_indirect_dma source(%dma_start3A_32 : memref<10240x128xf32, #tpu.memory_space<hbm>>) target(%arg9 : memref<128x128xf32, #tpu.memory_space<vmem>>) offsets(%arg12 : memref<128xi32, #tpu.memory_space<vmem>>) semaphore(%arg17 : memref<!tpu.dma_semaphore, #tpu.memory_space<semaphore_mem>>)
      %dma_start3A_33 = arith.constant 0 : i32
      %dma_start3A_34 = arith.constant 0 : i32
      %dma_start3A_35 = tpu.memref_slice %arg2[%dma_start3A_33, %dma_start3A_34] : memref<10240x128xf32, #tpu.memory_space<hbm>> -> memref<10240x128xf32, #tpu.memory_space<hbm>>
      tpu.enqueue_indirect_dma source(%dma_start3A_35 : memref<10240x128xf32, #tpu.memory_space<hbm>>) target(%arg10 : memref<128x128xf32, #tpu.memory_space<vmem>>) offsets(%arg14 : memref<128xi32, #tpu.memory_space<vmem>>) semaphore(%arg18 : memref<!tpu.dma_semaphore, #tpu.memory_space<semaphore_mem>>)
      %dma_wait3A = arith.constant 0 : i32
      %dma_wait3A_36 = arith.constant 0 : i32
      %dma_wait3A_37 = tpu.memref_slice %arg2[%dma_wait3A, %dma_wait3A_36] : memref<10240x128xf32, #tpu.memory_space<hbm>> -> memref<10240x128xf32, #tpu.memory_space<hbm>>
      tpu.wait_indirect_dma semaphore(%arg15 : memref<!tpu.dma_semaphore, #tpu.memory_space<semaphore_mem>>) src(%dma_wait3A_37 : memref<10240x128xf32, #tpu.memory_space<hbm>>) dst(%arg7 : memref<128x128xf32, #tpu.memory_space<vmem>>)
      %dma_wait3A_38 = arith.constant 0 : i32
      %dma_wait3A_39 = arith.constant 0 : i32
      %dma_wait3A_40 = tpu.memref_slice %arg2[%dma_wait3A_38, %dma_wait3A_39] : memref<10240x128xf32, #tpu.memory_space<hbm>> -> memref<10240x128xf32, #tpu.memory_space<hbm>>
      tpu.wait_indirect_dma semaphore(%arg16 : memref<!tpu.dma_semaphore, #tpu.memory_space<semaphore_mem>>) src(%dma_wait3A_40 : memref<10240x128xf32, #tpu.memory_space<hbm>>) dst(%arg8 : memref<128x128xf32, #tpu.memory_space<vmem>>)
      %dma_wait3A_41 = arith.constant 0 : i32
      %dma_wait3A_42 = arith.constant 0 : i32
      %dma_wait3A_43 = tpu.memref_slice %arg2[%dma_wait3A_41, %dma_wait3A_42] : memref<10240x128xf32, #tpu.memory_space<hbm>> -> memref<10240x128xf32, #tpu.memory_space<hbm>>
      tpu.wait_indirect_dma semaphore(%arg17 : memref<!tpu.dma_semaphore, #tpu.memory_space<semaphore_mem>>) src(%dma_wait3A_43 : memref<10240x128xf32, #tpu.memory_space<hbm>>) dst(%arg9 : memref<128x128xf32, #tpu.memory_space<vmem>>)
      %dma_wait3A_44 = arith.constant 0 : i32
      %dma_wait3A_45 = arith.constant 0 : i32
      %dma_wait3A_46 = tpu.memref_slice %arg2[%dma_wait3A_44, %dma_wait3A_45] : memref<10240x128xf32, #tpu.memory_space<hbm>> -> memref<10240x128xf32, #tpu.memory_space<hbm>>
      tpu.wait_indirect_dma semaphore(%arg18 : memref<!tpu.dma_semaphore, #tpu.memory_space<semaphore_mem>>) src(%dma_wait3A_46 : memref<10240x128xf32, #tpu.memory_space<hbm>>) dst(%arg10 : memref<128x128xf32, #tpu.memory_space<vmem>>)
      %mul3A_47 = arith.constant 128 : i32
      %mul3A_48 = arith.muli %mul3A_10, %mul3A_47 : i32
      %add3A_49 = arith.addi %mul3A_2, %mul3A_48 : i32
      "tpu.region"() ({
        %run_scoped3A = tpu.sem_alloc : memref<!tpu.dma_semaphore, #tpu.memory_space<semaphore_mem>>
        %dma_start3A_59 = arith.constant 0 : i32
        %dma_start3A_60 = tpu.memref_slice %arg5[%add3A_49, %dma_start3A_59] : memref<327680x128xf32, #tpu.memory_space<hbm>> -> memref<128x128xf32, #tpu.memory_space<hbm>>
        %dma_start3A_61 = arith.constant 0 : i32
        %dma_start3A_62 = tpu.memref_slice %arg5[%add3A_49, %dma_start3A_61] : memref<327680x128xf32, #tpu.memory_space<hbm>> -> memref<128x128xf32, #tpu.memory_space<hbm>>
        tpu.enqueue_dma source(%arg7 : memref<128x128xf32, #tpu.memory_space<vmem>>) target(%dma_start3A_62 : memref<128x128xf32, #tpu.memory_space<hbm>>) target_semaphore(%run_scoped3A : memref<!tpu.dma_semaphore, #tpu.memory_space<semaphore_mem>>)
        %dma_wait3A_63 = arith.constant 0 : i32
        %dma_wait3A_64 = tpu.memref_slice %arg5[%add3A_49, %dma_wait3A_63] : memref<327680x128xf32, #tpu.memory_space<hbm>> -> memref<128x128xf32, #tpu.memory_space<hbm>>
        %dma_wait3A_65 = arith.constant 0 : i32
        %dma_wait3A_66 = tpu.memref_slice %arg5[%add3A_49, %dma_wait3A_65] : memref<327680x128xf32, #tpu.memory_space<hbm>> -> memref<128x128xf32, #tpu.memory_space<hbm>>
        tpu.wait_dma2 semaphore(%run_scoped3A : memref<!tpu.dma_semaphore, #tpu.memory_space<semaphore_mem>>) src(%arg7 : memref<128x128xf32, #tpu.memory_space<vmem>>) dst(%dma_wait3A_66 : memref<128x128xf32, #tpu.memory_space<hbm>>)
        tpu.yield
      }) : () -> ()
      %mul3A_50 = arith.constant 128 : i32
      %mul3A_51 = arith.muli %mul3A_10, %mul3A_50 : i32
      %add3A_52 = arith.addi %mul3A_2, %mul3A_51 : i32
      "tpu.region"() ({
        %run_scoped3A = tpu.sem_alloc : memref<!tpu.dma_semaphore, #tpu.memory_space<semaphore_mem>>
        %dma_start3A_59 = arith.constant 0 : i32
        %dma_start3A_60 = tpu.memref_slice %arg6[%add3A_52, %dma_start3A_59] : memref<327680x128xf32, #tpu.memory_space<hbm>> -> memref<128x128xf32, #tpu.memory_space<hbm>>
        %dma_start3A_61 = arith.constant 0 : i32
        %dma_start3A_62 = tpu.memref_slice %arg6[%add3A_52, %dma_start3A_61] : memref<327680x128xf32, #tpu.memory_space<hbm>> -> memref<128x128xf32, #tpu.memory_space<hbm>>
        tpu.enqueue_dma source(%arg8 : memref<128x128xf32, #tpu.memory_space<vmem>>) target(%dma_start3A_62 : memref<128x128xf32, #tpu.memory_space<hbm>>) target_semaphore(%run_scoped3A : memref<!tpu.dma_semaphore, #tpu.memory_space<semaphore_mem>>)
        %dma_wait3A_63 = arith.constant 0 : i32
        %dma_wait3A_64 = tpu.memref_slice %arg6[%add3A_52, %dma_wait3A_63] : memref<327680x128xf32, #tpu.memory_space<hbm>> -> memref<128x128xf32, #tpu.memory_space<hbm>>
        %dma_wait3A_65 = arith.constant 0 : i32
        %dma_wait3A_66 = tpu.memref_slice %arg6[%add3A_52, %dma_wait3A_65] : memref<327680x128xf32, #tpu.memory_space<hbm>> -> memref<128x128xf32, #tpu.memory_space<hbm>>
        tpu.wait_dma2 semaphore(%run_scoped3A : memref<!tpu.dma_semaphore, #tpu.memory_space<semaphore_mem>>) src(%arg8 : memref<128x128xf32, #tpu.memory_space<vmem>>) dst(%dma_wait3A_66 : memref<128x128xf32, #tpu.memory_space<hbm>>)
        tpu.yield
      }) : () -> ()
      %mul3A_53 = arith.constant 128 : i32
      %mul3A_54 = arith.muli %add3A_12, %mul3A_53 : i32
      %add3A_55 = arith.addi %mul3A_2, %mul3A_54 : i32
      "tpu.region"() ({
        %run_scoped3A = tpu.sem_alloc : memref<!tpu.dma_semaphore, #tpu.memory_space<semaphore_mem>>
        %dma_start3A_59 = arith.constant 0 : i32
        %dma_start3A_60 = tpu.memref_slice %arg5[%add3A_55, %dma_start3A_59] : memref<327680x128xf32, #tpu.memory_space<hbm>> -> memref<128x128xf32, #tpu.memory_space<hbm>>
        %dma_start3A_61 = arith.constant 0 : i32
        %dma_start3A_62 = tpu.memref_slice %arg5[%add3A_55, %dma_start3A_61] : memref<327680x128xf32, #tpu.memory_space<hbm>> -> memref<128x128xf32, #tpu.memory_space<hbm>>
        tpu.enqueue_dma source(%arg9 : memref<128x128xf32, #tpu.memory_space<vmem>>) target(%dma_start3A_62 : memref<128x128xf32, #tpu.memory_space<hbm>>) target_semaphore(%run_scoped3A : memref<!tpu.dma_semaphore, #tpu.memory_space<semaphore_mem>>)
        %dma_wait3A_63 = arith.constant 0 : i32
        %dma_wait3A_64 = tpu.memref_slice %arg5[%add3A_55, %dma_wait3A_63] : memref<327680x128xf32, #tpu.memory_space<hbm>> -> memref<128x128xf32, #tpu.memory_space<hbm>>
        %dma_wait3A_65 = arith.constant 0 : i32
        %dma_wait3A_66 = tpu.memref_slice %arg5[%add3A_55, %dma_wait3A_65] : memref<327680x128xf32, #tpu.memory_space<hbm>> -> memref<128x128xf32, #tpu.memory_space<hbm>>
        tpu.wait_dma2 semaphore(%run_scoped3A : memref<!tpu.dma_semaphore, #tpu.memory_space<semaphore_mem>>) src(%arg9 : memref<128x128xf32, #tpu.memory_space<vmem>>) dst(%dma_wait3A_66 : memref<128x128xf32, #tpu.memory_space<hbm>>)
        tpu.yield
      }) : () -> ()
      %mul3A_56 = arith.constant 128 : i32
      %mul3A_57 = arith.muli %add3A_12, %mul3A_56 : i32
      %add3A_58 = arith.addi %mul3A_2, %mul3A_57 : i32
      "tpu.region"() ({
        %run_scoped3A = tpu.sem_alloc : memref<!tpu.dma_semaphore, #tpu.memory_space<semaphore_mem>>
        %dma_start3A_59 = arith.constant 0 : i32
        %dma_start3A_60 = tpu.memref_slice %arg6[%add3A_58, %dma_start3A_59] : memref<327680x128xf32, #tpu.memory_space<hbm>> -> memref<128x128xf32, #tpu.memory_space<hbm>>
        %dma_start3A_61 = arith.constant 0 : i32
        %dma_start3A_62 = tpu.memref_slice %arg6[%add3A_58, %dma_start3A_61] : memref<327680x128xf32, #tpu.memory_space<hbm>> -> memref<128x128xf32, #tpu.memory_space<hbm>>
        tpu.enqueue_dma source(%arg10 : memref<128x128xf32, #tpu.memory_space<vmem>>) target(%dma_start3A_62 : memref<128x128xf32, #tpu.memory_space<hbm>>) target_semaphore(%run_scoped3A : memref<!tpu.dma_semaphore, #tpu.memory_space<semaphore_mem>>)
        %dma_wait3A_63 = arith.constant 0 : i32
        %dma_wait3A_64 = tpu.memref_slice %arg6[%add3A_58, %dma_wait3A_63] : memref<327680x128xf32, #tpu.memory_space<hbm>> -> memref<128x128xf32, #tpu.memory_space<hbm>>
        %dma_wait3A_65 = arith.constant 0 : i32
        %dma_wait3A_66 = tpu.memref_slice %arg6[%add3A_58, %dma_wait3A_65] : memref<327680x128xf32, #tpu.memory_space<hbm>> -> memref<128x128xf32, #tpu.memory_space<hbm>>
        tpu.wait_dma2 semaphore(%run_scoped3A : memref<!tpu.dma_semaphore, #tpu.memory_space<semaphore_mem>>) src(%arg10 : memref<128x128xf32, #tpu.memory_space<vmem>>) dst(%dma_wait3A_66 : memref<128x128xf32, #tpu.memory_space<hbm>>)
        tpu.yield
      }) : () -> ()
    }
    %scan3A_7 = arith.constant 40 : i32
    return
  }
}

#map = affine_map<(d0, d1) -> (0, 0)>
#map1 = affine_map<(d0, d1) -> (0)>
#map2 = affine_map<(d0, d1) -> (0, 0, 0)>
module attributes {stable_mosaic.version = 14 : i64} {
  func.func @scatter_add(%arg0: i32, %arg1: i32, %arg2: memref<327680x128xf32, #tpu.memory_space<hbm>>, %arg3: memref<327680xi32, #tpu.memory_space<hbm>>, %arg4: memref<10240x128xf32, #tpu.memory_space<hbm>>, %arg5: memref<2x10240x128xf32, #tpu.memory_space<hbm>>, %arg6: memref<128x128xf32, #tpu.memory_space<vmem>>, %arg7: memref<128x128xf32, #tpu.memory_space<vmem>>, %arg8: memref<128xi32, #tpu.memory_space<vmem>>, %arg9: memref<128xi32, #tpu.memory_space<vmem>>, %arg10: memref<10240x128xf32, #tpu.memory_space<vmem_shared>>, %arg11: memref<!tpu.dma_semaphore, #tpu.memory_space<semaphore_mem>>, %arg12: memref<!tpu.dma_semaphore, #tpu.memory_space<semaphore_mem>>) attributes {dimension_semantics = [#tpu.dimension_semantics<core_parallel>, #tpu.dimension_semantics<subcore_parallel>], iteration_bounds = array<i64: 2, 16>, scalar_prefetch = 0 : i64, scratch_operands = 7 : i64, tpu.core_type = #tpu.core_type<sc_vector_subcore>, window_params = [{transform_indices = #map}, {transform_indices = #map1}, {transform_indices = #map}, {transform_indices = #map2}]} {
    %mul3A = arith.constant 16 : i32
    %mul3A_0 = arith.muli %arg0, %mul3A : i32
    %add3A = arith.addi %mul3A_0, %arg1 : i32
    %mul3A_1 = arith.constant 10240 : i32
    %mul3A_2 = arith.muli %add3A, %mul3A_1 : i32
    %mul3A_3 = arith.constant 640 : i32
    %mul3A_4 = arith.muli %arg1, %mul3A_3 : i32
    %mul3A_5 = arith.constant 640 : i32
    %mul3A_6 = arith.muli %arg1, %mul3A_5 : i32
    "tpu.region"() ({
      %run_scoped3A = tpu.sem_alloc : memref<!tpu.dma_semaphore, #tpu.memory_space<semaphore_mem>>
      %dma_start3A = arith.constant 0 : i32
      %dma_start3A_17 = tpu.memref_slice %arg10[%mul3A_6, %dma_start3A] : memref<10240x128xf32, #tpu.memory_space<vmem_shared>> -> memref<640x128xf32, #tpu.memory_space<vmem_shared>>
      %dma_start3A_18 = arith.constant 0 : i32
      %dma_start3A_19 = tpu.memref_slice %arg4[%mul3A_4, %dma_start3A_18] : memref<10240x128xf32, #tpu.memory_space<hbm>> -> memref<640x128xf32, #tpu.memory_space<hbm>>
      tpu.enqueue_dma source(%dma_start3A_19 : memref<640x128xf32, #tpu.memory_space<hbm>>) target(%dma_start3A_17 : memref<640x128xf32, #tpu.memory_space<vmem_shared>>) target_semaphore(%run_scoped3A : memref<!tpu.dma_semaphore, #tpu.memory_space<semaphore_mem>>)
      %dma_wait3A = arith.constant 0 : i32
      %dma_wait3A_20 = tpu.memref_slice %arg10[%mul3A_6, %dma_wait3A] : memref<10240x128xf32, #tpu.memory_space<vmem_shared>> -> memref<640x128xf32, #tpu.memory_space<vmem_shared>>
      %dma_wait3A_21 = arith.constant 0 : i32
      %dma_wait3A_22 = tpu.memref_slice %arg4[%mul3A_4, %dma_wait3A_21] : memref<10240x128xf32, #tpu.memory_space<hbm>> -> memref<640x128xf32, #tpu.memory_space<hbm>>
      tpu.wait_dma2 semaphore(%run_scoped3A : memref<!tpu.dma_semaphore, #tpu.memory_space<semaphore_mem>>) src(%dma_wait3A_22 : memref<640x128xf32, #tpu.memory_space<hbm>>) dst(%dma_wait3A_20 : memref<640x128xf32, #tpu.memory_space<vmem_shared>>)
      tpu.yield
    }) : () -> ()
    %barrier3A = arith.constant 0 : index
    tpu.barrier barrier_id(%barrier3A)
    %scan3A = arith.constant 0 : i32
    %scan3A_7 = arith.constant 0 : i32
    %scan3A_8 = arith.constant 40 : i32
    %scan3A_9 = arith.addi %scan3A_7, %scan3A_8 : i32
    %scan3A_10 = arith.constant 1 : i32
    scf.for %scan3A_17 = %scan3A_7 to %scan3A_9 step %scan3A_10  : i32 {
      %mul3A_18 = arith.constant 2 : i32
      %mul3A_19 = arith.muli %mul3A_18, %scan3A_17 : i32
      %add3A_20 = arith.constant 1 : i32
      %add3A_21 = arith.addi %mul3A_19, %add3A_20 : i32
      %mul3A_22 = arith.constant 128 : i32
      %mul3A_23 = arith.muli %mul3A_19, %mul3A_22 : i32
      %add3A_24 = arith.addi %mul3A_2, %mul3A_23 : i32
      %dma_start3A = arith.constant 0 : i32
      %dma_start3A_25 = tpu.memref_slice %arg2[%add3A_24, %dma_start3A] : memref<327680x128xf32, #tpu.memory_space<hbm>> -> memref<128x128xf32, #tpu.memory_space<hbm>>
      %dma_start3A_26 = arith.constant 0 : i32
      %dma_start3A_27 = tpu.memref_slice %arg2[%add3A_24, %dma_start3A_26] : memref<327680x128xf32, #tpu.memory_space<hbm>> -> memref<128x128xf32, #tpu.memory_space<hbm>>
      tpu.enqueue_dma source(%dma_start3A_27 : memref<128x128xf32, #tpu.memory_space<hbm>>) target(%arg6 : memref<128x128xf32, #tpu.memory_space<vmem>>) target_semaphore(%arg11 : memref<!tpu.dma_semaphore, #tpu.memory_space<semaphore_mem>>)
      %mul3A_28 = arith.constant 128 : i32
      %mul3A_29 = arith.muli %add3A_21, %mul3A_28 : i32
      %add3A_30 = arith.addi %mul3A_2, %mul3A_29 : i32
      %dma_start3A_31 = arith.constant 0 : i32
      %dma_start3A_32 = tpu.memref_slice %arg2[%add3A_30, %dma_start3A_31] : memref<327680x128xf32, #tpu.memory_space<hbm>> -> memref<128x128xf32, #tpu.memory_space<hbm>>
      %dma_start3A_33 = arith.constant 0 : i32
      %dma_start3A_34 = tpu.memref_slice %arg2[%add3A_30, %dma_start3A_33] : memref<327680x128xf32, #tpu.memory_space<hbm>> -> memref<128x128xf32, #tpu.memory_space<hbm>>
      tpu.enqueue_dma source(%dma_start3A_34 : memref<128x128xf32, #tpu.memory_space<hbm>>) target(%arg7 : memref<128x128xf32, #tpu.memory_space<vmem>>) target_semaphore(%arg12 : memref<!tpu.dma_semaphore, #tpu.memory_space<semaphore_mem>>)
      %mul3A_35 = arith.constant 128 : i32
      %mul3A_36 = arith.muli %mul3A_19, %mul3A_35 : i32
      %add3A_37 = arith.addi %mul3A_2, %mul3A_36 : i32
      "tpu.region"() ({
        %run_scoped3A = tpu.sem_alloc : memref<!tpu.dma_semaphore, #tpu.memory_space<semaphore_mem>>
        %dma_start3A_48 = tpu.memref_slice %arg3[%add3A_37] : memref<327680xi32, #tpu.memory_space<hbm>> -> memref<128xi32, #tpu.memory_space<hbm>>
        %dma_start3A_49 = tpu.memref_slice %arg3[%add3A_37] : memref<327680xi32, #tpu.memory_space<hbm>> -> memref<128xi32, #tpu.memory_space<hbm>>
        tpu.enqueue_dma source(%dma_start3A_49 : memref<128xi32, #tpu.memory_space<hbm>>) target(%arg8 : memref<128xi32, #tpu.memory_space<vmem>>) target_semaphore(%run_scoped3A : memref<!tpu.dma_semaphore, #tpu.memory_space<semaphore_mem>>)
        %dma_wait3A_50 = tpu.memref_slice %arg3[%add3A_37] : memref<327680xi32, #tpu.memory_space<hbm>> -> memref<128xi32, #tpu.memory_space<hbm>>
        %dma_wait3A_51 = tpu.memref_slice %arg3[%add3A_37] : memref<327680xi32, #tpu.memory_space<hbm>> -> memref<128xi32, #tpu.memory_space<hbm>>
        tpu.wait_dma2 semaphore(%run_scoped3A : memref<!tpu.dma_semaphore, #tpu.memory_space<semaphore_mem>>) src(%dma_wait3A_51 : memref<128xi32, #tpu.memory_space<hbm>>) dst(%arg8 : memref<128xi32, #tpu.memory_space<vmem>>)
        tpu.yield
      }) : () -> ()
      %mul3A_38 = arith.constant 128 : i32
      %mul3A_39 = arith.muli %add3A_21, %mul3A_38 : i32
      %add3A_40 = arith.addi %mul3A_2, %mul3A_39 : i32
      "tpu.region"() ({
        %run_scoped3A = tpu.sem_alloc : memref<!tpu.dma_semaphore, #tpu.memory_space<semaphore_mem>>
        %dma_start3A_48 = tpu.memref_slice %arg3[%add3A_40] : memref<327680xi32, #tpu.memory_space<hbm>> -> memref<128xi32, #tpu.memory_space<hbm>>
        %dma_start3A_49 = tpu.memref_slice %arg3[%add3A_40] : memref<327680xi32, #tpu.memory_space<hbm>> -> memref<128xi32, #tpu.memory_space<hbm>>
        tpu.enqueue_dma source(%dma_start3A_49 : memref<128xi32, #tpu.memory_space<hbm>>) target(%arg9 : memref<128xi32, #tpu.memory_space<vmem>>) target_semaphore(%run_scoped3A : memref<!tpu.dma_semaphore, #tpu.memory_space<semaphore_mem>>)
        %dma_wait3A_50 = tpu.memref_slice %arg3[%add3A_40] : memref<327680xi32, #tpu.memory_space<hbm>> -> memref<128xi32, #tpu.memory_space<hbm>>
        %dma_wait3A_51 = tpu.memref_slice %arg3[%add3A_40] : memref<327680xi32, #tpu.memory_space<hbm>> -> memref<128xi32, #tpu.memory_space<hbm>>
        tpu.wait_dma2 semaphore(%run_scoped3A : memref<!tpu.dma_semaphore, #tpu.memory_space<semaphore_mem>>) src(%dma_wait3A_51 : memref<128xi32, #tpu.memory_space<hbm>>) dst(%arg9 : memref<128xi32, #tpu.memory_space<vmem>>)
        tpu.yield
      }) : () -> ()
      %dma_wait3A = arith.constant 0 : i32
      %dma_wait3A_41 = tpu.memref_slice %arg2[%add3A_24, %dma_wait3A] : memref<327680x128xf32, #tpu.memory_space<hbm>> -> memref<128x128xf32, #tpu.memory_space<hbm>>
      %dma_wait3A_42 = arith.constant 0 : i32
      %dma_wait3A_43 = tpu.memref_slice %arg2[%add3A_24, %dma_wait3A_42] : memref<327680x128xf32, #tpu.memory_space<hbm>> -> memref<128x128xf32, #tpu.memory_space<hbm>>
      tpu.wait_dma2 semaphore(%arg11 : memref<!tpu.dma_semaphore, #tpu.memory_space<semaphore_mem>>) src(%dma_wait3A_43 : memref<128x128xf32, #tpu.memory_space<hbm>>) dst(%arg6 : memref<128x128xf32, #tpu.memory_space<vmem>>)
      %dma_wait3A_44 = arith.constant 0 : i32
      %dma_wait3A_45 = tpu.memref_slice %arg2[%add3A_30, %dma_wait3A_44] : memref<327680x128xf32, #tpu.memory_space<hbm>> -> memref<128x128xf32, #tpu.memory_space<hbm>>
      %dma_wait3A_46 = arith.constant 0 : i32
      %dma_wait3A_47 = tpu.memref_slice %arg2[%add3A_30, %dma_wait3A_46] : memref<327680x128xf32, #tpu.memory_space<hbm>> -> memref<128x128xf32, #tpu.memory_space<hbm>>
      tpu.wait_dma2 semaphore(%arg12 : memref<!tpu.dma_semaphore, #tpu.memory_space<semaphore_mem>>) src(%dma_wait3A_47 : memref<128x128xf32, #tpu.memory_space<hbm>>) dst(%arg7 : memref<128x128xf32, #tpu.memory_space<vmem>>)
      "tpu.region"() ({
        %run_scoped3A = tpu.sem_alloc : memref<!tpu.dma_semaphore, #tpu.memory_space<semaphore_mem>>
        %dma_start3A_48 = arith.constant 0 : i32
        %dma_start3A_49 = arith.constant 0 : i32
        %dma_start3A_50 = tpu.memref_slice %arg10[%dma_start3A_48, %dma_start3A_49] : memref<10240x128xf32, #tpu.memory_space<vmem_shared>> -> memref<10240x128xf32, #tpu.memory_space<vmem_shared>>
        tpu.enqueue_indirect_dma source(%arg6 : memref<128x128xf32, #tpu.memory_space<vmem>>) target(%dma_start3A_50 : memref<10240x128xf32, #tpu.memory_space<vmem_shared>>) offsets(%arg8 : memref<128xi32, #tpu.memory_space<vmem>>) semaphore(%run_scoped3A : memref<!tpu.dma_semaphore, #tpu.memory_space<semaphore_mem>>) {add = true}
        %dma_wait3A_51 = arith.constant 0 : i32
        %dma_wait3A_52 = arith.constant 0 : i32
        %dma_wait3A_53 = tpu.memref_slice %arg10[%dma_wait3A_51, %dma_wait3A_52] : memref<10240x128xf32, #tpu.memory_space<vmem_shared>> -> memref<10240x128xf32, #tpu.memory_space<vmem_shared>>
        tpu.wait_indirect_dma semaphore(%run_scoped3A : memref<!tpu.dma_semaphore, #tpu.memory_space<semaphore_mem>>) src(%arg6 : memref<128x128xf32, #tpu.memory_space<vmem>>) dst(%dma_wait3A_53 : memref<10240x128xf32, #tpu.memory_space<vmem_shared>>)
        tpu.yield
      }) : () -> ()
      "tpu.region"() ({
        %run_scoped3A = tpu.sem_alloc : memref<!tpu.dma_semaphore, #tpu.memory_space<semaphore_mem>>
        %dma_start3A_48 = arith.constant 0 : i32
        %dma_start3A_49 = arith.constant 0 : i32
        %dma_start3A_50 = tpu.memref_slice %arg10[%dma_start3A_48, %dma_start3A_49] : memref<10240x128xf32, #tpu.memory_space<vmem_shared>> -> memref<10240x128xf32, #tpu.memory_space<vmem_shared>>
        tpu.enqueue_indirect_dma source(%arg7 : memref<128x128xf32, #tpu.memory_space<vmem>>) target(%dma_start3A_50 : memref<10240x128xf32, #tpu.memory_space<vmem_shared>>) offsets(%arg9 : memref<128xi32, #tpu.memory_space<vmem>>) semaphore(%run_scoped3A : memref<!tpu.dma_semaphore, #tpu.memory_space<semaphore_mem>>) {add = true}
        %dma_wait3A_51 = arith.constant 0 : i32
        %dma_wait3A_52 = arith.constant 0 : i32
        %dma_wait3A_53 = tpu.memref_slice %arg10[%dma_wait3A_51, %dma_wait3A_52] : memref<10240x128xf32, #tpu.memory_space<vmem_shared>> -> memref<10240x128xf32, #tpu.memory_space<vmem_shared>>
        tpu.wait_indirect_dma semaphore(%run_scoped3A : memref<!tpu.dma_semaphore, #tpu.memory_space<semaphore_mem>>) src(%arg7 : memref<128x128xf32, #tpu.memory_space<vmem>>) dst(%dma_wait3A_53 : memref<10240x128xf32, #tpu.memory_space<vmem_shared>>)
        tpu.yield
      }) : () -> ()
    }
    %scan3A_11 = arith.constant 40 : i32
    %barrier3A_12 = arith.constant 0 : index
    tpu.barrier barrier_id(%barrier3A_12)
    %mul3A_13 = arith.constant 640 : i32
    %mul3A_14 = arith.muli %arg1, %mul3A_13 : i32
    %mul3A_15 = arith.constant 640 : i32
    %mul3A_16 = arith.muli %arg1, %mul3A_15 : i32
    "tpu.region"() ({
      %run_scoped3A = tpu.sem_alloc : memref<!tpu.dma_semaphore, #tpu.memory_space<semaphore_mem>>
      %dma_start3A = arith.constant 0 : i32
      %dma_start3A_17 = tpu.memref_slice %arg5[%arg0, %mul3A_16, %dma_start3A] : memref<2x10240x128xf32, #tpu.memory_space<hbm>> -> memref<1x640x128xf32, #tpu.memory_space<hbm>>
      %dma_start3A_18 = tpu.memref_squeeze %dma_start3A_17 : memref<1x640x128xf32, #tpu.memory_space<hbm>> -> memref<640x128xf32, #tpu.memory_space<hbm>>
      %dma_start3A_19 = arith.constant 0 : i32
      %dma_start3A_20 = tpu.memref_slice %arg10[%mul3A_14, %dma_start3A_19] : memref<10240x128xf32, #tpu.memory_space<vmem_shared>> -> memref<640x128xf32, #tpu.memory_space<vmem_shared>>
      tpu.enqueue_dma source(%dma_start3A_20 : memref<640x128xf32, #tpu.memory_space<vmem_shared>>) target(%dma_start3A_18 : memref<640x128xf32, #tpu.memory_space<hbm>>) target_semaphore(%run_scoped3A : memref<!tpu.dma_semaphore, #tpu.memory_space<semaphore_mem>>)
      %dma_wait3A = arith.constant 0 : i32
      %dma_wait3A_21 = tpu.memref_slice %arg5[%arg0, %mul3A_16, %dma_wait3A] : memref<2x10240x128xf32, #tpu.memory_space<hbm>> -> memref<1x640x128xf32, #tpu.memory_space<hbm>>
      %dma_wait3A_22 = tpu.memref_squeeze %dma_wait3A_21 : memref<1x640x128xf32, #tpu.memory_space<hbm>> -> memref<640x128xf32, #tpu.memory_space<hbm>>
      %dma_wait3A_23 = arith.constant 0 : i32
      %dma_wait3A_24 = tpu.memref_slice %arg10[%mul3A_14, %dma_wait3A_23] : memref<10240x128xf32, #tpu.memory_space<vmem_shared>> -> memref<640x128xf32, #tpu.memory_space<vmem_shared>>
      tpu.wait_dma2 semaphore(%run_scoped3A : memref<!tpu.dma_semaphore, #tpu.memory_space<semaphore_mem>>) src(%dma_wait3A_24 : memref<640x128xf32, #tpu.memory_space<vmem_shared>>) dst(%dma_wait3A_22 : memref<640x128xf32, #tpu.memory_space<hbm>>)
      tpu.yield
    }) : () -> ()
    return
  }
}

#map = affine_map<(d0, d1) -> (0, 0)>
#map1 = affine_map<(d0, d1) -> (0)>
module attributes {stable_mosaic.version = 14 : i64} {
  func.func @gather2(%arg0: i32, %arg1: i32, %arg2: memref<10240x128xf32, #tpu.memory_space<hbm>>, %arg3: memref<327680xi32, #tpu.memory_space<hbm>>, %arg4: memref<327680xi32, #tpu.memory_space<hbm>>, %arg5: memref<327680x128xf32, #tpu.memory_space<hbm>>, %arg6: memref<327680x128xf32, #tpu.memory_space<hbm>>, %arg7: memref<128x128xf32, #tpu.memory_space<vmem>>, %arg8: memref<128x128xf32, #tpu.memory_space<vmem>>, %arg9: memref<128x128xf32, #tpu.memory_space<vmem>>, %arg10: memref<128x128xf32, #tpu.memory_space<vmem>>, %arg11: memref<128xi32, #tpu.memory_space<vmem>>, %arg12: memref<128xi32, #tpu.memory_space<vmem>>, %arg13: memref<128xi32, #tpu.memory_space<vmem>>, %arg14: memref<128xi32, #tpu.memory_space<vmem>>, %arg15: memref<!tpu.dma_semaphore, #tpu.memory_space<semaphore_mem>>, %arg16: memref<!tpu.dma_semaphore, #tpu.memory_space<semaphore_mem>>, %arg17: memref<!tpu.dma_semaphore, #tpu.memory_space<semaphore_mem>>, %arg18: memref<!tpu.dma_semaphore, #tpu.memory_space<semaphore_mem>>) attributes {dimension_semantics = [#tpu.dimension_semantics<core_parallel>, #tpu.dimension_semantics<subcore_parallel>], iteration_bounds = array<i64: 2, 16>, scalar_prefetch = 0 : i64, scratch_operands = 12 : i64, tpu.core_type = #tpu.core_type<sc_vector_subcore>, window_params = [{transform_indices = #map}, {transform_indices = #map1}, {transform_indices = #map1}, {transform_indices = #map}, {transform_indices = #map}]} {
    %mul3A = arith.constant 2 : i32
    %mul3A_0 = arith.muli %arg1, %mul3A : i32
    %add3A = arith.addi %mul3A_0, %arg0 : i32
    %mul3A_1 = arith.constant 10240 : i32
    %mul3A_2 = arith.muli %add3A, %mul3A_1 : i32
    %scan3A = arith.constant 0 : i32
    %scan3A_3 = arith.constant 0 : i32
    %scan3A_4 = arith.constant 40 : i32
    %scan3A_5 = arith.addi %scan3A_3, %scan3A_4 : i32
    %scan3A_6 = arith.constant 1 : i32
    scf.for %scan3A_8 = %scan3A_3 to %scan3A_5 step %scan3A_6  : i32 {
      %mul3A_9 = arith.constant 2 : i32
      %mul3A_10 = arith.muli %mul3A_9, %scan3A_8 : i32
      %add3A_11 = arith.constant 1 : i32
      %add3A_12 = arith.addi %mul3A_10, %add3A_11 : i32
      %mul3A_13 = arith.constant 128 : i32
      %mul3A_14 = arith.muli %mul3A_10, %mul3A_13 : i32
      %add3A_15 = arith.addi %mul3A_2, %mul3A_14 : i32
      "tpu.region"() ({
        %run_scoped3A = tpu.sem_alloc : memref<!tpu.dma_semaphore, #tpu.memory_space<semaphore_mem>>
        %dma_start3A_59 = tpu.memref_slice %arg3[%add3A_15] : memref<327680xi32, #tpu.memory_space<hbm>> -> memref<128xi32, #tpu.memory_space<hbm>>
        %dma_start3A_60 = tpu.memref_slice %arg3[%add3A_15] : memref<327680xi32, #tpu.memory_space<hbm>> -> memref<128xi32, #tpu.memory_space<hbm>>
        tpu.enqueue_dma source(%dma_start3A_60 : memref<128xi32, #tpu.memory_space<hbm>>) target(%arg11 : memref<128xi32, #tpu.memory_space<vmem>>) target_semaphore(%run_scoped3A : memref<!tpu.dma_semaphore, #tpu.memory_space<semaphore_mem>>)
        %dma_wait3A_61 = tpu.memref_slice %arg3[%add3A_15] : memref<327680xi32, #tpu.memory_space<hbm>> -> memref<128xi32, #tpu.memory_space<hbm>>
        %dma_wait3A_62 = tpu.memref_slice %arg3[%add3A_15] : memref<327680xi32, #tpu.memory_space<hbm>> -> memref<128xi32, #tpu.memory_space<hbm>>
        tpu.wait_dma2 semaphore(%run_scoped3A : memref<!tpu.dma_semaphore, #tpu.memory_space<semaphore_mem>>) src(%dma_wait3A_62 : memref<128xi32, #tpu.memory_space<hbm>>) dst(%arg11 : memref<128xi32, #tpu.memory_space<vmem>>)
        tpu.yield
      }) : () -> ()
      %mul3A_16 = arith.constant 128 : i32
      %mul3A_17 = arith.muli %mul3A_10, %mul3A_16 : i32
      %add3A_18 = arith.addi %mul3A_2, %mul3A_17 : i32
      "tpu.region"() ({
        %run_scoped3A = tpu.sem_alloc : memref<!tpu.dma_semaphore, #tpu.memory_space<semaphore_mem>>
        %dma_start3A_59 = tpu.memref_slice %arg4[%add3A_18] : memref<327680xi32, #tpu.memory_space<hbm>> -> memref<128xi32, #tpu.memory_space<hbm>>
        %dma_start3A_60 = tpu.memref_slice %arg4[%add3A_18] : memref<327680xi32, #tpu.memory_space<hbm>> -> memref<128xi32, #tpu.memory_space<hbm>>
        tpu.enqueue_dma source(%dma_start3A_60 : memref<128xi32, #tpu.memory_space<hbm>>) target(%arg13 : memref<128xi32, #tpu.memory_space<vmem>>) target_semaphore(%run_scoped3A : memref<!tpu.dma_semaphore, #tpu.memory_space<semaphore_mem>>)
        %dma_wait3A_61 = tpu.memref_slice %arg4[%add3A_18] : memref<327680xi32, #tpu.memory_space<hbm>> -> memref<128xi32, #tpu.memory_space<hbm>>
        %dma_wait3A_62 = tpu.memref_slice %arg4[%add3A_18] : memref<327680xi32, #tpu.memory_space<hbm>> -> memref<128xi32, #tpu.memory_space<hbm>>
        tpu.wait_dma2 semaphore(%run_scoped3A : memref<!tpu.dma_semaphore, #tpu.memory_space<semaphore_mem>>) src(%dma_wait3A_62 : memref<128xi32, #tpu.memory_space<hbm>>) dst(%arg13 : memref<128xi32, #tpu.memory_space<vmem>>)
        tpu.yield
      }) : () -> ()
      %mul3A_19 = arith.constant 128 : i32
      %mul3A_20 = arith.muli %add3A_12, %mul3A_19 : i32
      %add3A_21 = arith.addi %mul3A_2, %mul3A_20 : i32
      "tpu.region"() ({
        %run_scoped3A = tpu.sem_alloc : memref<!tpu.dma_semaphore, #tpu.memory_space<semaphore_mem>>
        %dma_start3A_59 = tpu.memref_slice %arg3[%add3A_21] : memref<327680xi32, #tpu.memory_space<hbm>> -> memref<128xi32, #tpu.memory_space<hbm>>
        %dma_start3A_60 = tpu.memref_slice %arg3[%add3A_21] : memref<327680xi32, #tpu.memory_space<hbm>> -> memref<128xi32, #tpu.memory_space<hbm>>
        tpu.enqueue_dma source(%dma_start3A_60 : memref<128xi32, #tpu.memory_space<hbm>>) target(%arg12 : memref<128xi32, #tpu.memory_space<vmem>>) target_semaphore(%run_scoped3A : memref<!tpu.dma_semaphore, #tpu.memory_space<semaphore_mem>>)
        %dma_wait3A_61 = tpu.memref_slice %arg3[%add3A_21] : memref<327680xi32, #tpu.memory_space<hbm>> -> memref<128xi32, #tpu.memory_space<hbm>>
        %dma_wait3A_62 = tpu.memref_slice %arg3[%add3A_21] : memref<327680xi32, #tpu.memory_space<hbm>> -> memref<128xi32, #tpu.memory_space<hbm>>
        tpu.wait_dma2 semaphore(%run_scoped3A : memref<!tpu.dma_semaphore, #tpu.memory_space<semaphore_mem>>) src(%dma_wait3A_62 : memref<128xi32, #tpu.memory_space<hbm>>) dst(%arg12 : memref<128xi32, #tpu.memory_space<vmem>>)
        tpu.yield
      }) : () -> ()
      %mul3A_22 = arith.constant 128 : i32
      %mul3A_23 = arith.muli %add3A_12, %mul3A_22 : i32
      %add3A_24 = arith.addi %mul3A_2, %mul3A_23 : i32
      "tpu.region"() ({
        %run_scoped3A = tpu.sem_alloc : memref<!tpu.dma_semaphore, #tpu.memory_space<semaphore_mem>>
        %dma_start3A_59 = tpu.memref_slice %arg4[%add3A_24] : memref<327680xi32, #tpu.memory_space<hbm>> -> memref<128xi32, #tpu.memory_space<hbm>>
        %dma_start3A_60 = tpu.memref_slice %arg4[%add3A_24] : memref<327680xi32, #tpu.memory_space<hbm>> -> memref<128xi32, #tpu.memory_space<hbm>>
        tpu.enqueue_dma source(%dma_start3A_60 : memref<128xi32, #tpu.memory_space<hbm>>) target(%arg14 : memref<128xi32, #tpu.memory_space<vmem>>) target_semaphore(%run_scoped3A : memref<!tpu.dma_semaphore, #tpu.memory_space<semaphore_mem>>)
        %dma_wait3A_61 = tpu.memref_slice %arg4[%add3A_24] : memref<327680xi32, #tpu.memory_space<hbm>> -> memref<128xi32, #tpu.memory_space<hbm>>
        %dma_wait3A_62 = tpu.memref_slice %arg4[%add3A_24] : memref<327680xi32, #tpu.memory_space<hbm>> -> memref<128xi32, #tpu.memory_space<hbm>>
        tpu.wait_dma2 semaphore(%run_scoped3A : memref<!tpu.dma_semaphore, #tpu.memory_space<semaphore_mem>>) src(%dma_wait3A_62 : memref<128xi32, #tpu.memory_space<hbm>>) dst(%arg14 : memref<128xi32, #tpu.memory_space<vmem>>)
        tpu.yield
      }) : () -> ()
      %dma_start3A = arith.constant 0 : i32
      %dma_start3A_25 = arith.constant 0 : i32
      %dma_start3A_26 = tpu.memref_slice %arg2[%dma_start3A, %dma_start3A_25] : memref<10240x128xf32, #tpu.memory_space<hbm>> -> memref<10240x128xf32, #tpu.memory_space<hbm>>
      tpu.enqueue_indirect_dma source(%dma_start3A_26 : memref<10240x128xf32, #tpu.memory_space<hbm>>) target(%arg7 : memref<128x128xf32, #tpu.memory_space<vmem>>) offsets(%arg11 : memref<128xi32, #tpu.memory_space<vmem>>) semaphore(%arg15 : memref<!tpu.dma_semaphore, #tpu.memory_space<semaphore_mem>>)
      %dma_start3A_27 = arith.constant 0 : i32
      %dma_start3A_28 = arith.constant 0 : i32
      %dma_start3A_29 = tpu.memref_slice %arg2[%dma_start3A_27, %dma_start3A_28] : memref<10240x128xf32, #tpu.memory_space<hbm>> -> memref<10240x128xf32, #tpu.memory_space<hbm>>
      tpu.enqueue_indirect_dma source(%dma_start3A_29 : memref<10240x128xf32, #tpu.memory_space<hbm>>) target(%arg8 : memref<128x128xf32, #tpu.memory_space<vmem>>) offsets(%arg13 : memref<128xi32, #tpu.memory_space<vmem>>) semaphore(%arg16 : memref<!tpu.dma_semaphore, #tpu.memory_space<semaphore_mem>>)
      %dma_start3A_30 = arith.constant 0 : i32
      %dma_start3A_31 = arith.constant 0 : i32
      %dma_start3A_32 = tpu.memref_slice %arg2[%dma_start3A_30, %dma_start3A_31] : memref<10240x128xf32, #tpu.memory_space<hbm>> -> memref<10240x128xf32, #tpu.memory_space<hbm>>
      tpu.enqueue_indirect_dma source(%dma_start3A_32 : memref<10240x128xf32, #tpu.memory_space<hbm>>) target(%arg9 : memref<128x128xf32, #tpu.memory_space<vmem>>) offsets(%arg12 : memref<128xi32, #tpu.memory_space<vmem>>) semaphore(%arg17 : memref<!tpu.dma_semaphore, #tpu.memory_space<semaphore_mem>>)
      %dma_start3A_33 = arith.constant 0 : i32
      %dma_start3A_34 = arith.constant 0 : i32
      %dma_start3A_35 = tpu.memref_slice %arg2[%dma_start3A_33, %dma_start3A_34] : memref<10240x128xf32, #tpu.memory_space<hbm>> -> memref<10240x128xf32, #tpu.memory_space<hbm>>
      tpu.enqueue_indirect_dma source(%dma_start3A_35 : memref<10240x128xf32, #tpu.memory_space<hbm>>) target(%arg10 : memref<128x128xf32, #tpu.memory_space<vmem>>) offsets(%arg14 : memref<128xi32, #tpu.memory_space<vmem>>) semaphore(%arg18 : memref<!tpu.dma_semaphore, #tpu.memory_space<semaphore_mem>>)
      %dma_wait3A = arith.constant 0 : i32
      %dma_wait3A_36 = arith.constant 0 : i32
      %dma_wait3A_37 = tpu.memref_slice %arg2[%dma_wait3A, %dma_wait3A_36] : memref<10240x128xf32, #tpu.memory_space<hbm>> -> memref<10240x128xf32, #tpu.memory_space<hbm>>
      tpu.wait_indirect_dma semaphore(%arg15 : memref<!tpu.dma_semaphore, #tpu.memory_space<semaphore_mem>>) src(%dma_wait3A_37 : memref<10240x128xf32, #tpu.memory_space<hbm>>) dst(%arg7 : memref<128x128xf32, #tpu.memory_space<vmem>>)
      %dma_wait3A_38 = arith.constant 0 : i32
      %dma_wait3A_39 = arith.constant 0 : i32
      %dma_wait3A_40 = tpu.memref_slice %arg2[%dma_wait3A_38, %dma_wait3A_39] : memref<10240x128xf32, #tpu.memory_space<hbm>> -> memref<10240x128xf32, #tpu.memory_space<hbm>>
      tpu.wait_indirect_dma semaphore(%arg16 : memref<!tpu.dma_semaphore, #tpu.memory_space<semaphore_mem>>) src(%dma_wait3A_40 : memref<10240x128xf32, #tpu.memory_space<hbm>>) dst(%arg8 : memref<128x128xf32, #tpu.memory_space<vmem>>)
      %dma_wait3A_41 = arith.constant 0 : i32
      %dma_wait3A_42 = arith.constant 0 : i32
      %dma_wait3A_43 = tpu.memref_slice %arg2[%dma_wait3A_41, %dma_wait3A_42] : memref<10240x128xf32, #tpu.memory_space<hbm>> -> memref<10240x128xf32, #tpu.memory_space<hbm>>
      tpu.wait_indirect_dma semaphore(%arg17 : memref<!tpu.dma_semaphore, #tpu.memory_space<semaphore_mem>>) src(%dma_wait3A_43 : memref<10240x128xf32, #tpu.memory_space<hbm>>) dst(%arg9 : memref<128x128xf32, #tpu.memory_space<vmem>>)
      %dma_wait3A_44 = arith.constant 0 : i32
      %dma_wait3A_45 = arith.constant 0 : i32
      %dma_wait3A_46 = tpu.memref_slice %arg2[%dma_wait3A_44, %dma_wait3A_45] : memref<10240x128xf32, #tpu.memory_space<hbm>> -> memref<10240x128xf32, #tpu.memory_space<hbm>>
      tpu.wait_indirect_dma semaphore(%arg18 : memref<!tpu.dma_semaphore, #tpu.memory_space<semaphore_mem>>) src(%dma_wait3A_46 : memref<10240x128xf32, #tpu.memory_space<hbm>>) dst(%arg10 : memref<128x128xf32, #tpu.memory_space<vmem>>)
      %mul3A_47 = arith.constant 128 : i32
      %mul3A_48 = arith.muli %mul3A_10, %mul3A_47 : i32
      %add3A_49 = arith.addi %mul3A_2, %mul3A_48 : i32
      "tpu.region"() ({
        %run_scoped3A = tpu.sem_alloc : memref<!tpu.dma_semaphore, #tpu.memory_space<semaphore_mem>>
        %dma_start3A_59 = arith.constant 0 : i32
        %dma_start3A_60 = tpu.memref_slice %arg5[%add3A_49, %dma_start3A_59] : memref<327680x128xf32, #tpu.memory_space<hbm>> -> memref<128x128xf32, #tpu.memory_space<hbm>>
        %dma_start3A_61 = arith.constant 0 : i32
        %dma_start3A_62 = tpu.memref_slice %arg5[%add3A_49, %dma_start3A_61] : memref<327680x128xf32, #tpu.memory_space<hbm>> -> memref<128x128xf32, #tpu.memory_space<hbm>>
        tpu.enqueue_dma source(%arg7 : memref<128x128xf32, #tpu.memory_space<vmem>>) target(%dma_start3A_62 : memref<128x128xf32, #tpu.memory_space<hbm>>) target_semaphore(%run_scoped3A : memref<!tpu.dma_semaphore, #tpu.memory_space<semaphore_mem>>)
        %dma_wait3A_63 = arith.constant 0 : i32
        %dma_wait3A_64 = tpu.memref_slice %arg5[%add3A_49, %dma_wait3A_63] : memref<327680x128xf32, #tpu.memory_space<hbm>> -> memref<128x128xf32, #tpu.memory_space<hbm>>
        %dma_wait3A_65 = arith.constant 0 : i32
        %dma_wait3A_66 = tpu.memref_slice %arg5[%add3A_49, %dma_wait3A_65] : memref<327680x128xf32, #tpu.memory_space<hbm>> -> memref<128x128xf32, #tpu.memory_space<hbm>>
        tpu.wait_dma2 semaphore(%run_scoped3A : memref<!tpu.dma_semaphore, #tpu.memory_space<semaphore_mem>>) src(%arg7 : memref<128x128xf32, #tpu.memory_space<vmem>>) dst(%dma_wait3A_66 : memref<128x128xf32, #tpu.memory_space<hbm>>)
        tpu.yield
      }) : () -> ()
      %mul3A_50 = arith.constant 128 : i32
      %mul3A_51 = arith.muli %mul3A_10, %mul3A_50 : i32
      %add3A_52 = arith.addi %mul3A_2, %mul3A_51 : i32
      "tpu.region"() ({
        %run_scoped3A = tpu.sem_alloc : memref<!tpu.dma_semaphore, #tpu.memory_space<semaphore_mem>>
        %dma_start3A_59 = arith.constant 0 : i32
        %dma_start3A_60 = tpu.memref_slice %arg6[%add3A_52, %dma_start3A_59] : memref<327680x128xf32, #tpu.memory_space<hbm>> -> memref<128x128xf32, #tpu.memory_space<hbm>>
        %dma_start3A_61 = arith.constant 0 : i32
        %dma_start3A_62 = tpu.memref_slice %arg6[%add3A_52, %dma_start3A_61] : memref<327680x128xf32, #tpu.memory_space<hbm>> -> memref<128x128xf32, #tpu.memory_space<hbm>>
        tpu.enqueue_dma source(%arg8 : memref<128x128xf32, #tpu.memory_space<vmem>>) target(%dma_start3A_62 : memref<128x128xf32, #tpu.memory_space<hbm>>) target_semaphore(%run_scoped3A : memref<!tpu.dma_semaphore, #tpu.memory_space<semaphore_mem>>)
        %dma_wait3A_63 = arith.constant 0 : i32
        %dma_wait3A_64 = tpu.memref_slice %arg6[%add3A_52, %dma_wait3A_63] : memref<327680x128xf32, #tpu.memory_space<hbm>> -> memref<128x128xf32, #tpu.memory_space<hbm>>
        %dma_wait3A_65 = arith.constant 0 : i32
        %dma_wait3A_66 = tpu.memref_slice %arg6[%add3A_52, %dma_wait3A_65] : memref<327680x128xf32, #tpu.memory_space<hbm>> -> memref<128x128xf32, #tpu.memory_space<hbm>>
        tpu.wait_dma2 semaphore(%run_scoped3A : memref<!tpu.dma_semaphore, #tpu.memory_space<semaphore_mem>>) src(%arg8 : memref<128x128xf32, #tpu.memory_space<vmem>>) dst(%dma_wait3A_66 : memref<128x128xf32, #tpu.memory_space<hbm>>)
        tpu.yield
      }) : () -> ()
      %mul3A_53 = arith.constant 128 : i32
      %mul3A_54 = arith.muli %add3A_12, %mul3A_53 : i32
      %add3A_55 = arith.addi %mul3A_2, %mul3A_54 : i32
      "tpu.region"() ({
        %run_scoped3A = tpu.sem_alloc : memref<!tpu.dma_semaphore, #tpu.memory_space<semaphore_mem>>
        %dma_start3A_59 = arith.constant 0 : i32
        %dma_start3A_60 = tpu.memref_slice %arg5[%add3A_55, %dma_start3A_59] : memref<327680x128xf32, #tpu.memory_space<hbm>> -> memref<128x128xf32, #tpu.memory_space<hbm>>
        %dma_start3A_61 = arith.constant 0 : i32
        %dma_start3A_62 = tpu.memref_slice %arg5[%add3A_55, %dma_start3A_61] : memref<327680x128xf32, #tpu.memory_space<hbm>> -> memref<128x128xf32, #tpu.memory_space<hbm>>
        tpu.enqueue_dma source(%arg9 : memref<128x128xf32, #tpu.memory_space<vmem>>) target(%dma_start3A_62 : memref<128x128xf32, #tpu.memory_space<hbm>>) target_semaphore(%run_scoped3A : memref<!tpu.dma_semaphore, #tpu.memory_space<semaphore_mem>>)
        %dma_wait3A_63 = arith.constant 0 : i32
        %dma_wait3A_64 = tpu.memref_slice %arg5[%add3A_55, %dma_wait3A_63] : memref<327680x128xf32, #tpu.memory_space<hbm>> -> memref<128x128xf32, #tpu.memory_space<hbm>>
        %dma_wait3A_65 = arith.constant 0 : i32
        %dma_wait3A_66 = tpu.memref_slice %arg5[%add3A_55, %dma_wait3A_65] : memref<327680x128xf32, #tpu.memory_space<hbm>> -> memref<128x128xf32, #tpu.memory_space<hbm>>
        tpu.wait_dma2 semaphore(%run_scoped3A : memref<!tpu.dma_semaphore, #tpu.memory_space<semaphore_mem>>) src(%arg9 : memref<128x128xf32, #tpu.memory_space<vmem>>) dst(%dma_wait3A_66 : memref<128x128xf32, #tpu.memory_space<hbm>>)
        tpu.yield
      }) : () -> ()
      %mul3A_56 = arith.constant 128 : i32
      %mul3A_57 = arith.muli %add3A_12, %mul3A_56 : i32
      %add3A_58 = arith.addi %mul3A_2, %mul3A_57 : i32
      "tpu.region"() ({
        %run_scoped3A = tpu.sem_alloc : memref<!tpu.dma_semaphore, #tpu.memory_space<semaphore_mem>>
        %dma_start3A_59 = arith.constant 0 : i32
        %dma_start3A_60 = tpu.memref_slice %arg6[%add3A_58, %dma_start3A_59] : memref<327680x128xf32, #tpu.memory_space<hbm>> -> memref<128x128xf32, #tpu.memory_space<hbm>>
        %dma_start3A_61 = arith.constant 0 : i32
        %dma_start3A_62 = tpu.memref_slice %arg6[%add3A_58, %dma_start3A_61] : memref<327680x128xf32, #tpu.memory_space<hbm>> -> memref<128x128xf32, #tpu.memory_space<hbm>>
        tpu.enqueue_dma source(%arg10 : memref<128x128xf32, #tpu.memory_space<vmem>>) target(%dma_start3A_62 : memref<128x128xf32, #tpu.memory_space<hbm>>) target_semaphore(%run_scoped3A : memref<!tpu.dma_semaphore, #tpu.memory_space<semaphore_mem>>)
        %dma_wait3A_63 = arith.constant 0 : i32
        %dma_wait3A_64 = tpu.memref_slice %arg6[%add3A_58, %dma_wait3A_63] : memref<327680x128xf32, #tpu.memory_space<hbm>> -> memref<128x128xf32, #tpu.memory_space<hbm>>
        %dma_wait3A_65 = arith.constant 0 : i32
        %dma_wait3A_66 = tpu.memref_slice %arg6[%add3A_58, %dma_wait3A_65] : memref<327680x128xf32, #tpu.memory_space<hbm>> -> memref<128x128xf32, #tpu.memory_space<hbm>>
        tpu.wait_dma2 semaphore(%run_scoped3A : memref<!tpu.dma_semaphore, #tpu.memory_space<semaphore_mem>>) src(%arg10 : memref<128x128xf32, #tpu.memory_space<vmem>>) dst(%dma_wait3A_66 : memref<128x128xf32, #tpu.memory_space<hbm>>)
        tpu.yield
      }) : () -> ()
    }
    %scan3A_7 = arith.constant 40 : i32
    return
  }
}

#map = affine_map<(d0, d1) -> (0, 0)>
#map1 = affine_map<(d0, d1) -> (0)>
#map2 = affine_map<(d0, d1) -> (0, 0, 0)>
module attributes {stable_mosaic.version = 14 : i64} {
  func.func @scatter_add(%arg0: i32, %arg1: i32, %arg2: memref<327680x128xf32, #tpu.memory_space<hbm>>, %arg3: memref<327680xi32, #tpu.memory_space<hbm>>, %arg4: memref<10240x128xf32, #tpu.memory_space<hbm>>, %arg5: memref<2x10240x128xf32, #tpu.memory_space<hbm>>, %arg6: memref<128x128xf32, #tpu.memory_space<vmem>>, %arg7: memref<128x128xf32, #tpu.memory_space<vmem>>, %arg8: memref<128xi32, #tpu.memory_space<vmem>>, %arg9: memref<128xi32, #tpu.memory_space<vmem>>, %arg10: memref<10240x128xf32, #tpu.memory_space<vmem_shared>>, %arg11: memref<!tpu.dma_semaphore, #tpu.memory_space<semaphore_mem>>, %arg12: memref<!tpu.dma_semaphore, #tpu.memory_space<semaphore_mem>>) attributes {dimension_semantics = [#tpu.dimension_semantics<core_parallel>, #tpu.dimension_semantics<subcore_parallel>], iteration_bounds = array<i64: 2, 16>, scalar_prefetch = 0 : i64, scratch_operands = 7 : i64, tpu.core_type = #tpu.core_type<sc_vector_subcore>, window_params = [{transform_indices = #map}, {transform_indices = #map1}, {transform_indices = #map}, {transform_indices = #map2}]} {
    %mul3A = arith.constant 16 : i32
    %mul3A_0 = arith.muli %arg0, %mul3A : i32
    %add3A = arith.addi %mul3A_0, %arg1 : i32
    %mul3A_1 = arith.constant 10240 : i32
    %mul3A_2 = arith.muli %add3A, %mul3A_1 : i32
    %mul3A_3 = arith.constant 640 : i32
    %mul3A_4 = arith.muli %arg1, %mul3A_3 : i32
    %mul3A_5 = arith.constant 640 : i32
    %mul3A_6 = arith.muli %arg1, %mul3A_5 : i32
    "tpu.region"() ({
      %run_scoped3A = tpu.sem_alloc : memref<!tpu.dma_semaphore, #tpu.memory_space<semaphore_mem>>
      %dma_start3A = arith.constant 0 : i32
      %dma_start3A_17 = tpu.memref_slice %arg10[%mul3A_6, %dma_start3A] : memref<10240x128xf32, #tpu.memory_space<vmem_shared>> -> memref<640x128xf32, #tpu.memory_space<vmem_shared>>
      %dma_start3A_18 = arith.constant 0 : i32
      %dma_start3A_19 = tpu.memref_slice %arg4[%mul3A_4, %dma_start3A_18] : memref<10240x128xf32, #tpu.memory_space<hbm>> -> memref<640x128xf32, #tpu.memory_space<hbm>>
      tpu.enqueue_dma source(%dma_start3A_19 : memref<640x128xf32, #tpu.memory_space<hbm>>) target(%dma_start3A_17 : memref<640x128xf32, #tpu.memory_space<vmem_shared>>) target_semaphore(%run_scoped3A : memref<!tpu.dma_semaphore, #tpu.memory_space<semaphore_mem>>)
      %dma_wait3A = arith.constant 0 : i32
      %dma_wait3A_20 = tpu.memref_slice %arg10[%mul3A_6, %dma_wait3A] : memref<10240x128xf32, #tpu.memory_space<vmem_shared>> -> memref<640x128xf32, #tpu.memory_space<vmem_shared>>
      %dma_wait3A_21 = arith.constant 0 : i32
      %dma_wait3A_22 = tpu.memref_slice %arg4[%mul3A_4, %dma_wait3A_21] : memref<10240x128xf32, #tpu.memory_space<hbm>> -> memref<640x128xf32, #tpu.memory_space<hbm>>
      tpu.wait_dma2 semaphore(%run_scoped3A : memref<!tpu.dma_semaphore, #tpu.memory_space<semaphore_mem>>) src(%dma_wait3A_22 : memref<640x128xf32, #tpu.memory_space<hbm>>) dst(%dma_wait3A_20 : memref<640x128xf32, #tpu.memory_space<vmem_shared>>)
      tpu.yield
    }) : () -> ()
    %barrier3A = arith.constant 0 : index
    tpu.barrier barrier_id(%barrier3A)
    %scan3A = arith.constant 0 : i32
    %scan3A_7 = arith.constant 0 : i32
    %scan3A_8 = arith.constant 40 : i32
    %scan3A_9 = arith.addi %scan3A_7, %scan3A_8 : i32
    %scan3A_10 = arith.constant 1 : i32
    scf.for %scan3A_17 = %scan3A_7 to %scan3A_9 step %scan3A_10  : i32 {
      %mul3A_18 = arith.constant 2 : i32
      %mul3A_19 = arith.muli %mul3A_18, %scan3A_17 : i32
      %add3A_20 = arith.constant 1 : i32
      %add3A_21 = arith.addi %mul3A_19, %add3A_20 : i32
      %mul3A_22 = arith.constant 128 : i32
      %mul3A_23 = arith.muli %mul3A_19, %mul3A_22 : i32
      %add3A_24 = arith.addi %mul3A_2, %mul3A_23 : i32
      %dma_start3A = arith.constant 0 : i32
      %dma_start3A_25 = tpu.memref_slice %arg2[%add3A_24, %dma_start3A] : memref<327680x128xf32, #tpu.memory_space<hbm>> -> memref<128x128xf32, #tpu.memory_space<hbm>>
      %dma_start3A_26 = arith.constant 0 : i32
      %dma_start3A_27 = tpu.memref_slice %arg2[%add3A_24, %dma_start3A_26] : memref<327680x128xf32, #tpu.memory_space<hbm>> -> memref<128x128xf32, #tpu.memory_space<hbm>>
      tpu.enqueue_dma source(%dma_start3A_27 : memref<128x128xf32, #tpu.memory_space<hbm>>) target(%arg6 : memref<128x128xf32, #tpu.memory_space<vmem>>) target_semaphore(%arg11 : memref<!tpu.dma_semaphore, #tpu.memory_space<semaphore_mem>>)
      %mul3A_28 = arith.constant 128 : i32
      %mul3A_29 = arith.muli %add3A_21, %mul3A_28 : i32
      %add3A_30 = arith.addi %mul3A_2, %mul3A_29 : i32
      %dma_start3A_31 = arith.constant 0 : i32
      %dma_start3A_32 = tpu.memref_slice %arg2[%add3A_30, %dma_start3A_31] : memref<327680x128xf32, #tpu.memory_space<hbm>> -> memref<128x128xf32, #tpu.memory_space<hbm>>
      %dma_start3A_33 = arith.constant 0 : i32
      %dma_start3A_34 = tpu.memref_slice %arg2[%add3A_30, %dma_start3A_33] : memref<327680x128xf32, #tpu.memory_space<hbm>> -> memref<128x128xf32, #tpu.memory_space<hbm>>
      tpu.enqueue_dma source(%dma_start3A_34 : memref<128x128xf32, #tpu.memory_space<hbm>>) target(%arg7 : memref<128x128xf32, #tpu.memory_space<vmem>>) target_semaphore(%arg12 : memref<!tpu.dma_semaphore, #tpu.memory_space<semaphore_mem>>)
      %mul3A_35 = arith.constant 128 : i32
      %mul3A_36 = arith.muli %mul3A_19, %mul3A_35 : i32
      %add3A_37 = arith.addi %mul3A_2, %mul3A_36 : i32
      "tpu.region"() ({
        %run_scoped3A = tpu.sem_alloc : memref<!tpu.dma_semaphore, #tpu.memory_space<semaphore_mem>>
        %dma_start3A_48 = tpu.memref_slice %arg3[%add3A_37] : memref<327680xi32, #tpu.memory_space<hbm>> -> memref<128xi32, #tpu.memory_space<hbm>>
        %dma_start3A_49 = tpu.memref_slice %arg3[%add3A_37] : memref<327680xi32, #tpu.memory_space<hbm>> -> memref<128xi32, #tpu.memory_space<hbm>>
        tpu.enqueue_dma source(%dma_start3A_49 : memref<128xi32, #tpu.memory_space<hbm>>) target(%arg8 : memref<128xi32, #tpu.memory_space<vmem>>) target_semaphore(%run_scoped3A : memref<!tpu.dma_semaphore, #tpu.memory_space<semaphore_mem>>)
        %dma_wait3A_50 = tpu.memref_slice %arg3[%add3A_37] : memref<327680xi32, #tpu.memory_space<hbm>> -> memref<128xi32, #tpu.memory_space<hbm>>
        %dma_wait3A_51 = tpu.memref_slice %arg3[%add3A_37] : memref<327680xi32, #tpu.memory_space<hbm>> -> memref<128xi32, #tpu.memory_space<hbm>>
        tpu.wait_dma2 semaphore(%run_scoped3A : memref<!tpu.dma_semaphore, #tpu.memory_space<semaphore_mem>>) src(%dma_wait3A_51 : memref<128xi32, #tpu.memory_space<hbm>>) dst(%arg8 : memref<128xi32, #tpu.memory_space<vmem>>)
        tpu.yield
      }) : () -> ()
      %mul3A_38 = arith.constant 128 : i32
      %mul3A_39 = arith.muli %add3A_21, %mul3A_38 : i32
      %add3A_40 = arith.addi %mul3A_2, %mul3A_39 : i32
      "tpu.region"() ({
        %run_scoped3A = tpu.sem_alloc : memref<!tpu.dma_semaphore, #tpu.memory_space<semaphore_mem>>
        %dma_start3A_48 = tpu.memref_slice %arg3[%add3A_40] : memref<327680xi32, #tpu.memory_space<hbm>> -> memref<128xi32, #tpu.memory_space<hbm>>
        %dma_start3A_49 = tpu.memref_slice %arg3[%add3A_40] : memref<327680xi32, #tpu.memory_space<hbm>> -> memref<128xi32, #tpu.memory_space<hbm>>
        tpu.enqueue_dma source(%dma_start3A_49 : memref<128xi32, #tpu.memory_space<hbm>>) target(%arg9 : memref<128xi32, #tpu.memory_space<vmem>>) target_semaphore(%run_scoped3A : memref<!tpu.dma_semaphore, #tpu.memory_space<semaphore_mem>>)
        %dma_wait3A_50 = tpu.memref_slice %arg3[%add3A_40] : memref<327680xi32, #tpu.memory_space<hbm>> -> memref<128xi32, #tpu.memory_space<hbm>>
        %dma_wait3A_51 = tpu.memref_slice %arg3[%add3A_40] : memref<327680xi32, #tpu.memory_space<hbm>> -> memref<128xi32, #tpu.memory_space<hbm>>
        tpu.wait_dma2 semaphore(%run_scoped3A : memref<!tpu.dma_semaphore, #tpu.memory_space<semaphore_mem>>) src(%dma_wait3A_51 : memref<128xi32, #tpu.memory_space<hbm>>) dst(%arg9 : memref<128xi32, #tpu.memory_space<vmem>>)
        tpu.yield
      }) : () -> ()
      %dma_wait3A = arith.constant 0 : i32
      %dma_wait3A_41 = tpu.memref_slice %arg2[%add3A_24, %dma_wait3A] : memref<327680x128xf32, #tpu.memory_space<hbm>> -> memref<128x128xf32, #tpu.memory_space<hbm>>
      %dma_wait3A_42 = arith.constant 0 : i32
      %dma_wait3A_43 = tpu.memref_slice %arg2[%add3A_24, %dma_wait3A_42] : memref<327680x128xf32, #tpu.memory_space<hbm>> -> memref<128x128xf32, #tpu.memory_space<hbm>>
      tpu.wait_dma2 semaphore(%arg11 : memref<!tpu.dma_semaphore, #tpu.memory_space<semaphore_mem>>) src(%dma_wait3A_43 : memref<128x128xf32, #tpu.memory_space<hbm>>) dst(%arg6 : memref<128x128xf32, #tpu.memory_space<vmem>>)
      %dma_wait3A_44 = arith.constant 0 : i32
      %dma_wait3A_45 = tpu.memref_slice %arg2[%add3A_30, %dma_wait3A_44] : memref<327680x128xf32, #tpu.memory_space<hbm>> -> memref<128x128xf32, #tpu.memory_space<hbm>>
      %dma_wait3A_46 = arith.constant 0 : i32
      %dma_wait3A_47 = tpu.memref_slice %arg2[%add3A_30, %dma_wait3A_46] : memref<327680x128xf32, #tpu.memory_space<hbm>> -> memref<128x128xf32, #tpu.memory_space<hbm>>
      tpu.wait_dma2 semaphore(%arg12 : memref<!tpu.dma_semaphore, #tpu.memory_space<semaphore_mem>>) src(%dma_wait3A_47 : memref<128x128xf32, #tpu.memory_space<hbm>>) dst(%arg7 : memref<128x128xf32, #tpu.memory_space<vmem>>)
      "tpu.region"() ({
        %run_scoped3A = tpu.sem_alloc : memref<!tpu.dma_semaphore, #tpu.memory_space<semaphore_mem>>
        %dma_start3A_48 = arith.constant 0 : i32
        %dma_start3A_49 = arith.constant 0 : i32
        %dma_start3A_50 = tpu.memref_slice %arg10[%dma_start3A_48, %dma_start3A_49] : memref<10240x128xf32, #tpu.memory_space<vmem_shared>> -> memref<10240x128xf32, #tpu.memory_space<vmem_shared>>
        tpu.enqueue_indirect_dma source(%arg6 : memref<128x128xf32, #tpu.memory_space<vmem>>) target(%dma_start3A_50 : memref<10240x128xf32, #tpu.memory_space<vmem_shared>>) offsets(%arg8 : memref<128xi32, #tpu.memory_space<vmem>>) semaphore(%run_scoped3A : memref<!tpu.dma_semaphore, #tpu.memory_space<semaphore_mem>>) {add = true}
        %dma_wait3A_51 = arith.constant 0 : i32
        %dma_wait3A_52 = arith.constant 0 : i32
        %dma_wait3A_53 = tpu.memref_slice %arg10[%dma_wait3A_51, %dma_wait3A_52] : memref<10240x128xf32, #tpu.memory_space<vmem_shared>> -> memref<10240x128xf32, #tpu.memory_space<vmem_shared>>
        tpu.wait_indirect_dma semaphore(%run_scoped3A : memref<!tpu.dma_semaphore, #tpu.memory_space<semaphore_mem>>) src(%arg6 : memref<128x128xf32, #tpu.memory_space<vmem>>) dst(%dma_wait3A_53 : memref<10240x128xf32, #tpu.memory_space<vmem_shared>>)
        tpu.yield
      }) : () -> ()
      "tpu.region"() ({
        %run_scoped3A = tpu.sem_alloc : memref<!tpu.dma_semaphore, #tpu.memory_space<semaphore_mem>>
        %dma_start3A_48 = arith.constant 0 : i32
        %dma_start3A_49 = arith.constant 0 : i32
        %dma_start3A_50 = tpu.memref_slice %arg10[%dma_start3A_48, %dma_start3A_49] : memref<10240x128xf32, #tpu.memory_space<vmem_shared>> -> memref<10240x128xf32, #tpu.memory_space<vmem_shared>>
        tpu.enqueue_indirect_dma source(%arg7 : memref<128x128xf32, #tpu.memory_space<vmem>>) target(%dma_start3A_50 : memref<10240x128xf32, #tpu.memory_space<vmem_shared>>) offsets(%arg9 : memref<128xi32, #tpu.memory_space<vmem>>) semaphore(%run_scoped3A : memref<!tpu.dma_semaphore, #tpu.memory_space<semaphore_mem>>) {add = true}
        %dma_wait3A_51 = arith.constant 0 : i32
        %dma_wait3A_52 = arith.constant 0 : i32
        %dma_wait3A_53 = tpu.memref_slice %arg10[%dma_wait3A_51, %dma_wait3A_52] : memref<10240x128xf32, #tpu.memory_space<vmem_shared>> -> memref<10240x128xf32, #tpu.memory_space<vmem_shared>>
        tpu.wait_indirect_dma semaphore(%run_scoped3A : memref<!tpu.dma_semaphore, #tpu.memory_space<semaphore_mem>>) src(%arg7 : memref<128x128xf32, #tpu.memory_space<vmem>>) dst(%dma_wait3A_53 : memref<10240x128xf32, #tpu.memory_space<vmem_shared>>)
        tpu.yield
      }) : () -> ()
    }
    %scan3A_11 = arith.constant 40 : i32
    %barrier3A_12 = arith.constant 0 : index
    tpu.barrier barrier_id(%barrier3A_12)
    %mul3A_13 = arith.constant 640 : i32
    %mul3A_14 = arith.muli %arg1, %mul3A_13 : i32
    %mul3A_15 = arith.constant 640 : i32
    %mul3A_16 = arith.muli %arg1, %mul3A_15 : i32
    "tpu.region"() ({
      %run_scoped3A = tpu.sem_alloc : memref<!tpu.dma_semaphore, #tpu.memory_space<semaphore_mem>>
      %dma_start3A = arith.constant 0 : i32
      %dma_start3A_17 = tpu.memref_slice %arg5[%arg0, %mul3A_16, %dma_start3A] : memref<2x10240x128xf32, #tpu.memory_space<hbm>> -> memref<1x640x128xf32, #tpu.memory_space<hbm>>
      %dma_start3A_18 = tpu.memref_squeeze %dma_start3A_17 : memref<1x640x128xf32, #tpu.memory_space<hbm>> -> memref<640x128xf32, #tpu.memory_space<hbm>>
      %dma_start3A_19 = arith.constant 0 : i32
      %dma_start3A_20 = tpu.memref_slice %arg10[%mul3A_14, %dma_start3A_19] : memref<10240x128xf32, #tpu.memory_space<vmem_shared>> -> memref<640x128xf32, #tpu.memory_space<vmem_shared>>
      tpu.enqueue_dma source(%dma_start3A_20 : memref<640x128xf32, #tpu.memory_space<vmem_shared>>) target(%dma_start3A_18 : memref<640x128xf32, #tpu.memory_space<hbm>>) target_semaphore(%run_scoped3A : memref<!tpu.dma_semaphore, #tpu.memory_space<semaphore_mem>>)
      %dma_wait3A = arith.constant 0 : i32
      %dma_wait3A_21 = tpu.memref_slice %arg5[%arg0, %mul3A_16, %dma_wait3A] : memref<2x10240x128xf32, #tpu.memory_space<hbm>> -> memref<1x640x128xf32, #tpu.memory_space<hbm>>
      %dma_wait3A_22 = tpu.memref_squeeze %dma_wait3A_21 : memref<1x640x128xf32, #tpu.memory_space<hbm>> -> memref<640x128xf32, #tpu.memory_space<hbm>>
      %dma_wait3A_23 = arith.constant 0 : i32
      %dma_wait3A_24 = tpu.memref_slice %arg10[%mul3A_14, %dma_wait3A_23] : memref<10240x128xf32, #tpu.memory_space<vmem_shared>> -> memref<640x128xf32, #tpu.memory_space<vmem_shared>>
      tpu.wait_dma2 semaphore(%run_scoped3A : memref<!tpu.dma_semaphore, #tpu.memory_space<semaphore_mem>>) src(%dma_wait3A_24 : memref<640x128xf32, #tpu.memory_space<vmem_shared>>) dst(%dma_wait3A_22 : memref<640x128xf32, #tpu.memory_space<hbm>>)
      tpu.yield
    }) : () -> ()
    return
  }
}

module attributes {stable_mosaic.version = 14 : i64} {
  func.func @_node_enc_body(%arg0: i32, %arg1: memref<128x128xf32, #tpu.memory_space<vmem>>, %arg2: memref<128x32xf32, #tpu.memory_space<vmem>>, %arg3: memref<1x32xf32, #tpu.memory_space<vmem>>, %arg4: memref<32x64xf32, #tpu.memory_space<vmem>>, %arg5: memref<1x64xf32, #tpu.memory_space<vmem>>, %arg6: memref<128x32xf32, #tpu.memory_space<vmem>>, %arg7: memref<128x128xf32, #tpu.memory_space<vmem>>, %arg8: memref<32x128xf32, #tpu.memory_space<vmem>>, %arg9: memref<64x128xf32, #tpu.memory_space<vmem>>, %arg10: memref<128x128xf32, #tpu.memory_space<vmem>>) attributes {dimension_semantics = [#tpu.dimension_semantics<arbitrary>], iteration_bounds = array<i64: 80>, scalar_prefetch = 0 : i64, scratch_operands = 0 : i64, tpu.core_type = #tpu.core_type<tc>, window_params = [{transform_indices = @transform_0, window_bounds = array<i64: 128, 128>}, {pipeline_mode = #tpu.pipeline_mode<synchronous>, transform_indices = @transform_1, window_bounds = array<i64: 128, 32>}, {pipeline_mode = #tpu.pipeline_mode<synchronous>, transform_indices = @transform_2, window_bounds = array<i64: 1, 32>}, {pipeline_mode = #tpu.pipeline_mode<synchronous>, transform_indices = @transform_3, window_bounds = array<i64: 32, 64>}, {pipeline_mode = #tpu.pipeline_mode<synchronous>, transform_indices = @transform_4, window_bounds = array<i64: 1, 64>}, {pipeline_mode = #tpu.pipeline_mode<synchronous>, transform_indices = @transform_5, window_bounds = array<i64: 128, 32>}, {pipeline_mode = #tpu.pipeline_mode<synchronous>, transform_indices = @transform_6, window_bounds = array<i64: 128, 128>}, {pipeline_mode = #tpu.pipeline_mode<synchronous>, transform_indices = @transform_7, window_bounds = array<i64: 32, 128>}, {pipeline_mode = #tpu.pipeline_mode<synchronous>, transform_indices = @transform_8, window_bounds = array<i64: 64, 128>}, {transform_indices = @transform_9, window_bounds = array<i64: 128, 128>}]} {
    %get3A = arith.constant 0 : index
    %get3A_0 = arith.constant 0 : index
    %get3A_1 = vector.load %arg1[%get3A, %get3A_0] : memref<128x128xf32, #tpu.memory_space<vmem>>, vector<128x128xf32>
    %get3A_2 = arith.constant 0 : index
    %get3A_3 = arith.constant 0 : index
    %get3A_4 = vector.load %arg2[%get3A_2, %get3A_3] : memref<128x32xf32, #tpu.memory_space<vmem>>, vector<128x32xf32>
    %dot_general3A = arith.constant dense<0.000000e+00> : vector<128x32xf32>
    %dot_general3A_5 = tpu.matmul %get3A_1, %get3A_4, %dot_general3A {dimension_numbers = #tpu.dot_dimension_numbers<[1], [0], [0], [1], [0, 0, 1, 1], [], []>, transpose_lhs_hint = false} : vector<128x128xf32>, vector<128x32xf32>, vector<128x32xf32> -> vector<128x32xf32>
    %get3A_6 = arith.constant 0 : index
    %get3A_7 = arith.constant 0 : index
    %get3A_8 = vector.load %arg3[%get3A_6, %get3A_7] : memref<1x32xf32, #tpu.memory_space<vmem>>, vector<1x32xf32>
    %add3A = vector.broadcast %get3A_8 : vector<1x32xf32> to vector<128x32xf32>
    %add3A_9 = arith.addf %dot_general3A_5, %add3A : vector<128x32xf32>
    %get3A_10 = arith.constant 0 : index
    %get3A_11 = arith.constant 0 : index
    %get3A_12 = vector.load %arg4[%get3A_10, %get3A_11] : memref<32x64xf32, #tpu.memory_space<vmem>>, vector<32x64xf32>
    %dot_general3A_13 = arith.constant dense<0.000000e+00> : vector<128x64xf32>
    %dot_general3A_14 = tpu.matmul %add3A_9, %get3A_12, %dot_general3A_13 {dimension_numbers = #tpu.dot_dimension_numbers<[1], [0], [0], [1], [0, 0, 1, 1], [], []>, transpose_lhs_hint = false} : vector<128x32xf32>, vector<32x64xf32>, vector<128x64xf32> -> vector<128x64xf32>
    %get3A_15 = arith.constant 0 : index
    %get3A_16 = arith.constant 0 : index
    %get3A_17 = vector.load %arg5[%get3A_15, %get3A_16] : memref<1x64xf32, #tpu.memory_space<vmem>>, vector<1x64xf32>
    %add3A_18 = vector.broadcast %get3A_17 : vector<1x64xf32> to vector<128x64xf32>
    %add3A_19 = arith.addf %dot_general3A_14, %add3A_18 : vector<128x64xf32>
    %max3A = arith.constant 0.000000e+00 : f32
    %max3A_20 = vector.broadcast %max3A : f32 to vector<128x64xf32>
    %max3A_21 = arith.maximumf %add3A_19, %max3A_20 : vector<128x64xf32>
    %get3A_22 = arith.constant 0 : index
    %get3A_23 = arith.constant 0 : index
    %get3A_24 = vector.load %arg6[%get3A_22, %get3A_23] : memref<128x32xf32, #tpu.memory_space<vmem>>, vector<128x32xf32>
    %dot_general3A_25 = arith.constant dense<0.000000e+00> : vector<128x32xf32>
    %dot_general3A_26 = tpu.matmul %get3A_1, %get3A_24, %dot_general3A_25 {dimension_numbers = #tpu.dot_dimension_numbers<[1], [0], [0], [1], [0, 0, 1, 1], [], []>, transpose_lhs_hint = false} : vector<128x128xf32>, vector<128x32xf32>, vector<128x32xf32> -> vector<128x32xf32>
    %get3A_27 = arith.constant 0 : index
    %get3A_28 = arith.constant 0 : index
    %get3A_29 = vector.load %arg7[%get3A_27, %get3A_28] : memref<128x128xf32, #tpu.memory_space<vmem>>, vector<128x128xf32>
    %dot_general3A_30 = arith.constant dense<0.000000e+00> : vector<128x128xf32>
    %dot_general3A_31 = tpu.matmul %get3A_1, %get3A_29, %dot_general3A_30 {dimension_numbers = #tpu.dot_dimension_numbers<[1], [0], [0], [1], [0, 0, 1, 1], [], []>, transpose_lhs_hint = false} : vector<128x128xf32>, vector<128x128xf32>, vector<128x128xf32> -> vector<128x128xf32>
    %get3A_32 = arith.constant 0 : index
    %get3A_33 = arith.constant 0 : index
    %get3A_34 = vector.load %arg8[%get3A_32, %get3A_33] : memref<32x128xf32, #tpu.memory_space<vmem>>, vector<32x128xf32>
    %dot_general3A_35 = arith.constant dense<0.000000e+00> : vector<128x128xf32>
    %dot_general3A_36 = tpu.matmul %dot_general3A_26, %get3A_34, %dot_general3A_35 {dimension_numbers = #tpu.dot_dimension_numbers<[1], [0], [0], [1], [0, 0, 1, 1], [], []>, transpose_lhs_hint = false} : vector<128x32xf32>, vector<32x128xf32>, vector<128x128xf32> -> vector<128x128xf32>
    %add3A_37 = arith.addf %dot_general3A_31, %dot_general3A_36 : vector<128x128xf32>
    %get3A_38 = arith.constant 0 : index
    %get3A_39 = arith.constant 0 : index
    %get3A_40 = vector.load %arg9[%get3A_38, %get3A_39] : memref<64x128xf32, #tpu.memory_space<vmem>>, vector<64x128xf32>
    %dot_general3A_41 = arith.constant dense<0.000000e+00> : vector<128x128xf32>
    %dot_general3A_42 = tpu.matmul %max3A_21, %get3A_40, %dot_general3A_41 {dimension_numbers = #tpu.dot_dimension_numbers<[1], [0], [0], [1], [0, 0, 1, 1], [], []>, transpose_lhs_hint = false} : vector<128x64xf32>, vector<64x128xf32>, vector<128x128xf32> -> vector<128x128xf32>
    %add3A_43 = arith.addf %add3A_37, %dot_general3A_42 : vector<128x128xf32>
    %swap3A = arith.constant 0 : index
    %swap3A_44 = arith.constant 0 : index
    %swap3A_45 = vector.load %arg10[%swap3A, %swap3A_44] : memref<128x128xf32, #tpu.memory_space<vmem>>, vector<128x128xf32>
    tpu.vector_store %arg10[%swap3A, %swap3A_44], %add3A_43 {strides = array<i32>} : memref<128x128xf32, #tpu.memory_space<vmem>>, vector<128x128xf32>,
    return
  }
  func.func @transform_0(%arg0: i32) -> (i32, i32) {
    %c0_i32 = arith.constant 0 : i32
    %c0_i32_0 = arith.constant 0 : i32
    return %arg0, %c0_i32 : i32, i32
  }
  func.func @transform_1(%arg0: i32) -> (i32, i32) {
    %c0_i32 = arith.constant 0 : i32
    %c0_i32_0 = arith.constant 0 : i32
    %c0_i32_1 = arith.constant 0 : i32
    return %c0_i32, %c0_i32_0 : i32, i32
  }
  func.func @transform_2(%arg0: i32) -> (i32, i32) {
    %c0_i32 = arith.constant 0 : i32
    %c0_i32_0 = arith.constant 0 : i32
    %c0_i32_1 = arith.constant 0 : i32
    return %c0_i32, %c0_i32_0 : i32, i32
  }
  func.func @transform_3(%arg0: i32) -> (i32, i32) {
    %c0_i32 = arith.constant 0 : i32
    %c0_i32_0 = arith.constant 0 : i32
    %c0_i32_1 = arith.constant 0 : i32
    return %c0_i32, %c0_i32_0 : i32, i32
  }
  func.func @transform_4(%arg0: i32) -> (i32, i32) {
    %c0_i32 = arith.constant 0 : i32
    %c0_i32_0 = arith.constant 0 : i32
    %c0_i32_1 = arith.constant 0 : i32
    return %c0_i32, %c0_i32_0 : i32, i32
  }
  func.func @transform_5(%arg0: i32) -> (i32, i32) {
    %c0_i32 = arith.constant 0 : i32
    %c0_i32_0 = arith.constant 0 : i32
    %c0_i32_1 = arith.constant 0 : i32
    return %c0_i32, %c0_i32_0 : i32, i32
  }
  func.func @transform_6(%arg0: i32) -> (i32, i32) {
    %c0_i32 = arith.constant 0 : i32
    %c0_i32_0 = arith.constant 0 : i32
    %c0_i32_1 = arith.constant 0 : i32
    return %c0_i32, %c0_i32_0 : i32, i32
  }
  func.func @transform_7(%arg0: i32) -> (i32, i32) {
    %c0_i32 = arith.constant 0 : i32
    %c0_i32_0 = arith.constant 0 : i32
    %c0_i32_1 = arith.constant 0 : i32
    return %c0_i32, %c0_i32_0 : i32, i32
  }
  func.func @transform_8(%arg0: i32) -> (i32, i32) {
    %c0_i32 = arith.constant 0 : i32
    %c0_i32_0 = arith.constant 0 : i32
    %c0_i32_1 = arith.constant 0 : i32
    return %c0_i32, %c0_i32_0 : i32, i32
  }
  func.func @transform_9(%arg0: i32) -> (i32, i32) {
    %c0_i32 = arith.constant 0 : i32
    %c0_i32_0 = arith.constant 0 : i32
    return %arg0, %c0_i32 : i32, i32
  }
}

module attributes {stable_mosaic.version = 14 : i64} {
  func.func @_msg_body(%arg0: i32, %arg1: memref<512x128xf32, #tpu.memory_space<vmem>>, %arg2: memref<512x128xf32, #tpu.memory_space<vmem>>, %arg3: memref<512x72xf32, #tpu.memory_space<vmem>>, %arg4: memref<128x256xf32, #tpu.memory_space<vmem>>, %arg5: memref<128x256xf32, #tpu.memory_space<vmem>>, %arg6: memref<72x256xf32, #tpu.memory_space<vmem>>, %arg7: memref<1x256xf32, #tpu.memory_space<vmem>>, %arg8: memref<256x128xf32, #tpu.memory_space<vmem>>, %arg9: memref<1x128xf32, #tpu.memory_space<vmem>>, %arg10: memref<512x128xf32, #tpu.memory_space<vmem>>) attributes {dimension_semantics = [#tpu.dimension_semantics<arbitrary>], iteration_bounds = array<i64: 640>, scalar_prefetch = 0 : i64, scratch_operands = 0 : i64, tpu.core_type = #tpu.core_type<tc>, window_params = [{transform_indices = @transform_0, window_bounds = array<i64: 512, 128>}, {transform_indices = @transform_1, window_bounds = array<i64: 512, 128>}, {transform_indices = @transform_2, window_bounds = array<i64: 512, 72>}, {pipeline_mode = #tpu.pipeline_mode<synchronous>, transform_indices = @transform_3, window_bounds = array<i64: 128, 256>}, {pipeline_mode = #tpu.pipeline_mode<synchronous>, transform_indices = @transform_4, window_bounds = array<i64: 128, 256>}, {pipeline_mode = #tpu.pipeline_mode<synchronous>, transform_indices = @transform_5, window_bounds = array<i64: 72, 256>}, {pipeline_mode = #tpu.pipeline_mode<synchronous>, transform_indices = @transform_6, window_bounds = array<i64: 1, 256>}, {pipeline_mode = #tpu.pipeline_mode<synchronous>, transform_indices = @transform_7, window_bounds = array<i64: 256, 128>}, {pipeline_mode = #tpu.pipeline_mode<synchronous>, transform_indices = @transform_8, window_bounds = array<i64: 1, 128>}, {transform_indices = @transform_9, window_bounds = array<i64: 512, 128>}]} {
    %get3A = arith.constant 0 : index
    %get3A_0 = arith.constant 0 : index
    %get3A_1 = vector.load %arg1[%get3A, %get3A_0] : memref<512x128xf32, #tpu.memory_space<vmem>>, vector<512x128xf32>
    %get3A_2 = arith.constant 0 : index
    %get3A_3 = arith.constant 0 : index
    %get3A_4 = vector.load %arg4[%get3A_2, %get3A_3] : memref<128x256xf32, #tpu.memory_space<vmem>>, vector<128x256xf32>
    %dot_general3A = arith.constant dense<0.000000e+00> : vector<512x256xf32>
    %dot_general3A_5 = tpu.matmul %get3A_1, %get3A_4, %dot_general3A {dimension_numbers = #tpu.dot_dimension_numbers<[1], [0], [0], [1], [0, 0, 1, 1], [], []>, transpose_lhs_hint = false} : vector<512x128xf32>, vector<128x256xf32>, vector<512x256xf32> -> vector<512x256xf32>
    %get3A_6 = arith.constant 0 : index
    %get3A_7 = arith.constant 0 : index
    %get3A_8 = vector.load %arg2[%get3A_6, %get3A_7] : memref<512x128xf32, #tpu.memory_space<vmem>>, vector<512x128xf32>
    %get3A_9 = arith.constant 0 : index
    %get3A_10 = arith.constant 0 : index
    %get3A_11 = vector.load %arg5[%get3A_9, %get3A_10] : memref<128x256xf32, #tpu.memory_space<vmem>>, vector<128x256xf32>
    %dot_general3A_12 = arith.constant dense<0.000000e+00> : vector<512x256xf32>
    %dot_general3A_13 = tpu.matmul %get3A_8, %get3A_11, %dot_general3A_12 {dimension_numbers = #tpu.dot_dimension_numbers<[1], [0], [0], [1], [0, 0, 1, 1], [], []>, transpose_lhs_hint = false} : vector<512x128xf32>, vector<128x256xf32>, vector<512x256xf32> -> vector<512x256xf32>
    %add3A = arith.addf %dot_general3A_5, %dot_general3A_13 : vector<512x256xf32>
    %get3A_14 = arith.constant 0 : index
    %get3A_15 = arith.constant 0 : index
    %get3A_16 = vector.load %arg3[%get3A_14, %get3A_15] : memref<512x72xf32, #tpu.memory_space<vmem>>, vector<512x72xf32>
    %get3A_17 = arith.constant 0 : index
    %get3A_18 = arith.constant 0 : index
    %get3A_19 = vector.load %arg6[%get3A_17, %get3A_18] : memref<72x256xf32, #tpu.memory_space<vmem>>, vector<72x256xf32>
    %dot_general3A_20 = arith.constant dense<0.000000e+00> : vector<512x256xf32>
    %dot_general3A_21 = tpu.matmul %get3A_16, %get3A_19, %dot_general3A_20 {dimension_numbers = #tpu.dot_dimension_numbers<[1], [0], [0], [1], [0, 0, 1, 1], [], []>, transpose_lhs_hint = false} : vector<512x72xf32>, vector<72x256xf32>, vector<512x256xf32> -> vector<512x256xf32>
    %add3A_22 = arith.addf %add3A, %dot_general3A_21 : vector<512x256xf32>
    %get3A_23 = arith.constant 0 : index
    %get3A_24 = arith.constant 0 : index
    %get3A_25 = vector.load %arg7[%get3A_23, %get3A_24] : memref<1x256xf32, #tpu.memory_space<vmem>>, vector<1x256xf32>
    %add3A_26 = vector.broadcast %get3A_25 : vector<1x256xf32> to vector<512x256xf32>
    %add3A_27 = arith.addf %add3A_22, %add3A_26 : vector<512x256xf32>
    %max3A = arith.constant 0.000000e+00 : f32
    %max3A_28 = vector.broadcast %max3A : f32 to vector<512x256xf32>
    %max3A_29 = arith.maximumf %add3A_27, %max3A_28 : vector<512x256xf32>
    %iota3A = tpu.iota {dimensions = array<i32: 1>} : vector<512x72xi32>
    %eq3A = arith.constant 64 : i32
    %eq3A_30 = vector.broadcast %eq3A : i32 to vector<512x72xi32>
    %eq3A_31 = arith.cmpi eq, %iota3A, %eq3A_30 : vector<512x72xi32>
    %jit3A = arith.constant 0.000000e+00 : f32
    %broadcast_in_dim3A = vector.broadcast %jit3A : f32 to vector<512x72xf32>
    %select_n3A = arith.select %eq3A_31, %get3A_16, %broadcast_in_dim3A : vector<512x72xi1>, vector<512x72xf32>
    %reduce_sum3A = arith.constant dense<0.000000e+00> : vector<512xf32>
    %reduce_sum3A_32 = vector.multi_reduction <add>, %select_n3A, %reduce_sum3A [1] : vector<512x72xf32> to vector<512xf32>
    %broadcast_in_dim3A_33 = vector.shape_cast %reduce_sum3A_32 : vector<512xf32> to vector<512x1xf32>
    %get3A_34 = arith.constant 0 : index
    %get3A_35 = arith.constant 0 : index
    %get3A_36 = vector.load %arg8[%get3A_34, %get3A_35] : memref<256x128xf32, #tpu.memory_space<vmem>>, vector<256x128xf32>
    %dot_general3A_37 = arith.constant dense<0.000000e+00> : vector<512x128xf32>
    %dot_general3A_38 = tpu.matmul %max3A_29, %get3A_36, %dot_general3A_37 {dimension_numbers = #tpu.dot_dimension_numbers<[1], [0], [0], [1], [0, 0, 1, 1], [], []>, transpose_lhs_hint = false} : vector<512x256xf32>, vector<256x128xf32>, vector<512x128xf32> -> vector<512x128xf32>
    %get3A_39 = arith.constant 0 : index
    %get3A_40 = arith.constant 0 : index
    %get3A_41 = vector.load %arg9[%get3A_39, %get3A_40] : memref<1x128xf32, #tpu.memory_space<vmem>>, vector<1x128xf32>
    %add3A_42 = vector.broadcast %get3A_41 : vector<1x128xf32> to vector<512x128xf32>
    %add3A_43 = arith.addf %dot_general3A_38, %add3A_42 : vector<512x128xf32>
    %max3A_44 = arith.constant 0.000000e+00 : f32
    %max3A_45 = vector.broadcast %max3A_44 : f32 to vector<512x128xf32>
    %max3A_46 = arith.maximumf %add3A_43, %max3A_45 : vector<512x128xf32>
    %mul3A = vector.broadcast %broadcast_in_dim3A_33 : vector<512x1xf32> to vector<512x128xf32>
    %mul3A_47 = arith.mulf %max3A_46, %mul3A : vector<512x128xf32>
    %swap3A = arith.constant 0 : index
    %swap3A_48 = arith.constant 0 : index
    %swap3A_49 = vector.load %arg10[%swap3A, %swap3A_48] : memref<512x128xf32, #tpu.memory_space<vmem>>, vector<512x128xf32>
    tpu.vector_store %arg10[%swap3A, %swap3A_48], %mul3A_47 {strides = array<i32>} : memref<512x128xf32, #tpu.memory_space<vmem>>, vector<512x128xf32>,
    return
  }
  func.func @transform_0(%arg0: i32) -> (i32, i32) {
    %c0_i32 = arith.constant 0 : i32
    %c0_i32_0 = arith.constant 0 : i32
    return %arg0, %c0_i32 : i32, i32
  }
  func.func @transform_1(%arg0: i32) -> (i32, i32) {
    %c0_i32 = arith.constant 0 : i32
    %c0_i32_0 = arith.constant 0 : i32
    return %arg0, %c0_i32 : i32, i32
  }
  func.func @transform_2(%arg0: i32) -> (i32, i32) {
    %c0_i32 = arith.constant 0 : i32
    %c0_i32_0 = arith.constant 0 : i32
    return %arg0, %c0_i32 : i32, i32
  }
  func.func @transform_3(%arg0: i32) -> (i32, i32) {
    %c0_i32 = arith.constant 0 : i32
    %c0_i32_0 = arith.constant 0 : i32
    %c0_i32_1 = arith.constant 0 : i32
    return %c0_i32, %c0_i32_0 : i32, i32
  }
  func.func @transform_4(%arg0: i32) -> (i32, i32) {
    %c0_i32 = arith.constant 0 : i32
    %c0_i32_0 = arith.constant 0 : i32
    %c0_i32_1 = arith.constant 0 : i32
    return %c0_i32, %c0_i32_0 : i32, i32
  }
  func.func @transform_5(%arg0: i32) -> (i32, i32) {
    %c0_i32 = arith.constant 0 : i32
    %c0_i32_0 = arith.constant 0 : i32
    %c0_i32_1 = arith.constant 0 : i32
    return %c0_i32, %c0_i32_0 : i32, i32
  }
  func.func @transform_6(%arg0: i32) -> (i32, i32) {
    %c0_i32 = arith.constant 0 : i32
    %c0_i32_0 = arith.constant 0 : i32
    %c0_i32_1 = arith.constant 0 : i32
    return %c0_i32, %c0_i32_0 : i32, i32
  }
  func.func @transform_7(%arg0: i32) -> (i32, i32) {
    %c0_i32 = arith.constant 0 : i32
    %c0_i32_0 = arith.constant 0 : i32
    %c0_i32_1 = arith.constant 0 : i32
    return %c0_i32, %c0_i32_0 : i32, i32
  }
  func.func @transform_8(%arg0: i32) -> (i32, i32) {
    %c0_i32 = arith.constant 0 : i32
    %c0_i32_0 = arith.constant 0 : i32
    %c0_i32_1 = arith.constant 0 : i32
    return %c0_i32, %c0_i32_0 : i32, i32
  }
  func.func @transform_9(%arg0: i32) -> (i32, i32) {
    %c0_i32 = arith.constant 0 : i32
    %c0_i32_0 = arith.constant 0 : i32
    return %arg0, %c0_i32 : i32, i32
  }
}

module attributes {stable_mosaic.version = 14 : i64} {
  func.func @_edge_enc_body(%arg0: i32, %arg1: memref<512x128xf32, #tpu.memory_space<vmem>>, %arg2: memref<512x128xf32, #tpu.memory_space<vmem>>, %arg3: memref<128x32xf32, #tpu.memory_space<vmem>>, %arg4: memref<128x32xf32, #tpu.memory_space<vmem>>, %arg5: memref<1x32xf32, #tpu.memory_space<vmem>>, %arg6: memref<1x32xf32, #tpu.memory_space<vmem>>, %arg7: memref<32x64xf32, #tpu.memory_space<vmem>>, %arg8: memref<1x64xf32, #tpu.memory_space<vmem>>, %arg9: memref<64x72xf32, #tpu.memory_space<vmem>>, %arg10: memref<1x72xf32, #tpu.memory_space<vmem>>, %arg11: memref<512x72xf32, #tpu.memory_space<vmem>>) attributes {dimension_semantics = [#tpu.dimension_semantics<arbitrary>], iteration_bounds = array<i64: 640>, scalar_prefetch = 0 : i64, scratch_operands = 0 : i64, tpu.core_type = #tpu.core_type<tc>, window_params = [{transform_indices = @transform_0, window_bounds = array<i64: 512, 128>}, {transform_indices = @transform_1, window_bounds = array<i64: 512, 128>}, {pipeline_mode = #tpu.pipeline_mode<synchronous>, transform_indices = @transform_2, window_bounds = array<i64: 128, 32>}, {pipeline_mode = #tpu.pipeline_mode<synchronous>, transform_indices = @transform_3, window_bounds = array<i64: 128, 32>}, {pipeline_mode = #tpu.pipeline_mode<synchronous>, transform_indices = @transform_4, window_bounds = array<i64: 1, 32>}, {pipeline_mode = #tpu.pipeline_mode<synchronous>, transform_indices = @transform_5, window_bounds = array<i64: 1, 32>}, {pipeline_mode = #tpu.pipeline_mode<synchronous>, transform_indices = @transform_6, window_bounds = array<i64: 32, 64>}, {pipeline_mode = #tpu.pipeline_mode<synchronous>, transform_indices = @transform_7, window_bounds = array<i64: 1, 64>}, {pipeline_mode = #tpu.pipeline_mode<synchronous>, transform_indices = @transform_8, window_bounds = array<i64: 64, 72>}, {pipeline_mode = #tpu.pipeline_mode<synchronous>, transform_indices = @transform_9, window_bounds = array<i64: 1, 72>}, {transform_indices = @transform_10, window_bounds = array<i64: 512, 72>}]} {
    %get3A = arith.constant 0 : index
    %get3A_0 = arith.constant 0 : index
    %get3A_1 = vector.load %arg1[%get3A, %get3A_0] : memref<512x128xf32, #tpu.memory_space<vmem>>, vector<512x128xf32>
    %get3A_2 = arith.constant 0 : index
    %get3A_3 = arith.constant 0 : index
    %get3A_4 = vector.load %arg2[%get3A_2, %get3A_3] : memref<512x128xf32, #tpu.memory_space<vmem>>, vector<512x128xf32>
    %sub3A = arith.subf %get3A_1, %get3A_4 : vector<512x128xf32>
    %iota3A = tpu.iota {dimensions = array<i32: 1>} : vector<512x128xi32>
    %lt3A = arith.constant 3 : i32
    %lt3A_5 = vector.broadcast %lt3A : i32 to vector<512x128xi32>
    %lt3A_6 = arith.cmpi slt, %iota3A, %lt3A_5 : vector<512x128xi32>
    %jit3A = arith.constant 0.000000e+00 : f32
    %broadcast_in_dim3A = vector.broadcast %jit3A : f32 to vector<512x128xf32>
    %select_n3A = arith.select %lt3A_6, %sub3A, %broadcast_in_dim3A : vector<512x128xi1>, vector<512x128xf32>
    %mul3A = arith.mulf %select_n3A, %select_n3A : vector<512x128xf32>
    %reduce_sum3A = arith.constant dense<0.000000e+00> : vector<512xf32>
    %reduce_sum3A_7 = vector.multi_reduction <add>, %mul3A, %reduce_sum3A [1] : vector<512x128xf32> to vector<512xf32>
    %broadcast_in_dim3A_8 = vector.shape_cast %reduce_sum3A_7 : vector<512xf32> to vector<512x1xf32>
    %sqrt3A = math.sqrt %broadcast_in_dim3A_8 : vector<512x1xf32>
    %gt3A = arith.constant 0.000000e+00 : f32
    %gt3A_9 = vector.broadcast %gt3A : f32 to vector<512x1xf32>
    %gt3A_10 = arith.cmpf ogt, %sqrt3A, %gt3A_9 : vector<512x1xf32>
    %jit3A_11 = arith.constant 1.000000e+00 : f32
    %broadcast_in_dim3A_12 = vector.broadcast %jit3A_11 : f32 to vector<512x1xf32>
    %select_n3A_13 = arith.select %gt3A_10, %sqrt3A, %broadcast_in_dim3A_12 : vector<512x1xi1>, vector<512x1xf32>
    %div3A = vector.broadcast %select_n3A_13 : vector<512x1xf32> to vector<512x128xf32>
    %div3A_14 = arith.divf %select_n3A, %div3A : vector<512x128xf32>
    %get3A_15 = arith.constant 0 : index
    %get3A_16 = arith.constant 0 : index
    %get3A_17 = vector.load %arg3[%get3A_15, %get3A_16] : memref<128x32xf32, #tpu.memory_space<vmem>>, vector<128x32xf32>
    %dot_general3A = arith.constant dense<0.000000e+00> : vector<512x32xf32>
    %dot_general3A_18 = tpu.matmul %sub3A, %get3A_17, %dot_general3A {dimension_numbers = #tpu.dot_dimension_numbers<[1], [0], [0], [1], [0, 0, 1, 1], [], []>, transpose_lhs_hint = false} : vector<512x128xf32>, vector<128x32xf32>, vector<512x32xf32> -> vector<512x32xf32>
    %get3A_19 = arith.constant 0 : index
    %get3A_20 = arith.constant 0 : index
    %get3A_21 = vector.load %arg5[%get3A_19, %get3A_20] : memref<1x32xf32, #tpu.memory_space<vmem>>, vector<1x32xf32>
    %mul3A_22 = vector.broadcast %sqrt3A : vector<512x1xf32> to vector<512x32xf32>
    %mul3A_23 = vector.broadcast %get3A_21 : vector<1x32xf32> to vector<512x32xf32>
    %mul3A_24 = arith.mulf %mul3A_22, %mul3A_23 : vector<512x32xf32>
    %add3A = arith.addf %dot_general3A_18, %mul3A_24 : vector<512x32xf32>
    %get3A_25 = arith.constant 0 : index
    %get3A_26 = arith.constant 0 : index
    %get3A_27 = vector.load %arg4[%get3A_25, %get3A_26] : memref<128x32xf32, #tpu.memory_space<vmem>>, vector<128x32xf32>
    %dot_general3A_28 = arith.constant dense<0.000000e+00> : vector<512x32xf32>
    %dot_general3A_29 = tpu.matmul %div3A_14, %get3A_27, %dot_general3A_28 {dimension_numbers = #tpu.dot_dimension_numbers<[1], [0], [0], [1], [0, 0, 1, 1], [], []>, transpose_lhs_hint = false} : vector<512x128xf32>, vector<128x32xf32>, vector<512x32xf32> -> vector<512x32xf32>
    %add3A_30 = arith.addf %add3A, %dot_general3A_29 : vector<512x32xf32>
    %get3A_31 = arith.constant 0 : index
    %get3A_32 = arith.constant 0 : index
    %get3A_33 = vector.load %arg6[%get3A_31, %get3A_32] : memref<1x32xf32, #tpu.memory_space<vmem>>, vector<1x32xf32>
    %add3A_34 = vector.broadcast %get3A_33 : vector<1x32xf32> to vector<512x32xf32>
    %add3A_35 = arith.addf %add3A_30, %add3A_34 : vector<512x32xf32>
    %get3A_36 = arith.constant 0 : index
    %get3A_37 = arith.constant 0 : index
    %get3A_38 = vector.load %arg7[%get3A_36, %get3A_37] : memref<32x64xf32, #tpu.memory_space<vmem>>, vector<32x64xf32>
    %dot_general3A_39 = arith.constant dense<0.000000e+00> : vector<512x64xf32>
    %dot_general3A_40 = tpu.matmul %add3A_35, %get3A_38, %dot_general3A_39 {dimension_numbers = #tpu.dot_dimension_numbers<[1], [0], [0], [1], [0, 0, 1, 1], [], []>, transpose_lhs_hint = false} : vector<512x32xf32>, vector<32x64xf32>, vector<512x64xf32> -> vector<512x64xf32>
    %get3A_41 = arith.constant 0 : index
    %get3A_42 = arith.constant 0 : index
    %get3A_43 = vector.load %arg8[%get3A_41, %get3A_42] : memref<1x64xf32, #tpu.memory_space<vmem>>, vector<1x64xf32>
    %add3A_44 = vector.broadcast %get3A_43 : vector<1x64xf32> to vector<512x64xf32>
    %add3A_45 = arith.addf %dot_general3A_40, %add3A_44 : vector<512x64xf32>
    %max3A = arith.constant 0.000000e+00 : f32
    %max3A_46 = vector.broadcast %max3A : f32 to vector<512x64xf32>
    %max3A_47 = arith.maximumf %add3A_45, %max3A_46 : vector<512x64xf32>
    %eq3A = arith.constant 3 : i32
    %eq3A_48 = vector.broadcast %eq3A : i32 to vector<512x128xi32>
    %eq3A_49 = arith.cmpi eq, %iota3A, %eq3A_48 : vector<512x128xi32>
    %jit3A_50 = arith.constant 0.000000e+00 : f32
    %broadcast_in_dim3A_51 = vector.broadcast %jit3A_50 : f32 to vector<512x128xf32>
    %select_n3A_52 = arith.select %eq3A_49, %sub3A, %broadcast_in_dim3A_51 : vector<512x128xi1>, vector<512x128xf32>
    %reduce_sum3A_53 = arith.constant dense<0.000000e+00> : vector<512xf32>
    %reduce_sum3A_54 = vector.multi_reduction <add>, %select_n3A_52, %reduce_sum3A_53 [1] : vector<512x128xf32> to vector<512xf32>
    %broadcast_in_dim3A_55 = vector.shape_cast %reduce_sum3A_54 : vector<512xf32> to vector<512x1xf32>
    %gt3A_56 = arith.constant 0.000000e+00 : f32
    %gt3A_57 = vector.broadcast %gt3A_56 : f32 to vector<512x1xf32>
    %gt3A_58 = arith.cmpf ogt, %broadcast_in_dim3A_55, %gt3A_57 : vector<512x1xf32>
    %convert_element_type3A = arith.extui %gt3A_58 : vector<512x1xi1> to vector<512x1xi32>
    %convert_element_type3A_59 = arith.sitofp %convert_element_type3A : vector<512x1xi32> to vector<512x1xf32>
    %get3A_60 = arith.constant 0 : index
    %get3A_61 = arith.constant 0 : index
    %get3A_62 = vector.load %arg9[%get3A_60, %get3A_61] : memref<64x72xf32, #tpu.memory_space<vmem>>, vector<64x72xf32>
    %dot_general3A_63 = arith.constant dense<0.000000e+00> : vector<512x72xf32>
    %dot_general3A_64 = tpu.matmul %max3A_47, %get3A_62, %dot_general3A_63 {dimension_numbers = #tpu.dot_dimension_numbers<[1], [0], [0], [1], [0, 0, 1, 1], [], []>, transpose_lhs_hint = false} : vector<512x64xf32>, vector<64x72xf32>, vector<512x72xf32> -> vector<512x72xf32>
    %get3A_65 = arith.constant 0 : index
    %get3A_66 = arith.constant 0 : index
    %get3A_67 = vector.load %arg10[%get3A_65, %get3A_66] : memref<1x72xf32, #tpu.memory_space<vmem>>, vector<1x72xf32>
    %mul3A_68 = vector.broadcast %convert_element_type3A_59 : vector<512x1xf32> to vector<512x72xf32>
    %mul3A_69 = vector.broadcast %get3A_67 : vector<1x72xf32> to vector<512x72xf32>
    %mul3A_70 = arith.mulf %mul3A_68, %mul3A_69 : vector<512x72xf32>
    %add3A_71 = arith.addf %dot_general3A_64, %mul3A_70 : vector<512x72xf32>
    %swap3A = arith.constant 0 : index
    %swap3A_72 = arith.constant 0 : index
    %swap3A_73 = vector.load %arg11[%swap3A, %swap3A_72] : memref<512x72xf32, #tpu.memory_space<vmem>>, vector<512x72xf32>
    tpu.vector_store %arg11[%swap3A, %swap3A_72], %add3A_71 {strides = array<i32>} : memref<512x72xf32, #tpu.memory_space<vmem>>, vector<512x72xf32>,
    return
  }
  func.func @transform_0(%arg0: i32) -> (i32, i32) {
    %c0_i32 = arith.constant 0 : i32
    %c0_i32_0 = arith.constant 0 : i32
    return %arg0, %c0_i32 : i32, i32
  }
  func.func @transform_1(%arg0: i32) -> (i32, i32) {
    %c0_i32 = arith.constant 0 : i32
    %c0_i32_0 = arith.constant 0 : i32
    return %arg0, %c0_i32 : i32, i32
  }
  func.func @transform_2(%arg0: i32) -> (i32, i32) {
    %c0_i32 = arith.constant 0 : i32
    %c0_i32_0 = arith.constant 0 : i32
    %c0_i32_1 = arith.constant 0 : i32
    return %c0_i32, %c0_i32_0 : i32, i32
  }
  func.func @transform_3(%arg0: i32) -> (i32, i32) {
    %c0_i32 = arith.constant 0 : i32
    %c0_i32_0 = arith.constant 0 : i32
    %c0_i32_1 = arith.constant 0 : i32
    return %c0_i32, %c0_i32_0 : i32, i32
  }
  func.func @transform_4(%arg0: i32) -> (i32, i32) {
    %c0_i32 = arith.constant 0 : i32
    %c0_i32_0 = arith.constant 0 : i32
    %c0_i32_1 = arith.constant 0 : i32
    return %c0_i32, %c0_i32_0 : i32, i32
  }
  func.func @transform_5(%arg0: i32) -> (i32, i32) {
    %c0_i32 = arith.constant 0 : i32
    %c0_i32_0 = arith.constant 0 : i32
    %c0_i32_1 = arith.constant 0 : i32
    return %c0_i32, %c0_i32_0 : i32, i32
  }
  func.func @transform_6(%arg0: i32) -> (i32, i32) {
    %c0_i32 = arith.constant 0 : i32
    %c0_i32_0 = arith.constant 0 : i32
    %c0_i32_1 = arith.constant 0 : i32
    return %c0_i32, %c0_i32_0 : i32, i32
  }
  func.func @transform_7(%arg0: i32) -> (i32, i32) {
    %c0_i32 = arith.constant 0 : i32
    %c0_i32_0 = arith.constant 0 : i32
    %c0_i32_1 = arith.constant 0 : i32
    return %c0_i32, %c0_i32_0 : i32, i32
  }
  func.func @transform_8(%arg0: i32) -> (i32, i32) {
    %c0_i32 = arith.constant 0 : i32
    %c0_i32_0 = arith.constant 0 : i32
    %c0_i32_1 = arith.constant 0 : i32
    return %c0_i32, %c0_i32_0 : i32, i32
  }
  func.func @transform_9(%arg0: i32) -> (i32, i32) {
    %c0_i32 = arith.constant 0 : i32
    %c0_i32_0 = arith.constant 0 : i32
    %c0_i32_1 = arith.constant 0 : i32
    return %c0_i32, %c0_i32_0 : i32, i32
  }
  func.func @transform_10(%arg0: i32) -> (i32, i32) {
    %c0_i32 = arith.constant 0 : i32
    %c0_i32_0 = arith.constant 0 : i32
    return %arg0, %c0_i32 : i32, i32
  }
}

module attributes {stable_mosaic.version = 14 : i64} {
  func.func @_update_body(%arg0: i32, %arg1: memref<2x128x128xf32, #tpu.memory_space<vmem>>, %arg2: memref<128x128xf32, #tpu.memory_space<vmem>>, %arg3: memref<1x128xf32, #tpu.memory_space<vmem>>, %arg4: memref<128x128xf32, #tpu.memory_space<vmem>>, %arg5: memref<1x128xf32, #tpu.memory_space<vmem>>, %arg6: memref<128x128xf32, #tpu.memory_space<vmem>>) attributes {dimension_semantics = [#tpu.dimension_semantics<arbitrary>], iteration_bounds = array<i64: 80>, scalar_prefetch = 0 : i64, scratch_operands = 0 : i64, tpu.core_type = #tpu.core_type<tc>, window_params = [{transform_indices = @transform_0, window_bounds = array<i64: 2, 128, 128>}, {pipeline_mode = #tpu.pipeline_mode<synchronous>, transform_indices = @transform_1, window_bounds = array<i64: 128, 128>}, {pipeline_mode = #tpu.pipeline_mode<synchronous>, transform_indices = @transform_2, window_bounds = array<i64: 1, 128>}, {pipeline_mode = #tpu.pipeline_mode<synchronous>, transform_indices = @transform_3, window_bounds = array<i64: 128, 128>}, {pipeline_mode = #tpu.pipeline_mode<synchronous>, transform_indices = @transform_4, window_bounds = array<i64: 1, 128>}, {transform_indices = @transform_5, window_bounds = array<i64: 128, 128>}]} {
    %get3A = arith.constant 0 : index
    %get3A_0 = arith.constant 0 : index
    %get3A_1 = arith.constant 0 : index
    %get3A_2 = vector.load %arg1[%get3A, %get3A_0, %get3A_1] : memref<2x128x128xf32, #tpu.memory_space<vmem>>, vector<1x128x128xf32>
    %get3A_3 = vector.shape_cast %get3A_2 : vector<1x128x128xf32> to vector<128x128xf32>
    %get3A_4 = arith.constant 1 : index
    %get3A_5 = arith.constant 0 : index
    %get3A_6 = arith.constant 0 : index
    %get3A_7 = vector.load %arg1[%get3A_4, %get3A_5, %get3A_6] : memref<2x128x128xf32, #tpu.memory_space<vmem>>, vector<1x128x128xf32>
    %get3A_8 = vector.shape_cast %get3A_7 : vector<1x128x128xf32> to vector<128x128xf32>
    %add3A = arith.addf %get3A_3, %get3A_8 : vector<128x128xf32>
    %get3A_9 = arith.constant 0 : index
    %get3A_10 = arith.constant 0 : index
    %get3A_11 = vector.load %arg2[%get3A_9, %get3A_10] : memref<128x128xf32, #tpu.memory_space<vmem>>, vector<128x128xf32>
    %dot_general3A = arith.constant dense<0.000000e+00> : vector<128x128xf32>
    %dot_general3A_12 = tpu.matmul %add3A, %get3A_11, %dot_general3A {dimension_numbers = #tpu.dot_dimension_numbers<[1], [0], [0], [1], [0, 0, 1, 1], [], []>, transpose_lhs_hint = false} : vector<128x128xf32>, vector<128x128xf32>, vector<128x128xf32> -> vector<128x128xf32>
    %get3A_13 = arith.constant 0 : index
    %get3A_14 = arith.constant 0 : index
    %get3A_15 = vector.load %arg3[%get3A_13, %get3A_14] : memref<1x128xf32, #tpu.memory_space<vmem>>, vector<1x128xf32>
    %add3A_16 = vector.broadcast %get3A_15 : vector<1x128xf32> to vector<128x128xf32>
    %add3A_17 = arith.addf %dot_general3A_12, %add3A_16 : vector<128x128xf32>
    %max3A = arith.constant 0.000000e+00 : f32
    %max3A_18 = vector.broadcast %max3A : f32 to vector<128x128xf32>
    %max3A_19 = arith.maximumf %add3A_17, %max3A_18 : vector<128x128xf32>
    %get3A_20 = arith.constant 0 : index
    %get3A_21 = arith.constant 0 : index
    %get3A_22 = vector.load %arg4[%get3A_20, %get3A_21] : memref<128x128xf32, #tpu.memory_space<vmem>>, vector<128x128xf32>
    %dot_general3A_23 = arith.constant dense<0.000000e+00> : vector<128x128xf32>
    %dot_general3A_24 = tpu.matmul %max3A_19, %get3A_22, %dot_general3A_23 {dimension_numbers = #tpu.dot_dimension_numbers<[1], [0], [0], [1], [0, 0, 1, 1], [], []>, transpose_lhs_hint = false} : vector<128x128xf32>, vector<128x128xf32>, vector<128x128xf32> -> vector<128x128xf32>
    %get3A_25 = arith.constant 0 : index
    %get3A_26 = arith.constant 0 : index
    %get3A_27 = vector.load %arg5[%get3A_25, %get3A_26] : memref<1x128xf32, #tpu.memory_space<vmem>>, vector<1x128xf32>
    %add3A_28 = vector.broadcast %get3A_27 : vector<1x128xf32> to vector<128x128xf32>
    %add3A_29 = arith.addf %dot_general3A_24, %add3A_28 : vector<128x128xf32>
    %max3A_30 = arith.constant 0.000000e+00 : f32
    %max3A_31 = vector.broadcast %max3A_30 : f32 to vector<128x128xf32>
    %max3A_32 = arith.maximumf %add3A_29, %max3A_31 : vector<128x128xf32>
    %swap3A = arith.constant 0 : index
    %swap3A_33 = arith.constant 0 : index
    %swap3A_34 = vector.load %arg6[%swap3A, %swap3A_33] : memref<128x128xf32, #tpu.memory_space<vmem>>, vector<128x128xf32>
    tpu.vector_store %arg6[%swap3A, %swap3A_33], %max3A_32 {strides = array<i32>} : memref<128x128xf32, #tpu.memory_space<vmem>>, vector<128x128xf32>,
    return
  }
  func.func @transform_0(%arg0: i32) -> (i32, i32, i32) {
    %c0_i32 = arith.constant 0 : i32
    %c0_i32_0 = arith.constant 0 : i32
    %c0_i32_1 = arith.constant 0 : i32
    return %c0_i32, %arg0, %c0_i32_0 : i32, i32, i32
  }
  func.func @transform_1(%arg0: i32) -> (i32, i32) {
    %c0_i32 = arith.constant 0 : i32
    %c0_i32_0 = arith.constant 0 : i32
    %c0_i32_1 = arith.constant 0 : i32
    return %c0_i32, %c0_i32_0 : i32, i32
  }
  func.func @transform_2(%arg0: i32) -> (i32, i32) {
    %c0_i32 = arith.constant 0 : i32
    %c0_i32_0 = arith.constant 0 : i32
    %c0_i32_1 = arith.constant 0 : i32
    return %c0_i32, %c0_i32_0 : i32, i32
  }
  func.func @transform_3(%arg0: i32) -> (i32, i32) {
    %c0_i32 = arith.constant 0 : i32
    %c0_i32_0 = arith.constant 0 : i32
    %c0_i32_1 = arith.constant 0 : i32
    return %c0_i32, %c0_i32_0 : i32, i32
  }
  func.func @transform_4(%arg0: i32) -> (i32, i32) {
    %c0_i32 = arith.constant 0 : i32
    %c0_i32_0 = arith.constant 0 : i32
    %c0_i32_1 = arith.constant 0 : i32
    return %c0_i32, %c0_i32_0 : i32, i32
  }
  func.func @transform_5(%arg0: i32) -> (i32, i32) {
    %c0_i32 = arith.constant 0 : i32
    %c0_i32_0 = arith.constant 0 : i32
    return %arg0, %c0_i32 : i32, i32
  }
}

module attributes {stable_mosaic.version = 14 : i64} {
  func.func @_pool_dec_body(%arg0: i32, %arg1: memref<128x128xf32, #tpu.memory_space<vmem>>, %arg2: memref<1x1x128xi32, #tpu.memory_space<vmem>>, %arg3: memref<128x128xf32, #tpu.memory_space<vmem>>, %arg4: memref<1x128xf32, #tpu.memory_space<vmem>>, %arg5: memref<128x64xf32, #tpu.memory_space<vmem>>, %arg6: memref<128x64xf32, #tpu.memory_space<vmem>>, %arg7: memref<1x64xf32, #tpu.memory_space<vmem>>, %arg8: memref<1x64xf32, #tpu.memory_space<vmem>>, %arg9: memref<64x128xf32, #tpu.memory_space<vmem>>, %arg10: memref<1x128xf32, #tpu.memory_space<vmem>>, %arg11: memref<128x128xf32, #tpu.memory_space<vmem>>, %arg12: memref<1x128xf32, #tpu.memory_space<vmem>>, %arg13: memref<128x128xf32, #tpu.memory_space<vmem>>, %arg14: memref<1x128xf32, #tpu.memory_space<vmem>>, %arg15: memref<128x64xf32, #tpu.memory_space<vmem>>, %arg16: memref<1x64xf32, #tpu.memory_space<vmem>>, %arg17: memref<64x32xf32, #tpu.memory_space<vmem>>, %arg18: memref<1x32xf32, #tpu.memory_space<vmem>>, %arg19: memref<32x7xf32, #tpu.memory_space<vmem>>, %arg20: memref<1x7xf32, #tpu.memory_space<vmem>>, %arg21: memref<7x128xf32, #tpu.memory_space<vmem>>, %arg22: memref<64x128xf32, #tpu.memory_space<vmem>>, %arg23: memref<64x128xf32, #tpu.memory_space<vmem>>) attributes {dimension_semantics = [#tpu.dimension_semantics<arbitrary>], iteration_bounds = array<i64: 80>, scalar_prefetch = 0 : i64, scratch_operands = 1 : i64, tpu.core_type = #tpu.core_type<tc>, window_params = [{transform_indices = @transform_0, window_bounds = array<i64: 128, 128>}, {transform_indices = @transform_1, window_bounds = array<i64: 1, 1, 128>}, {pipeline_mode = #tpu.pipeline_mode<synchronous>, transform_indices = @transform_2, window_bounds = array<i64: 128, 128>}, {pipeline_mode = #tpu.pipeline_mode<synchronous>, transform_indices = @transform_3, window_bounds = array<i64: 1, 128>}, {pipeline_mode = #tpu.pipeline_mode<synchronous>, transform_indices = @transform_4, window_bounds = array<i64: 128, 64>}, {pipeline_mode = #tpu.pipeline_mode<synchronous>, transform_indices = @transform_5, window_bounds = array<i64: 128, 64>}, {pipeline_mode = #tpu.pipeline_mode<synchronous>, transform_indices = @transform_6, window_bounds = array<i64: 1, 64>}, {pipeline_mode = #tpu.pipeline_mode<synchronous>, transform_indices = @transform_7, window_bounds = array<i64: 1, 64>}, {pipeline_mode = #tpu.pipeline_mode<synchronous>, transform_indices = @transform_8, window_bounds = array<i64: 64, 128>}, {pipeline_mode = #tpu.pipeline_mode<synchronous>, transform_indices = @transform_9, window_bounds = array<i64: 1, 128>}, {pipeline_mode = #tpu.pipeline_mode<synchronous>, transform_indices = @transform_10, window_bounds = array<i64: 128, 128>}, {pipeline_mode = #tpu.pipeline_mode<synchronous>, transform_indices = @transform_11, window_bounds = array<i64: 1, 128>}, {pipeline_mode = #tpu.pipeline_mode<synchronous>, transform_indices = @transform_12, window_bounds = array<i64: 128, 128>}, {pipeline_mode = #tpu.pipeline_mode<synchronous>, transform_indices = @transform_13, window_bounds = array<i64: 1, 128>}, {pipeline_mode = #tpu.pipeline_mode<synchronous>, transform_indices = @transform_14, window_bounds = array<i64: 128, 64>}, {pipeline_mode = #tpu.pipeline_mode<synchronous>, transform_indices = @transform_15, window_bounds = array<i64: 1, 64>}, {pipeline_mode = #tpu.pipeline_mode<synchronous>, transform_indices = @transform_16, window_bounds = array<i64: 64, 32>}, {pipeline_mode = #tpu.pipeline_mode<synchronous>, transform_indices = @transform_17, window_bounds = array<i64: 1, 32>}, {pipeline_mode = #tpu.pipeline_mode<synchronous>, transform_indices = @transform_18, window_bounds = array<i64: 32, 7>}, {pipeline_mode = #tpu.pipeline_mode<synchronous>, transform_indices = @transform_19, window_bounds = array<i64: 1, 7>}, {pipeline_mode = #tpu.pipeline_mode<synchronous>, transform_indices = @transform_20, window_bounds = array<i64: 7, 128>}, {pipeline_mode = #tpu.pipeline_mode<synchronous>, transform_indices = @transform_21, window_bounds = array<i64: 64, 128>}]} {
    %eq3A = arith.constant 0 : i32
    %eq3A_0 = arith.cmpi eq, %arg0, %eq3A : i32
    %convert_element_type3A = arith.extui %eq3A_0 : i1 to i32
    %cond3A = arith.constant 0 : i32
    %cond3A_1 = arith.cmpi ne, %convert_element_type3A, %cond3A : i32
    scf.if %cond3A_1 {
      %broadcast_in_dim3A = arith.constant 0.000000e+00 : f32
      %broadcast_in_dim3A_34 = vector.broadcast %broadcast_in_dim3A : f32 to vector<64x128xf32>
      %swap3A_35 = arith.constant 0 : index
      %swap3A_36 = arith.constant 0 : index
      %swap3A_37 = vector.load %arg23[%swap3A_35, %swap3A_36] : memref<64x128xf32, #tpu.memory_space<vmem>>, vector<64x128xf32>
      tpu.vector_store %arg23[%swap3A_35, %swap3A_36], %broadcast_in_dim3A_34 {strides = array<i32>} : memref<64x128xf32, #tpu.memory_space<vmem>>, vector<64x128xf32>,
    } else {
    }
    %get3A = arith.constant 0 : index
    %get3A_2 = arith.constant 0 : index
    %get3A_3 = arith.constant 0 : index
    %get3A_4 = vector.load %arg2[%get3A, %get3A_2, %get3A_3] : memref<1x1x128xi32, #tpu.memory_space<vmem>>, vector<1x1x128xi32>
    %get3A_5 = vector.shape_cast %get3A_4 : vector<1x1x128xi32> to vector<1x128xi32>
    %iota3A = tpu.iota {dimensions = array<i32: 0>} : vector<64x128xi32>
    %eq3A_6 = vector.broadcast %get3A_5 : vector<1x128xi32> to vector<64x128xi32>
    %eq3A_7 = arith.cmpi eq, %iota3A, %eq3A_6 : vector<64x128xi32>
    %convert_element_type3A_8 = arith.extui %eq3A_7 : vector<64x128xi1> to vector<64x128xi32>
    %convert_element_type3A_9 = arith.sitofp %convert_element_type3A_8 : vector<64x128xi32> to vector<64x128xf32>
    %get3A_10 = arith.constant 0 : index
    %get3A_11 = arith.constant 0 : index
    %get3A_12 = vector.load %arg1[%get3A_10, %get3A_11] : memref<128x128xf32, #tpu.memory_space<vmem>>, vector<128x128xf32>
    %get3A_13 = arith.constant 0 : index
    %get3A_14 = arith.constant 0 : index
    %get3A_15 = vector.load %arg3[%get3A_13, %get3A_14] : memref<128x128xf32, #tpu.memory_space<vmem>>, vector<128x128xf32>
    %dot_general3A = arith.constant dense<0.000000e+00> : vector<128x128xf32>
    %dot_general3A_16 = tpu.matmul %get3A_12, %get3A_15, %dot_general3A {dimension_numbers = #tpu.dot_dimension_numbers<[1], [0], [0], [1], [0, 0, 1, 1], [], []>, transpose_lhs_hint = false} : vector<128x128xf32>, vector<128x128xf32>, vector<128x128xf32> -> vector<128x128xf32>
    %get3A_17 = arith.constant 0 : index
    %get3A_18 = arith.constant 0 : index
    %get3A_19 = vector.load %arg4[%get3A_17, %get3A_18] : memref<1x128xf32, #tpu.memory_space<vmem>>, vector<1x128xf32>
    %add3A = vector.broadcast %get3A_19 : vector<1x128xf32> to vector<128x128xf32>
    %add3A_20 = arith.addf %dot_general3A_16, %add3A : vector<128x128xf32>
    %get3A_21 = arith.constant 0 : index
    %get3A_22 = arith.constant 0 : index
    %get3A_23 = vector.load %arg23[%get3A_21, %get3A_22] : memref<64x128xf32, #tpu.memory_space<vmem>>, vector<64x128xf32>
    %dot_general3A_24 = arith.constant dense<0.000000e+00> : vector<64x128xf32>
    %dot_general3A_25 = tpu.matmul %convert_element_type3A_9, %add3A_20, %dot_general3A_24 {dimension_numbers = #tpu.dot_dimension_numbers<[1], [0], [0], [1], [0, 0, 1, 1], [], []>, transpose_lhs_hint = false} : vector<64x128xf32>, vector<128x128xf32>, vector<64x128xf32> -> vector<64x128xf32>
    %add3A_26 = arith.addf %get3A_23, %dot_general3A_25 : vector<64x128xf32>
    %swap3A = arith.constant 0 : index
    %swap3A_27 = arith.constant 0 : index
    %swap3A_28 = vector.load %arg23[%swap3A, %swap3A_27] : memref<64x128xf32, #tpu.memory_space<vmem>>, vector<64x128xf32>
    tpu.vector_store %arg23[%swap3A, %swap3A_27], %add3A_26 {strides = array<i32>} : memref<64x128xf32, #tpu.memory_space<vmem>>, vector<64x128xf32>,
    %eq3A_29 = arith.constant 79 : i32
    %eq3A_30 = arith.cmpi eq, %arg0, %eq3A_29 : i32
    %convert_element_type3A_31 = arith.extui %eq3A_30 : i1 to i32
    %cond3A_32 = arith.constant 0 : i32
    %cond3A_33 = arith.cmpi ne, %convert_element_type3A_31, %cond3A_32 : i32
    scf.if %cond3A_33 {
      %get3A_34 = arith.constant 0 : index
      %get3A_35 = arith.constant 0 : index
      %get3A_36 = vector.load %arg23[%get3A_34, %get3A_35] : memref<64x128xf32, #tpu.memory_space<vmem>>, vector<64x128xf32>
      %get3A_37 = arith.constant 0 : index
      %get3A_38 = arith.constant 0 : index
      %get3A_39 = vector.load %arg5[%get3A_37, %get3A_38] : memref<128x64xf32, #tpu.memory_space<vmem>>, vector<128x64xf32>
      %dot_general3A_40 = arith.constant dense<0.000000e+00> : vector<64x64xf32>
      %dot_general3A_41 = tpu.matmul %get3A_36, %get3A_39, %dot_general3A_40 {dimension_numbers = #tpu.dot_dimension_numbers<[1], [0], [0], [1], [0, 0, 1, 1], [], []>, transpose_lhs_hint = false} : vector<64x128xf32>, vector<128x64xf32>, vector<64x64xf32> -> vector<64x64xf32>
      %get3A_42 = arith.constant 0 : index
      %get3A_43 = arith.constant 0 : index
      %get3A_44 = vector.load %arg6[%get3A_42, %get3A_43] : memref<128x64xf32, #tpu.memory_space<vmem>>, vector<128x64xf32>
      %dot_general3A_45 = arith.constant dense<0.000000e+00> : vector<64x64xf32>
      %dot_general3A_46 = tpu.matmul %get3A_36, %get3A_44, %dot_general3A_45 {dimension_numbers = #tpu.dot_dimension_numbers<[1], [0], [0], [1], [0, 0, 1, 1], [], []>, transpose_lhs_hint = false} : vector<64x128xf32>, vector<128x64xf32>, vector<64x64xf32> -> vector<64x64xf32>
      %max3A = arith.constant 1.000000e+00 : f32
      %max3A_47 = vector.broadcast %max3A : f32 to vector<64x64xf32>
      %max3A_48 = arith.maximumf %dot_general3A_46, %max3A_47 : vector<64x64xf32>
      %div3A = arith.divf %dot_general3A_41, %max3A_48 : vector<64x64xf32>
      %get3A_49 = arith.constant 0 : index
      %get3A_50 = arith.constant 0 : index
      %get3A_51 = vector.load %arg7[%get3A_49, %get3A_50] : memref<1x64xf32, #tpu.memory_space<vmem>>, vector<1x64xf32>
      %mul3A = vector.broadcast %get3A_51 : vector<1x64xf32> to vector<64x64xf32>
      %mul3A_52 = arith.mulf %div3A, %mul3A : vector<64x64xf32>
      %get3A_53 = arith.constant 0 : index
      %get3A_54 = arith.constant 0 : index
      %get3A_55 = vector.load %arg8[%get3A_53, %get3A_54] : memref<1x64xf32, #tpu.memory_space<vmem>>, vector<1x64xf32>
      %add3A_56 = vector.broadcast %get3A_55 : vector<1x64xf32> to vector<64x64xf32>
      %add3A_57 = arith.addf %mul3A_52, %add3A_56 : vector<64x64xf32>
      %get3A_58 = arith.constant 0 : index
      %get3A_59 = arith.constant 0 : index
      %get3A_60 = vector.load %arg9[%get3A_58, %get3A_59] : memref<64x128xf32, #tpu.memory_space<vmem>>, vector<64x128xf32>
      %dot_general3A_61 = arith.constant dense<0.000000e+00> : vector<64x128xf32>
      %dot_general3A_62 = tpu.matmul %add3A_57, %get3A_60, %dot_general3A_61 {dimension_numbers = #tpu.dot_dimension_numbers<[1], [0], [0], [1], [0, 0, 1, 1], [], []>, transpose_lhs_hint = false} : vector<64x64xf32>, vector<64x128xf32>, vector<64x128xf32> -> vector<64x128xf32>
      %get3A_63 = arith.constant 0 : index
      %get3A_64 = arith.constant 0 : index
      %get3A_65 = vector.load %arg10[%get3A_63, %get3A_64] : memref<1x128xf32, #tpu.memory_space<vmem>>, vector<1x128xf32>
      %add3A_66 = vector.broadcast %get3A_65 : vector<1x128xf32> to vector<64x128xf32>
      %add3A_67 = arith.addf %dot_general3A_62, %add3A_66 : vector<64x128xf32>
      %max3A_68 = arith.constant 0.000000e+00 : f32
      %max3A_69 = vector.broadcast %max3A_68 : f32 to vector<64x128xf32>
      %max3A_70 = arith.maximumf %add3A_67, %max3A_69 : vector<64x128xf32>
      %get3A_71 = arith.constant 0 : index
      %get3A_72 = arith.constant 0 : index
      %get3A_73 = vector.load %arg11[%get3A_71, %get3A_72] : memref<128x128xf32, #tpu.memory_space<vmem>>, vector<128x128xf32>
      %dot_general3A_74 = arith.constant dense<0.000000e+00> : vector<64x128xf32>
      %dot_general3A_75 = tpu.matmul %max3A_70, %get3A_73, %dot_general3A_74 {dimension_numbers = #tpu.dot_dimension_numbers<[1], [0], [0], [1], [0, 0, 1, 1], [], []>, transpose_lhs_hint = false} : vector<64x128xf32>, vector<128x128xf32>, vector<64x128xf32> -> vector<64x128xf32>
      %get3A_76 = arith.constant 0 : index
      %get3A_77 = arith.constant 0 : index
      %get3A_78 = vector.load %arg12[%get3A_76, %get3A_77] : memref<1x128xf32, #tpu.memory_space<vmem>>, vector<1x128xf32>
      %add3A_79 = vector.broadcast %get3A_78 : vector<1x128xf32> to vector<64x128xf32>
      %add3A_80 = arith.addf %dot_general3A_75, %add3A_79 : vector<64x128xf32>
      %max3A_81 = arith.constant 0.000000e+00 : f32
      %max3A_82 = vector.broadcast %max3A_81 : f32 to vector<64x128xf32>
      %max3A_83 = arith.maximumf %add3A_80, %max3A_82 : vector<64x128xf32>
      %get3A_84 = arith.constant 0 : index
      %get3A_85 = arith.constant 0 : index
      %get3A_86 = vector.load %arg13[%get3A_84, %get3A_85] : memref<128x128xf32, #tpu.memory_space<vmem>>, vector<128x128xf32>
      %dot_general3A_87 = arith.constant dense<0.000000e+00> : vector<64x128xf32>
      %dot_general3A_88 = tpu.matmul %max3A_83, %get3A_86, %dot_general3A_87 {dimension_numbers = #tpu.dot_dimension_numbers<[1], [0], [0], [1], [0, 0, 1, 1], [], []>, transpose_lhs_hint = false} : vector<64x128xf32>, vector<128x128xf32>, vector<64x128xf32> -> vector<64x128xf32>
      %get3A_89 = arith.constant 0 : index
      %get3A_90 = arith.constant 0 : index
      %get3A_91 = vector.load %arg14[%get3A_89, %get3A_90] : memref<1x128xf32, #tpu.memory_space<vmem>>, vector<1x128xf32>
      %add3A_92 = vector.broadcast %get3A_91 : vector<1x128xf32> to vector<64x128xf32>
      %add3A_93 = arith.addf %dot_general3A_88, %add3A_92 : vector<64x128xf32>
      %max3A_94 = arith.constant 0.000000e+00 : f32
      %max3A_95 = vector.broadcast %max3A_94 : f32 to vector<64x128xf32>
      %max3A_96 = arith.maximumf %add3A_93, %max3A_95 : vector<64x128xf32>
      %get3A_97 = arith.constant 0 : index
      %get3A_98 = arith.constant 0 : index
      %get3A_99 = vector.load %arg15[%get3A_97, %get3A_98] : memref<128x64xf32, #tpu.memory_space<vmem>>, vector<128x64xf32>
      %dot_general3A_100 = arith.constant dense<0.000000e+00> : vector<64x64xf32>
      %dot_general3A_101 = tpu.matmul %max3A_96, %get3A_99, %dot_general3A_100 {dimension_numbers = #tpu.dot_dimension_numbers<[1], [0], [0], [1], [0, 0, 1, 1], [], []>, transpose_lhs_hint = false} : vector<64x128xf32>, vector<128x64xf32>, vector<64x64xf32> -> vector<64x64xf32>
      %get3A_102 = arith.constant 0 : index
      %get3A_103 = arith.constant 0 : index
      %get3A_104 = vector.load %arg16[%get3A_102, %get3A_103] : memref<1x64xf32, #tpu.memory_space<vmem>>, vector<1x64xf32>
      %add3A_105 = vector.broadcast %get3A_104 : vector<1x64xf32> to vector<64x64xf32>
      %add3A_106 = arith.addf %dot_general3A_101, %add3A_105 : vector<64x64xf32>
      %max3A_107 = arith.constant 0.000000e+00 : f32
      %max3A_108 = vector.broadcast %max3A_107 : f32 to vector<64x64xf32>
      %max3A_109 = arith.maximumf %add3A_106, %max3A_108 : vector<64x64xf32>
      %get3A_110 = arith.constant 0 : index
      %get3A_111 = arith.constant 0 : index
      %get3A_112 = vector.load %arg17[%get3A_110, %get3A_111] : memref<64x32xf32, #tpu.memory_space<vmem>>, vector<64x32xf32>
      %dot_general3A_113 = arith.constant dense<0.000000e+00> : vector<64x32xf32>
      %dot_general3A_114 = tpu.matmul %max3A_109, %get3A_112, %dot_general3A_113 {dimension_numbers = #tpu.dot_dimension_numbers<[1], [0], [0], [1], [0, 0, 1, 1], [], []>, transpose_lhs_hint = false} : vector<64x64xf32>, vector<64x32xf32>, vector<64x32xf32> -> vector<64x32xf32>
      %get3A_115 = arith.constant 0 : index
      %get3A_116 = arith.constant 0 : index
      %get3A_117 = vector.load %arg18[%get3A_115, %get3A_116] : memref<1x32xf32, #tpu.memory_space<vmem>>, vector<1x32xf32>
      %add3A_118 = vector.broadcast %get3A_117 : vector<1x32xf32> to vector<64x32xf32>
      %add3A_119 = arith.addf %dot_general3A_114, %add3A_118 : vector<64x32xf32>
      %tanh3A = math.tanh %add3A_119 : vector<64x32xf32>
      %get3A_120 = arith.constant 0 : index
      %get3A_121 = arith.constant 0 : index
      %get3A_122 = vector.load %arg19[%get3A_120, %get3A_121] : memref<32x7xf32, #tpu.memory_space<vmem>>, vector<32x7xf32>
      %dot_general3A_123 = arith.constant dense<0.000000e+00> : vector<64x7xf32>
      %dot_general3A_124 = tpu.matmul %tanh3A, %get3A_122, %dot_general3A_123 {dimension_numbers = #tpu.dot_dimension_numbers<[1], [0], [0], [1], [0, 0, 1, 1], [], []>, transpose_lhs_hint = false} : vector<64x32xf32>, vector<32x7xf32>, vector<64x7xf32> -> vector<64x7xf32>
      %get3A_125 = arith.constant 0 : index
      %get3A_126 = arith.constant 0 : index
      %get3A_127 = vector.load %arg20[%get3A_125, %get3A_126] : memref<1x7xf32, #tpu.memory_space<vmem>>, vector<1x7xf32>
      %add3A_128 = vector.broadcast %get3A_127 : vector<1x7xf32> to vector<64x7xf32>
      %add3A_129 = arith.addf %dot_general3A_124, %add3A_128 : vector<64x7xf32>
      %get3A_130 = arith.constant 0 : index
      %get3A_131 = arith.constant 0 : index
      %get3A_132 = vector.load %arg21[%get3A_130, %get3A_131] : memref<7x128xf32, #tpu.memory_space<vmem>>, vector<7x128xf32>
      %dot_general3A_133 = arith.constant dense<0.000000e+00> : vector<64x128xf32>
      %dot_general3A_134 = tpu.matmul %add3A_129, %get3A_132, %dot_general3A_133 {dimension_numbers = #tpu.dot_dimension_numbers<[1], [0], [0], [1], [0, 0, 1, 1], [], []>, transpose_lhs_hint = false} : vector<64x7xf32>, vector<7x128xf32>, vector<64x128xf32> -> vector<64x128xf32>
      %swap3A_135 = arith.constant 0 : index
      %swap3A_136 = arith.constant 0 : index
      %swap3A_137 = vector.load %arg22[%swap3A_135, %swap3A_136] : memref<64x128xf32, #tpu.memory_space<vmem>>, vector<64x128xf32>
      tpu.vector_store %arg22[%swap3A_135, %swap3A_136], %dot_general3A_134 {strides = array<i32>} : memref<64x128xf32, #tpu.memory_space<vmem>>, vector<64x128xf32>,
    } else {
    }
    return
  }
  func.func @transform_0(%arg0: i32) -> (i32, i32) {
    %c0_i32 = arith.constant 0 : i32
    %c0_i32_0 = arith.constant 0 : i32
    return %arg0, %c0_i32 : i32, i32
  }
  func.func @transform_1(%arg0: i32) -> (i32, i32, i32) {
    %c0_i32 = arith.constant 0 : i32
    %c0_i32_0 = arith.constant 0 : i32
    %c0_i32_1 = arith.constant 0 : i32
    return %arg0, %c0_i32, %c0_i32_0 : i32, i32, i32
  }
  func.func @transform_2(%arg0: i32) -> (i32, i32) {
    %c0_i32 = arith.constant 0 : i32
    %c0_i32_0 = arith.constant 0 : i32
    %c0_i32_1 = arith.constant 0 : i32
    return %c0_i32, %c0_i32_0 : i32, i32
  }
  func.func @transform_3(%arg0: i32) -> (i32, i32) {
    %c0_i32 = arith.constant 0 : i32
    %c0_i32_0 = arith.constant 0 : i32
    %c0_i32_1 = arith.constant 0 : i32
    return %c0_i32, %c0_i32_0 : i32, i32
  }
  func.func @transform_4(%arg0: i32) -> (i32, i32) {
    %c0_i32 = arith.constant 0 : i32
    %c0_i32_0 = arith.constant 0 : i32
    %c0_i32_1 = arith.constant 0 : i32
    return %c0_i32, %c0_i32_0 : i32, i32
  }
  func.func @transform_5(%arg0: i32) -> (i32, i32) {
    %c0_i32 = arith.constant 0 : i32
    %c0_i32_0 = arith.constant 0 : i32
    %c0_i32_1 = arith.constant 0 : i32
    return %c0_i32, %c0_i32_0 : i32, i32
  }
  func.func @transform_6(%arg0: i32) -> (i32, i32) {
    %c0_i32 = arith.constant 0 : i32
    %c0_i32_0 = arith.constant 0 : i32
    %c0_i32_1 = arith.constant 0 : i32
    return %c0_i32, %c0_i32_0 : i32, i32
  }
  func.func @transform_7(%arg0: i32) -> (i32, i32) {
    %c0_i32 = arith.constant 0 : i32
    %c0_i32_0 = arith.constant 0 : i32
    %c0_i32_1 = arith.constant 0 : i32
    return %c0_i32, %c0_i32_0 : i32, i32
  }
  func.func @transform_8(%arg0: i32) -> (i32, i32) {
    %c0_i32 = arith.constant 0 : i32
    %c0_i32_0 = arith.constant 0 : i32
    %c0_i32_1 = arith.constant 0 : i32
    return %c0_i32, %c0_i32_0 : i32, i32
  }
  func.func @transform_9(%arg0: i32) -> (i32, i32) {
    %c0_i32 = arith.constant 0 : i32
    %c0_i32_0 = arith.constant 0 : i32
    %c0_i32_1 = arith.constant 0 : i32
    return %c0_i32, %c0_i32_0 : i32, i32
  }
  func.func @transform_10(%arg0: i32) -> (i32, i32) {
    %c0_i32 = arith.constant 0 : i32
    %c0_i32_0 = arith.constant 0 : i32
    %c0_i32_1 = arith.constant 0 : i32
    return %c0_i32, %c0_i32_0 : i32, i32
  }
  func.func @transform_11(%arg0: i32) -> (i32, i32) {
    %c0_i32 = arith.constant 0 : i32
    %c0_i32_0 = arith.constant 0 : i32
    %c0_i32_1 = arith.constant 0 : i32
    return %c0_i32, %c0_i32_0 : i32, i32
  }
  func.func @transform_12(%arg0: i32) -> (i32, i32) {
    %c0_i32 = arith.constant 0 : i32
    %c0_i32_0 = arith.constant 0 : i32
    %c0_i32_1 = arith.constant 0 : i32
    return %c0_i32, %c0_i32_0 : i32, i32
  }
  func.func @transform_13(%arg0: i32) -> (i32, i32) {
    %c0_i32 = arith.constant 0 : i32
    %c0_i32_0 = arith.constant 0 : i32
    %c0_i32_1 = arith.constant 0 : i32
    return %c0_i32, %c0_i32_0 : i32, i32
  }
  func.func @transform_14(%arg0: i32) -> (i32, i32) {
    %c0_i32 = arith.constant 0 : i32
    %c0_i32_0 = arith.constant 0 : i32
    %c0_i32_1 = arith.constant 0 : i32
    return %c0_i32, %c0_i32_0 : i32, i32
  }
  func.func @transform_15(%arg0: i32) -> (i32, i32) {
    %c0_i32 = arith.constant 0 : i32
    %c0_i32_0 = arith.constant 0 : i32
    %c0_i32_1 = arith.constant 0 : i32
    return %c0_i32, %c0_i32_0 : i32, i32
  }
  func.func @transform_16(%arg0: i32) -> (i32, i32) {
    %c0_i32 = arith.constant 0 : i32
    %c0_i32_0 = arith.constant 0 : i32
    %c0_i32_1 = arith.constant 0 : i32
    return %c0_i32, %c0_i32_0 : i32, i32
  }
  func.func @transform_17(%arg0: i32) -> (i32, i32) {
    %c0_i32 = arith.constant 0 : i32
    %c0_i32_0 = arith.constant 0 : i32
    %c0_i32_1 = arith.constant 0 : i32
    return %c0_i32, %c0_i32_0 : i32, i32
  }
  func.func @transform_18(%arg0: i32) -> (i32, i32) {
    %c0_i32 = arith.constant 0 : i32
    %c0_i32_0 = arith.constant 0 : i32
    %c0_i32_1 = arith.constant 0 : i32
    return %c0_i32, %c0_i32_0 : i32, i32
  }
  func.func @transform_19(%arg0: i32) -> (i32, i32) {
    %c0_i32 = arith.constant 0 : i32
    %c0_i32_0 = arith.constant 0 : i32
    %c0_i32_1 = arith.constant 0 : i32
    return %c0_i32, %c0_i32_0 : i32, i32
  }
  func.func @transform_20(%arg0: i32) -> (i32, i32) {
    %c0_i32 = arith.constant 0 : i32
    %c0_i32_0 = arith.constant 0 : i32
    %c0_i32_1 = arith.constant 0 : i32
    return %c0_i32, %c0_i32_0 : i32, i32
  }
  func.func @transform_21(%arg0: i32) -> (i32, i32) {
    %c0_i32 = arith.constant 0 : i32
    %c0_i32_0 = arith.constant 0 : i32
    %c0_i32_1 = arith.constant 0 : i32
    return %c0_i32, %c0_i32_0 : i32, i32
  }
}

</mosaic_0001>

<sc_bundles>
// kernel: kernel.17.cloned.1.call-start
scs
__scs_entry_jumppad:
0x0: {  	(pc) =	sbr.rel $0x88, $3  }
0x1: {  	(tag) =	ssettag $0x0;
	lr =	simm.s32 $0x1  }
0x2: {  	[smem:$0x3F6A] =	sst lr;
	_ =	strace $0xD0000000  }
0x3: {  	_ = 	snop  }
0x4: {  	_ = 	snop  }
0x5: {  	_ = 	snop  }
0x6: {  	_ = 	snop  }
0x7: {  	_ = 	snop  }
__scs_overlays_trampoline_lowered:
0x8: {  	[smem:$0x3F79] =	sst s0  }
0x9: {  	[smem:$0x3F7A] =	sst s1  }
0xa: {  	[smem:$0x3F7B] =	sst s2  }
0xb: {  	[smem:$0x3F7C] =	sst s3  }
0xc: {  	[smem:$0x3F7D] =	sst s4  }
0xd: {  	[smem:$0x3F7E] =	sst s5  }
0xe: {  	[smem:$0x3F7F] =	sst s6  }
0xf: {  	[smem:$0x3F80] =	sst s7  }
0x10: {  	[smem:$0x3F81] =	sst s8  }
0x11: {  	[smem:$0x3F82] =	sst s9;
	s0 =	simm.s32 @!p0 $0x0  }
0x12: {  	s1 =	sld [smem:$0x3F68];
	s0 =	simm.s32 @p0 $0x1  }
0x13: {  	[smem:$0x3F83] =	sst s0;
	s0 =	simm.s32 @!p1 $0x0  }
0x14: {  	s2 =	sld [smem:$0x3F67];
	s0 =	simm.s32 @p1 $0x1  }
0x15: {  	[smem:$0x3F84] =	sst s0;
	s0 =	simm.s32 @!p2 $0x0  }
0x16: {  	s3 =	sld [smem:$0x3FDB];
	s0 =	simm.s32 @p2 $0x1  }
0x17: {  	s4 =	simm.s32 $0x1BF5;
	[smem:$0x3F86] =	sst s0  }
0x18: {  	s0 =	sld [smem:$0x3F69];
	_ =	swait.ge [sflag:s4], $0x0  }
0x19: {  	s7 =	sld [smem:$0x3F6A]  }
0x1a: {  	s8 =	sadd.s32 $0xFFFFE003, lr  }
0x1b: {  	s9 =	sadd.s32 $0xFFFFFEF7, lr;
	s5 =	simm.s32 $0xFFFFFFFF;
	p2 =	slt.u32 s8, $0xFFFFF086  }
0x1c: {  	p1 =	slt.u32 s9, $0xF7A;
	s5 =	simm.s32 @!p2 $0x0  }
0x1d: {  	s5 =	simm.s32 @p1 $0x1;
	p0 =	seq.s32 s7, s2  }
0x1e: {  	s7 =	smul.u32 @!p0 $0xF7A, s2;
	p2 =	seq.s32 @!p0 s5, $0x0  }
0x1f: {  	s9 =	smul.u32 $0xF7A, s1;
	s8 =	simm.s32 @!p0 $0x1BF5;
	p2 =	por !p2, p0  }
0x20: {  	[sflag:s8] =	ssyncset.s32 @!p0 $0xFFFFF086;
	s6 =	sadd.s32 @!p0 s3, s7;
	s7 =	simm.s32 @!p0 $0x108  }
0x21: {  	s3 =	sadd.s32 s3, s9;
	s6 =	sadd.s32 @!p0 $0x88, s6;
	s7 =	simm.s32 @p2 $0x1082  }
0x22: {  	[simem:s7], [sflag:s8] =	dma.local @!p0 [hbm:s6], $0xF7A  }
0x23: {  	s9 =	sor.u32 $0xD0000000, s2;
	s6 =	simm.s32 $0x108;
	_ =	swait.ge @!p0 [sflag:s8], $0x0  }
0x24: {  	s3 =	sadd.s32 $0x88, s3;
	s6 =	simm.s32 @!p1 $0x1082;
	[sflag:s4] =	ssyncset.s32 $0xFFFFF086  }
0x25: {  	[simem:s6], [sflag:s4] =	dma.local [hbm:s3], $0xF7A  }
0x26: {  	[smem:$0x3F6A] =	sst s1;
	(tag) =	ssettag s2;
	_ =	strace s9  }
0x27: {  	s1 =	sld [smem:$0x3F7A]  }
0x28: {  	s2 =	sld [smem:$0x3F7B]  }
0x29: {  	s4 =	sld [smem:$0x3F7D]  }
0x2a: {  	p0 =	seq.s32 s5, $0x0;
	s5 =	sld [smem:$0x3F7E]  }
0x2b: {  	s6 =	sld [smem:$0x3F7F]  }
0x2c: {  	s7 =	sld [smem:$0x3F80]  }
0x2d: {  	s3 =	simm.s32 $0x108;
	s8 =	sld [smem:$0x3F81]  }
0x2e: {  	s3 =	simm.s32 @!p0 $0x1082;
	s9 =	sld [smem:$0x3F82]  }
0x2f: {  	lr =	sadd.s32 s0, s3;
	s0 =	sld [smem:$0x3F79]  }
0x30: {  	s3 =	sld [smem:$0x3F7C]  }
0x31: {  	[smem:$0x3F85] =	sst s10  }
0x32: {  	s10 =	sld [smem:$0x3F83];
	_ =	sdelay $0x3  }
0x33: {  	p0 =	seq.s32 s10, $0x1;
	s10 =	sld [smem:$0x3F85];
	_ =	sdelay $0x3  }
0x34: {  	[smem:$0x3F85] =	sst s10  }
0x35: {  	s10 =	sld [smem:$0x3F84];
	_ =	sdelay $0x3  }
0x36: {  	p1 =	seq.s32 s10, $0x1;
	s10 =	sld [smem:$0x3F85];
	_ =	sdelay $0x3  }
0x37: {  	[smem:$0x3F85] =	sst s10  }
0x38: {  	s10 =	sld [smem:$0x3F86]  }
0x39: {  	_ = 	snop;
	(pc) =	sbr.ind lr, $3  }
0x3a: {  	_ = 	snop  }
0x3b: {  	_ = 	snop  }
0x3c: {  	p2 =	seq.s32 s10, $0x1;
	s10 =	sld [smem:$0x3F85]  }
0x3d: {  	_ =	shalt  }
0x3e: {  	_ =	shalt  }
0x3f: {  	_ =	shalt  }
0x40: {  	_ =	shalt  }
0x41: {  	_ =	shalt  }
0x42: {  	_ =	shalt  }
0x43: {  	_ =	shalt  }
0x44: {  	_ =	shalt  }
0x45: {  	_ =	shalt  }
0x46: {  	_ =	shalt  }
0x47: {  	_ =	shalt  }
0x48: {  	_ =	shalt  }
0x49: {  	_ =	shalt  }
0x4a: {  	_ =	shalt  }
0x4b: {  	_ =	shalt  }
0x4c: {  	_ =	shalt  }
0x4d: {  	_ =	shalt  }
0x4e: {  	_ =	shalt  }
0x4f: {  	_ =	shalt  }
0x50: {  	_ =	shalt  }
0x51: {  	_ =	shalt  }
0x52: {  	_ =	shalt  }
0x53: {  	_ =	shalt  }
0x54: {  	_ =	shalt  }
0x55: {  	_ =	shalt  }
0x56: {  	_ =	shalt  }
0x57: {  	_ =	shalt  }
0x58: {  	_ =	shalt  }
0x59: {  	_ =	shalt  }
0x5a: {  	_ =	shalt  }
0x5b: {  	_ =	shalt  }
0x5c: {  	_ =	shalt  }
0x5d: {  	_ =	shalt  }
0x5e: {  	_ =	shalt  }
0x5f: {  	_ =	shalt  }
0x60: {  	_ =	shalt  }
0x61: {  	_ =	shalt  }
0x62: {  	_ =	shalt  }
0x63: {  	_ =	shalt  }
0x64: {  	_ =	shalt  }
0x65: {  	_ =	shalt  }
0x66: {  	_ =	shalt  }
0x67: {  	_ =	shalt  }
0x68: {  	_ =	shalt  }
0x69: {  	_ =	shalt  }
0x6a: {  	_ =	shalt  }
0x6b: {  	_ =	shalt  }
0x6c: {  	_ =	shalt  }
0x6d: {  	_ =	shalt  }
0x6e: {  	_ =	shalt  }
0x6f: {  	_ =	shalt  }
0x70: {  	_ =	shalt  }
0x71: {  	_ =	shalt  }
0x72: {  	_ =	shalt  }
0x73: {  	_ =	shalt  }
0x74: {  	_ =	shalt  }
0x75: {  	_ =	shalt  }
0x76: {  	_ =	shalt  }
0x77: {  	_ =	shalt  }
0x78: {  	_ =	shalt  }
0x79: {  	_ =	shalt  }
0x7a: {  	_ =	shalt  }
0x7b: {  	_ =	shalt  }
0x7c: {  	_ =	shalt  }
0x7d: {  	_ =	shalt  }
0x7e: {  	_ =	shalt  }
0x7f: {  	_ =	shalt  }
0x80: {  	_ =	shalt  }
0x81: {  	_ =	shalt  }
0x82: {  	_ =	shalt  }
0x83: {  	_ =	shalt  }
0x84: {  	_ =	shalt  }
0x85: {  	_ =	shalt  }
0x86: {  	_ =	shalt  }
0x87: {  	_ =	shalt  }
.Lfunc_end0:
.L_simem_size_0:
called_computation_lowered:
.L_overlay_start_0:
0x88: {  	s2 =	sld [smem:$0x3FD9]  }
0x89: {  	s3 =	sld [smem:$0x3FFE];
	_ =	sdelay $0x1  }
0x8a: {  	s1 =	srdreg.scid  }
0x8b: {  	s0 =	sand.u32 $0x1, s1  }
0x8c: {  	s16 =	sshll.u32 s0, $0xA;
	s2 =	sadd.s32 s3, s2  }
0x8d: {  	s2 =	sadd.s32 s2, s16  }
0x8e: {  	[smem:$0x3F91] =	sst s2  }
0x8f: {  	_ = 	snop  }
0x90: {  	(tm) =	ssettm $0x1  }
0x91: {  	s17 =	sld [smem:$0x3FFB];
	_ =	sdelay $0x3  }
0x92: {  	_ =	strace s17  }
0x93: {  	s2 =	sld [smem:$0x3FFC];
	_ =	sdelay $0x3  }
0x94: {  	_ =	strace s2  }
0x95: {  	s2 =	sld [smem:$0x3FFD];
	_ =	sdelay $0x3  }
0x96: {  	_ =	strace s2  }
0x97: {  	_ =	strace $0x8FFFFFFF  }
0x98: {  	s18 =	sld [smem:$0x3FDB];
	_ =	sdelay $0x1  }
0x99: {  	s19 =	simm.s32 $_scs_section_size  }
0x9a: {  	s4 =	simm.s32 $_size__tile_overlayer_lowered;
	s5 =	simm.s32 $_tile_overlayer_lowered  }
0x9b: {  	s22 =	simm.s32 $0x1BFF;
	s21 =	sshll.u32 s5, $0x1;
	s2 =	sadd.s32 s19, s18  }
0x9c: {  	s6 =	simm.s32 $0x0;
	s20 =	sshll.u32 s4, $0x1;
	s4 =	sadd.s32 s21, s2  }
0x9d: {  	[timem:s6], [sflag:s22] =	dma.local [hbm:s4], s20  }
0x9e: {  	_ =	swait.ge [sflag:s22], s20  }
0x9f: {  	s3 =	ssub.s32 $0x0, s20;
	[sflag:s22] =	ssyncset.done $0x0  }
0xa0: {  	[sflag:s22] =	ssyncadd.s32 s3;
	_ =	sdelay $0x1  }
0xa1: {  	s23 =	simm.s32 $0x1B8B  }
0xa2: {  	_ =	swait.ge [sflag:s23], $0x1  }
0xa3: {  	[sflag:s23] =	ssyncset.done $0x0  }
0xa4: {  	s25 =	simm.s32 $0x1B8E;
	s24 =	sld [smem:$0x3FFE];
	[sflag:s23] =	ssyncadd.s32 $0xFFFFFFFF  }
0xa5: {  	s26 =	simm.s32 $execute0_lowered;
	[smem:$0x3FD2] =	sst s25  }
0xa6: {  	s4 =	sshll.u32 s26, $0x1;
	_ =	strace $0x80000046;
	[dreg:$0x1] =	wrdreg $0xFFFFFFFF  }
0xa7: {  	s28 =	simm.s32 $_size_execute0_lowered;
	s2 =	sadd.s32 s2, s4;
	[dreg:$0x0] =	wrdreg $0x0  }
0xa8: {  	s4 =	sshll.u32 s28, $0x1;
	[dreg:$0x2] =	wrdreg s2  }
0xa9: {  	[dreg:$0x3] =	wrdreg s4  }
0xaa: {  	[dreg:$0x4] =	wrdreg $0xC0  }
0xab: {  	_ =	task [dreg:s6], $0x5FFFF  }
0xac: {  	[dreg:$0x1] =	wrdreg $0xFFFFFFFF  }
0xad: {  	[dreg:$0x0] =	wrdreg $0x60  }
0xae: {  	[dreg:$0x2] =	wrdreg s24  }
0xaf: {  	[dreg:$0x3] =	wrdreg $0x9  }
0xb0: {  	_ =	task.clear_ibuf [dreg:s6], $0x4FFFF;
	_ =	strace $0x90000046  }
0xb1: {  	s29 =	simm.s32 $0x9;
	_ =	strace $0x80000048  }
0xb2: {  	_ =	swait.ge [sflag:s29], $0x1  }
0xb3: {  	[sflag:s29] =	ssyncadd.s32 $0xFFFFFFFF  }
0xb4: {  	_ =	strace $0x90000048  }
0xb5: {  	_ =	sfence  }
0xb6: {  	s30 =	sld [smem:$0x0];
	_ =	sdelay $0x2  }
0xb7: {  	s31 =	sshll.u32 s1, $0xD;
	s1 =	sshrl.u32 s1, $0x2  }
0xb8: {  	s3 =	sand.u32 $0x4000, s31;
	s1 =	sadd.s32 s1, s30  }
0xb9: {  	s0 =	sor.u32 s3, s0;
	s1 =	sshll.u32 s1, $0x11  }
0xba: {  	s0 =	sor.u32 s1, s0  }
0xbb: {  	s0 =	sadd.s32 $0x8F2B, s0  }
0xbc: {  	[sflag:s0] =	ssyncadd.remote.s32 $0x1  }
0xbd: {  	_ =	sfence.sel $0xFFFF  }
0xbe: {  	[dreg:$0x0] =	wrdreg $0xFFFFFFFF;
	(pc) =	sbr.abs _section_cstart, $3  }
0xbf: {  	[dreg:$0x1] =	wrdreg $0xFFFFFFFF  }
0xc0: {  	_ =	task.clear_ibuf [dreg:s6], $0x2FFFF;
	_ =	strace $0x9FFFFFFF  }
0xc1: {  	(tm) =	ssettm $0x7FFFFFFF  }
tec
execute0_lowered:
.L_overlay_start_1:
0x0: {  	(tag) =	ssettag $0x1  }
0x1: {  	s5 =	rddreg [dreg:$0x0]  }
0x2: {  	s0 =	rddreg [dreg:$0x1];
	s2 =	simm.s32 $0x0  }
0x3: {  	s1 =	stileid.u32;
	s3 =	srdreg.scid;
	s12 =	simm.s32 $0x10100  }
0x4: {  	s13 =	simm.s32 $0x10080;
	s14 =	simm.s32 $0x10180;
	s15 =	simm.s32 $0x80  }
0x5: {  	s16 =	simm.s32 $0x4000;
	s17 =	simm.s32 $0x8000;
	s18 =	simm.s32 $0xC000  }
0x6: {  	s19 =	simm.s32 $0x1;
	s20 =	simm.s32 $0x2;
	s21 =	simm.s32 $0x3  }
0x7: {  	s22 =	simm.s32 $0x4;
	s23 =	simm.s32 $0x0;
	s6 =	smul.u32 $0x50000, s1  }
0x8: {  	[smem:$0x7FF] =	sst s2;
	s7 =	sand.u32 $0x1, s3;
	s10 =	smul.u32 $0x5000, s1  }
0x9: {  	s3 =	sadd.s32 $0x1C200, s5;
	s4 =	sadd.s32 $0x8200, s5;
	s8 =	smul.u32 $0x28000, s7  }
0xa: {  	_ =	strace $0x80000047;
	s9 =	ssub.s32 $0x2, s7;
	s7 =	smul.u32 $0x2800, s7  }
0xb: {  	s6 =	sadd.s32 s6, s5;
	s11 =	sshrl.u32 s9, $0x1;
	s5 =	sadd.s32 $0x12200, s5  }
0xc: {  	s8 =	sadd.s32 s8, s6;
	s29 =	ssub.s32 s9, s11;
	s31 =	sadd.s32 s7, s10  }
0xd: {  	s10 =	simm.s32 $0x10000;
	s11 =	simm.s32 $0x5;
	s30 =	sadd.s32 $0x44200, s8  }
0xe: {  	s6 =	smax.u32 s29, $0x1;
	s7 =	sadd.s32 $0x544200, s8;
	s9 =	sor.u32 $0x80, s31  }
0xf: {  	s8 =	sshrl.u32 s31, $0x3;
	[dreg:$0x2] =	wrdreg s30;
	s9 =	sshrl.u32 s9, $0x3  }
.LBB2_1:
0x10: {  	s24 =	sadd.s32 s4, s8  }
0x11: {  	[tilespmem:s10], [sflag:$0x5] =	stream.linear.gather [hbm4b:s24+s2], $0x80, $0x38;
	[tilespmem:$0x10200] =	vst v63  }
0x12: {  	_ =	swait.ge [sflag:s11], $0x80  }
0x13: {  	[sflag:s11] =	ssyncset.done $0x0  }
0x14: {  	s25 =	sadd.s32 s5, s8;
	[sflag:s11] =	ssyncadd.s32 $0xFFFFFF80  }
0x15: {  	[tilespmem:s12], [sflag:$0x5] =	stream.linear.gather [hbm4b:s25+s2], $0x80, $0x38;
	[tilespmem:$0x10200] =	vst v63  }
0x16: {  	_ =	swait.ge [sflag:s11], $0x80  }
0x17: {  	[sflag:s11] =	ssyncset.done $0x0  }
0x18: {  	s26 =	sadd.s32 s4, s9;
	[sflag:s11] =	ssyncadd.s32 $0xFFFFFF80  }
0x19: {  	[tilespmem:s13], [sflag:$0x5] =	stream.linear.gather [hbm4b:s26+s2], $0x80, $0x38;
	[tilespmem:$0x10200] =	vst v63  }
0x1a: {  	_ =	swait.ge [sflag:s11], $0x80  }
0x1b: {  	[sflag:s11] =	ssyncset.done $0x0  }
0x1c: {  	s29 =	sadd.s32 s5, s9;
	[sflag:s11] =	ssyncadd.s32 $0xFFFFFF80  }
0x1d: {  	[tilespmem:s14], [sflag:$0x5] =	stream.linear.gather [hbm4b:s29+s2], $0x80, $0x38;
	[tilespmem:$0x10200] =	vst v63  }
0x1e: {  	_ =	swait.ge [sflag:s11], $0x80  }
0x1f: {  	[sflag:s11] =	ssyncset.done $0x0  }
0x20: {  	[sflag:s11] =	ssyncadd.s32 $0xFFFFFF80  }
0x21: {  	[tilespmem:s2], [sflag:$0x1] =	stream.indirect.gather [hbm4b:s3+s15], $0x80, s10, s15, $0xb8;
	[tilespmem:$0x10200] =	vst v63  }
0x22: {  	_ = 	snop  }
0x23: {  	[tilespmem:s16], [sflag:$0x2] =	stream.indirect.gather [hbm4b:s3+s15], $0x80, s12, s15, $0xb8;
	[tilespmem:$0x10200] =	vst v63  }
0x24: {  	_ = 	snop  }
0x25: {  	[tilespmem:s17], [sflag:$0x3] =	stream.indirect.gather [hbm4b:s3+s15], $0x80, s13, s15, $0xb8;
	[tilespmem:$0x10200] =	vst v63  }
0x26: {  	_ = 	snop  }
0x27: {  	[tilespmem:s18], [sflag:$0x4] =	stream.indirect.gather [hbm4b:s3+s15], $0x80, s14, s15, $0xb8;
	[tilespmem:$0x10200] =	vst v63  }
0x28: {  	_ =	swait.ge [sflag:s19], $0x4000  }
0x29: {  	[sflag:s19] =	ssyncset.done $0x0  }
0x2a: {  	[sflag:s19] =	ssyncadd.s32 $0xFFFFC000  }
0x2b: {  	_ =	swait.ge [sflag:s20], $0x4000  }
0x2c: {  	[sflag:s20] =	ssyncset.done $0x0  }
0x2d: {  	[sflag:s20] =	ssyncadd.s32 $0xFFFFC000  }
0x2e: {  	_ =	swait.ge [sflag:s21], $0x4000  }
0x2f: {  	[sflag:s21] =	ssyncset.done $0x0  }
0x30: {  	[sflag:s21] =	ssyncadd.s32 $0xFFFFC000  }
0x31: {  	_ =	swait.ge [sflag:s22], $0x4000  }
0x32: {  	s30 =	rddreg [dreg:$0x2];
	[sflag:s22] =	ssyncset.done $0x0  }
0x33: {  	[sflag:s22] =	ssyncadd.s32 $0xFFFFC000;
	s24 =	sadd.s32 $0x0, s30  }
0x34: {  	[hbm4b:s24+s2] =	stream.linear.scatter [tilespmem:s2], [sflag:$0x5], $0x4000, $0x38;
	[tilespmem:$0x10200] =	vst v63  }
0x35: {  	_ =	swait.ge [sflag:s11], $0x4000  }
0x36: {  	[sflag:s11] =	ssyncset.done $0x0  }
0x37: {  	s25 =	sadd.s32 $0x0, s7;
	[sflag:s11] =	ssyncadd.s32 $0xFFFFC000  }
0x38: {  	[hbm4b:s25+s2] =	stream.linear.scatter [tilespmem:s16], [sflag:$0x5], $0x4000, $0x38;
	[tilespmem:$0x10200] =	vst v63  }
0x39: {  	_ =	swait.ge [sflag:s11], $0x4000  }
0x3a: {  	[sflag:s11] =	ssyncset.done $0x0  }
0x3b: {  	s24 =	sadd.s32 $0x800, s24;
	[sflag:s11] =	ssyncadd.s32 $0xFFFFC000  }
0x3c: {  	[hbm4b:s24+s2] =	stream.linear.scatter [tilespmem:s17], [sflag:$0x5], $0x4000, $0x38;
	[tilespmem:$0x10200] =	vst v63  }
0x3d: {  	_ =	swait.ge [sflag:s11], $0x4000  }
0x3e: {  	[sflag:s11] =	ssyncset.done $0x0  }
0x3f: {  	s31 =	sadd.s32 $0x800, s25;
	[sflag:s11] =	ssyncadd.s32 $0xFFFFC000  }
0x40: {  	[hbm4b:s31+s2] =	stream.linear.scatter [tilespmem:s18], [sflag:$0x5], $0x4000, $0x38;
	[tilespmem:$0x10200] =	vst v63  }
0x41: {  	s28 =	simm.s32 $0x2000;
	s26 =	smov.u32 s5;
	_ =	swait.ge [sflag:s11], $0x4000  }
0x42: {  	s25 =	sadd.s32 $0x20, s4;
	s24 =	simm.s32 $0x1000;
	[sflag:s11] =	ssyncset.done $0x0  }
.LBB2_2:
0x43: {  	s30 =	sadd.s32 s25, s8;
	[sflag:s11] =	ssyncadd.s32 $0xFFFFC000  }
0x44: {  	[tilespmem:s10], [sflag:$0x5] =	stream.linear.gather [hbm4b:s30+s2], $0x80, $0x38;
	[tilespmem:$0x10200] =	vst v63  }
0x45: {  	_ =	swait.ge [sflag:s11], $0x80  }
0x46: {  	s26 =	sadd.s32 $0x20, s26;
	[sflag:s11] =	ssyncset.done $0x0  }
0x47: {  	s31 =	sadd.s32 s26, s8;
	[sflag:s11] =	ssyncadd.s32 $0xFFFFFF80  }
0x48: {  	[tilespmem:s12], [sflag:$0x5] =	stream.linear.gather [hbm4b:s31+s2], $0x80, $0x38;
	[tilespmem:$0x10200] =	vst v63  }
0x49: {  	_ =	swait.ge [sflag:s11], $0x80  }
0x4a: {  	[sflag:s11] =	ssyncset.done $0x0  }
0x4b: {  	s31 =	sadd.s32 s25, s9;
	[sflag:s11] =	ssyncadd.s32 $0xFFFFFF80  }
0x4c: {  	[tilespmem:s13], [sflag:$0x5] =	stream.linear.gather [hbm4b:s31+s2], $0x80, $0x38;
	[tilespmem:$0x10200] =	vst v63  }
0x4d: {  	_ =	swait.ge [sflag:s11], $0x80  }
0x4e: {  	[sflag:s11] =	ssyncset.done $0x0  }
0x4f: {  	s31 =	sadd.s32 s26, s9;
	[sflag:s11] =	ssyncadd.s32 $0xFFFFFF80  }
0x50: {  	[tilespmem:s14], [sflag:$0x5] =	stream.linear.gather [hbm4b:s31+s2], $0x80, $0x38;
	[tilespmem:$0x10200] =	vst v63  }
0x51: {  	_ =	swait.ge [sflag:s11], $0x80  }
0x52: {  	[sflag:s11] =	ssyncset.done $0x0  }
0x53: {  	[sflag:s11] =	ssyncadd.s32 $0xFFFFFF80  }
0x54: {  	[tilespmem:s2], [sflag:$0x1] =	stream.indirect.gather [hbm4b:s3+s15], $0x80, s10, s15, $0xb8;
	[tilespmem:$0x10200] =	vst v63  }
0x55: {  	_ = 	snop  }
0x56: {  	[tilespmem:s16], [sflag:$0x2] =	stream.indirect.gather [hbm4b:s3+s15], $0x80, s12, s15, $0xb8;
	[tilespmem:$0x10200] =	vst v63  }
0x57: {  	_ = 	snop  }
0x58: {  	[tilespmem:s17], [sflag:$0x3] =	stream.indirect.gather [hbm4b:s3+s15], $0x80, s13, s15, $0xb8;
	[tilespmem:$0x10200] =	vst v63  }
0x59: {  	_ = 	snop  }
0x5a: {  	[tilespmem:s18], [sflag:$0x4] =	stream.indirect.gather [hbm4b:s3+s15], $0x80, s14, s15, $0xb8;
	[tilespmem:$0x10200] =	vst v63  }
0x5b: {  	_ =	swait.ge [sflag:s19], $0x4000  }
0x5c: {  	[sflag:s19] =	ssyncset.done $0x0  }
0x5d: {  	[sflag:s19] =	ssyncadd.s32 $0xFFFFC000  }
0x5e: {  	_ =	swait.ge [sflag:s20], $0x4000  }
0x5f: {  	[sflag:s20] =	ssyncset.done $0x0  }
0x60: {  	[sflag:s20] =	ssyncadd.s32 $0xFFFFC000  }
0x61: {  	_ =	swait.ge [sflag:s21], $0x4000  }
0x62: {  	[sflag:s21] =	ssyncset.done $0x0  }
0x63: {  	[sflag:s21] =	ssyncadd.s32 $0xFFFFC000  }
0x64: {  	_ =	swait.ge [sflag:s22], $0x4000  }
0x65: {  	s31 =	rddreg [dreg:$0x2];
	[sflag:s22] =	ssyncset.done $0x0  }
0x66: {  	[sflag:s22] =	ssyncadd.s32 $0xFFFFC000;
	s30 =	sadd.s32 s24, s31  }
0x67: {  	[hbm4b:s30+s2] =	stream.linear.scatter [tilespmem:s2], [sflag:$0x5], $0x4000, $0x38;
	[tilespmem:$0x10200] =	vst v63  }
0x68: {  	_ =	swait.ge [sflag:s11], $0x4000  }
0x69: {  	[sflag:s11] =	ssyncset.done $0x0  }
0x6a: {  	s31 =	sadd.s32 s24, s7;
	[sflag:s11] =	ssyncadd.s32 $0xFFFFC000  }
0x6b: {  	[hbm4b:s31+s2] =	stream.linear.scatter [tilespmem:s16], [sflag:$0x5], $0x4000, $0x38;
	[tilespmem:$0x10200] =	vst v63  }
0x6c: {  	_ =	swait.ge [sflag:s11], $0x4000  }
0x6d: {  	[sflag:s11] =	ssyncset.done $0x0  }
0x6e: {  	s30 =	sadd.s32 $0x800, s30;
	[sflag:s11] =	ssyncadd.s32 $0xFFFFC000  }
0x6f: {  	[hbm4b:s30+s2] =	stream.linear.scatter [tilespmem:s17], [sflag:$0x5], $0x4000, $0x38;
	[tilespmem:$0x10200] =	vst v63  }
0x70: {  	p0 =	sne.s32 s28, $0x27000;
	_ =	swait.ge [sflag:s11], $0x4000  }
.Ltmp0:
0x71: {  	[sflag:s11] =	ssyncset.done $0x0;
	(pc) =	sbr.rel @p0 .LBB2_2-.Ltmp0, $4  }
0x72: {  	s31 =	sadd.s32 $0x800, s31;
	[sflag:s11] =	ssyncadd.s32 $0xFFFFC000  }
0x73: {  	[hbm4b:s31+s2] =	stream.linear.scatter [tilespmem:s18], [sflag:$0x5], $0x4000, $0x38;
	[tilespmem:$0x10200] =	vst v63  }
0x74: {  	s29 =	smov.u32 s28;
	s28 =	sadd.s32 $0x1000, s28;
	_ =	swait.ge [sflag:s11], $0x4000  }
0x75: {  	s25 =	sadd.s32 $0x20, s25;
	s24 =	smov.u32 s29;
	[sflag:s11] =	ssyncset.done $0x0  }
0x76: {  	s28 =	sadd.s32 s25, s8;
	[sflag:s11] =	ssyncadd.s32 $0xFFFFC000  }
0x77: {  	[tilespmem:s10], [sflag:$0x5] =	stream.linear.gather [hbm4b:s28+s2], $0x80, $0x38;
	[tilespmem:$0x10200] =	vst v63  }
0x78: {  	_ =	swait.ge [sflag:s11], $0x80  }
0x79: {  	s26 =	sadd.s32 $0x20, s26;
	[sflag:s11] =	ssyncset.done $0x0  }
0x7a: {  	s31 =	sadd.s32 s26, s8;
	[sflag:s11] =	ssyncadd.s32 $0xFFFFFF80  }
0x7b: {  	[tilespmem:s12], [sflag:$0x5] =	stream.linear.gather [hbm4b:s31+s2], $0x80, $0x38;
	[tilespmem:$0x10200] =	vst v63  }
0x7c: {  	_ =	swait.ge [sflag:s11], $0x80  }
0x7d: {  	[sflag:s11] =	ssyncset.done $0x0  }
0x7e: {  	s28 =	sadd.s32 s25, s9;
	[sflag:s11] =	ssyncadd.s32 $0xFFFFFF80  }
0x7f: {  	[tilespmem:s13], [sflag:$0x5] =	stream.linear.gather [hbm4b:s28+s2], $0x80, $0x38;
	[tilespmem:$0x10200] =	vst v63  }
0x80: {  	_ =	swait.ge [sflag:s11], $0x80  }
0x81: {  	[sflag:s11] =	ssyncset.done $0x0  }
0x82: {  	s29 =	sadd.s32 s26, s9;
	[sflag:s11] =	ssyncadd.s32 $0xFFFFFF80  }
0x83: {  	[tilespmem:s14], [sflag:$0x5] =	stream.linear.gather [hbm4b:s29+s2], $0x80, $0x38;
	[tilespmem:$0x10200] =	vst v63  }
0x84: {  	_ =	swait.ge [sflag:s11], $0x80  }
0x85: {  	[sflag:s11] =	ssyncset.done $0x0  }
0x86: {  	[sflag:s11] =	ssyncadd.s32 $0xFFFFFF80  }
0x87: {  	[tilespmem:s2], [sflag:$0x1] =	stream.indirect.gather [hbm4b:s3+s15], $0x80, s10, s15, $0xb8;
	[tilespmem:$0x10200] =	vst v63  }
0x88: {  	_ = 	snop  }
0x89: {  	[tilespmem:s16], [sflag:$0x2] =	stream.indirect.gather [hbm4b:s3+s15], $0x80, s12, s15, $0xb8;
	[tilespmem:$0x10200] =	vst v63  }
0x8a: {  	_ = 	snop  }
0x8b: {  	[tilespmem:s17], [sflag:$0x3] =	stream.indirect.gather [hbm4b:s3+s15], $0x80, s13, s15, $0xb8;
	[tilespmem:$0x10200] =	vst v63  }
0x8c: {  	_ = 	snop  }
0x8d: {  	[tilespmem:s18], [sflag:$0x4] =	stream.indirect.gather [hbm4b:s3+s15], $0x80, s14, s15, $0xb8;
	[tilespmem:$0x10200] =	vst v63  }
0x8e: {  	_ =	swait.ge [sflag:s19], $0x4000  }
0x8f: {  	[sflag:s19] =	ssyncset.done $0x0  }
0x90: {  	[sflag:s19] =	ssyncadd.s32 $0xFFFFC000  }
0x91: {  	_ =	swait.ge [sflag:s20], $0x4000  }
0x92: {  	[sflag:s20] =	ssyncset.done $0x0  }
0x93: {  	[sflag:s20] =	ssyncadd.s32 $0xFFFFC000  }
0x94: {  	_ =	swait.ge [sflag:s21], $0x4000  }
0x95: {  	[sflag:s21] =	ssyncset.done $0x0  }
0x96: {  	[sflag:s21] =	ssyncadd.s32 $0xFFFFC000  }
0x97: {  	_ =	swait.ge [sflag:s22], $0x4000  }
0x98: {  	s30 =	rddreg [dreg:$0x2];
	[sflag:s22] =	ssyncset.done $0x0  }
0x99: {  	[sflag:s22] =	ssyncadd.s32 $0xFFFFC000;
	s25 =	sadd.s32 s24, s30  }
0x9a: {  	[hbm4b:s25+s2] =	stream.linear.scatter [tilespmem:s2], [sflag:$0x5], $0x4000, $0x38;
	[tilespmem:$0x10200] =	vst v63  }
0x9b: {  	_ =	swait.ge [sflag:s11], $0x4000  }
0x9c: {  	[sflag:s11] =	ssyncset.done $0x0  }
0x9d: {  	s31 =	sadd.s32 s24, s7;
	[sflag:s11] =	ssyncadd.s32 $0xFFFFC000  }
0x9e: {  	[hbm4b:s31+s2] =	stream.linear.scatter [tilespmem:s16], [sflag:$0x5], $0x4000, $0x38;
	[tilespmem:$0x10200] =	vst v63  }
0x9f: {  	_ =	swait.ge [sflag:s11], $0x4000  }
0xa0: {  	[sflag:s11] =	ssyncset.done $0x0  }
0xa1: {  	s25 =	sadd.s32 $0x800, s25;
	[sflag:s11] =	ssyncadd.s32 $0xFFFFC000  }
0xa2: {  	[hbm4b:s25+s2] =	stream.linear.scatter [tilespmem:s17], [sflag:$0x5], $0x4000, $0x38;
	[tilespmem:$0x10200] =	vst v63  }
0xa3: {  	s23 =	sadd.s32 $0x1, s23;
	_ =	swait.ge [sflag:s11], $0x4000  }
0xa4: {  	p0 =	sne.s32 s23, s6;
	[sflag:s11] =	ssyncset.done $0x0  }
.Ltmp1:
0xa5: {  	s24 =	sadd.s32 $0x800, s31;
	[sflag:s11] =	ssyncadd.s32 $0xFFFFC000;
	(pc) =	sbr.rel @p0 .LBB2_1-.Ltmp1, $4  }
0xa6: {  	[hbm4b:s24+s2] =	stream.linear.scatter [tilespmem:s18], [sflag:$0x5], $0x4000, $0x38;
	[tilespmem:$0x10200] =	vst v63  }
0xa7: {  	_ =	swait.ge [sflag:s11], $0x4000  }
0xa8: {  	[sflag:s11] =	ssyncset.done $0x0  }
0xa9: {  	[sflag:s11] =	ssyncadd.s32 $0xFFFFC000  }
0xaa: {  	_ =	sfence.sel $0x180000  }
0xab: {  	[bflag:$0x0] =	sbarrier.arrive $0xFFFF  }
0xac: {  	p0 =	sne.s32 s1, $0x0;
	_ =	strace $0x90000047  }
0xad: {  	s0 =	sadd.s32 @!p0 $0x100000, s0;
	[bflag:$0x2] =	sbarrier.arrive $0xFFFF  }
0xae: {  	[sflag:s0] =	ssyncadd.tile.s32 @!p0 $0x1;
	_ =	shalt  }
.Lfunc_end2:
_tile_overlayer_lowered:
.L_overlay_start_2:
0xaf: {  	(tag) =	ssettag $0x2  }
0xb0: {  	s0 =	rddreg [dreg:$0x0];
	s2 =	stileid.u32  }
0xb1: {  	s1 =	rddreg [dreg:$0x1];
	p0 =	sne.s32 s2, $0x0  }
0xb2: {  	s3 =	rddreg [dreg:$0x2];
	[bflag:$0x3] =	sbarrier.arrive $0xFFFF;
	s2 =	simm.s32 @!p0 $0x1C05  }
0xb3: {  	[timem:s3], [sflag:s2] =	dma.local @!p0 [hbm:s0], s1  }
0xb4: {  	s0 =	simm.s32 @!p0 $0x5  }
0xb5: {  	_ =	swait.ge @!p0 [sflag:s0], s1  }
0xb6: {  	s1 =	ssub.s32 @!p0 $0x0, s1;
	[sflag:s0] =	ssyncset.done @!p0 $0x0  }
0xb7: {  	[sflag:s0] =	ssyncadd.s32 @!p0 s1  }
0xb8: {  	[bflag:$0x3] =	sbarrier.arrive $0xFFFF  }
0xb9: {  	_ =	shalt  }

// kernel: kernel.20.cloned.1.call-start
scs
__scs_entry_jumppad:
0x0: {  	(pc) =	sbr.rel $0x88, $3  }
0x1: {  	(tag) =	ssettag $0x0;
	lr =	simm.s32 $0x1  }
0x2: {  	[smem:$0x3F6A] =	sst lr;
	_ =	strace $0xD0000000  }
0x3: {  	_ = 	snop  }
0x4: {  	_ = 	snop  }
0x5: {  	_ = 	snop  }
0x6: {  	_ = 	snop  }
0x7: {  	_ = 	snop  }
__scs_overlays_trampoline_lowered:
0x8: {  	[smem:$0x3F79] =	sst s0  }
0x9: {  	[smem:$0x3F7A] =	sst s1  }
0xa: {  	[smem:$0x3F7B] =	sst s2  }
0xb: {  	[smem:$0x3F7C] =	sst s3  }
0xc: {  	[smem:$0x3F7D] =	sst s4  }
0xd: {  	[smem:$0x3F7E] =	sst s5  }
0xe: {  	[smem:$0x3F7F] =	sst s6  }
0xf: {  	[smem:$0x3F80] =	sst s7  }
0x10: {  	[smem:$0x3F81] =	sst s8  }
0x11: {  	[smem:$0x3F82] =	sst s9;
	s0 =	simm.s32 @!p0 $0x0  }
0x12: {  	s1 =	sld [smem:$0x3F68];
	s0 =	simm.s32 @p0 $0x1  }
0x13: {  	[smem:$0x3F83] =	sst s0;
	s0 =	simm.s32 @!p1 $0x0  }
0x14: {  	s2 =	sld [smem:$0x3F67];
	s0 =	simm.s32 @p1 $0x1  }
0x15: {  	[smem:$0x3F84] =	sst s0;
	s0 =	simm.s32 @!p2 $0x0  }
0x16: {  	s3 =	sld [smem:$0x3FDB];
	s0 =	simm.s32 @p2 $0x1  }
0x17: {  	s4 =	simm.s32 $0x1BF5;
	[smem:$0x3F86] =	sst s0  }
0x18: {  	s0 =	sld [smem:$0x3F69];
	_ =	swait.ge [sflag:s4], $0x0  }
0x19: {  	s7 =	sld [smem:$0x3F6A]  }
0x1a: {  	s8 =	sadd.s32 $0xFFFFE003, lr  }
0x1b: {  	s9 =	sadd.s32 $0xFFFFFEF7, lr;
	s5 =	simm.s32 $0xFFFFFFFF;
	p2 =	slt.u32 s8, $0xFFFFF086  }
0x1c: {  	p1 =	slt.u32 s9, $0xF7A;
	s5 =	simm.s32 @!p2 $0x0  }
0x1d: {  	s5 =	simm.s32 @p1 $0x1;
	p0 =	seq.s32 s7, s2  }
0x1e: {  	s7 =	smul.u32 @!p0 $0xF7A, s2;
	p2 =	seq.s32 @!p0 s5, $0x0  }
0x1f: {  	s9 =	smul.u32 $0xF7A, s1;
	s8 =	simm.s32 @!p0 $0x1BF5;
	p2 =	por !p2, p0  }
0x20: {  	[sflag:s8] =	ssyncset.s32 @!p0 $0xFFFFF086;
	s6 =	sadd.s32 @!p0 s3, s7;
	s7 =	simm.s32 @!p0 $0x108  }
0x21: {  	s3 =	sadd.s32 s3, s9;
	s6 =	sadd.s32 @!p0 $0x88, s6;
	s7 =	simm.s32 @p2 $0x1082  }
0x22: {  	[simem:s7], [sflag:s8] =	dma.local @!p0 [hbm:s6], $0xF7A  }
0x23: {  	s9 =	sor.u32 $0xD0000000, s2;
	s6 =	simm.s32 $0x108;
	_ =	swait.ge @!p0 [sflag:s8], $0x0  }
0x24: {  	s3 =	sadd.s32 $0x88, s3;
	s6 =	simm.s32 @!p1 $0x1082;
	[sflag:s4] =	ssyncset.s32 $0xFFFFF086  }
0x25: {  	[simem:s6], [sflag:s4] =	dma.local [hbm:s3], $0xF7A  }
0x26: {  	[smem:$0x3F6A] =	sst s1;
	(tag) =	ssettag s2;
	_ =	strace s9  }
0x27: {  	s1 =	sld [smem:$0x3F7A]  }
0x28: {  	s2 =	sld [smem:$0x3F7B]  }
0x29: {  	s4 =	sld [smem:$0x3F7D]  }
0x2a: {  	p0 =	seq.s32 s5, $0x0;
	s5 =	sld [smem:$0x3F7E]  }
0x2b: {  	s6 =	sld [smem:$0x3F7F]  }
0x2c: {  	s7 =	sld [smem:$0x3F80]  }
0x2d: {  	s3 =	simm.s32 $0x108;
	s8 =	sld [smem:$0x3F81]  }
0x2e: {  	s3 =	simm.s32 @!p0 $0x1082;
	s9 =	sld [smem:$0x3F82]  }
0x2f: {  	lr =	sadd.s32 s0, s3;
	s0 =	sld [smem:$0x3F79]  }
0x30: {  	s3 =	sld [smem:$0x3F7C]  }
0x31: {  	[smem:$0x3F85] =	sst s10  }
0x32: {  	s10 =	sld [smem:$0x3F83];
	_ =	sdelay $0x3  }
0x33: {  	p0 =	seq.s32 s10, $0x1;
	s10 =	sld [smem:$0x3F85];
	_ =	sdelay $0x3  }
0x34: {  	[smem:$0x3F85] =	sst s10  }
0x35: {  	s10 =	sld [smem:$0x3F84];
	_ =	sdelay $0x3  }
0x36: {  	p1 =	seq.s32 s10, $0x1;
	s10 =	sld [smem:$0x3F85];
	_ =	sdelay $0x3  }
0x37: {  	[smem:$0x3F85] =	sst s10  }
0x38: {  	s10 =	sld [smem:$0x3F86]  }
0x39: {  	_ = 	snop;
	(pc) =	sbr.ind lr, $3  }
0x3a: {  	_ = 	snop  }
0x3b: {  	_ = 	snop  }
0x3c: {  	p2 =	seq.s32 s10, $0x1;
	s10 =	sld [smem:$0x3F85]  }
0x3d: {  	_ =	shalt  }
0x3e: {  	_ =	shalt  }
0x3f: {  	_ =	shalt  }
0x40: {  	_ =	shalt  }
0x41: {  	_ =	shalt  }
0x42: {  	_ =	shalt  }
0x43: {  	_ =	shalt  }
0x44: {  	_ =	shalt  }
0x45: {  	_ =	shalt  }
0x46: {  	_ =	shalt  }
0x47: {  	_ =	shalt  }
0x48: {  	_ =	shalt  }
0x49: {  	_ =	shalt  }
0x4a: {  	_ =	shalt  }
0x4b: {  	_ =	shalt  }
0x4c: {  	_ =	shalt  }
0x4d: {  	_ =	shalt  }
0x4e: {  	_ =	shalt  }
0x4f: {  	_ =	shalt  }
0x50: {  	_ =	shalt  }
0x51: {  	_ =	shalt  }
0x52: {  	_ =	shalt  }
0x53: {  	_ =	shalt  }
0x54: {  	_ =	shalt  }
0x55: {  	_ =	shalt  }
0x56: {  	_ =	shalt  }
0x57: {  	_ =	shalt  }
0x58: {  	_ =	shalt  }
0x59: {  	_ =	shalt  }
0x5a: {  	_ =	shalt  }
0x5b: {  	_ =	shalt  }
0x5c: {  	_ =	shalt  }
0x5d: {  	_ =	shalt  }
0x5e: {  	_ =	shalt  }
0x5f: {  	_ =	shalt  }
0x60: {  	_ =	shalt  }
0x61: {  	_ =	shalt  }
0x62: {  	_ =	shalt  }
0x63: {  	_ =	shalt  }
0x64: {  	_ =	shalt  }
0x65: {  	_ =	shalt  }
0x66: {  	_ =	shalt  }
0x67: {  	_ =	shalt  }
0x68: {  	_ =	shalt  }
0x69: {  	_ =	shalt  }
0x6a: {  	_ =	shalt  }
0x6b: {  	_ =	shalt  }
0x6c: {  	_ =	shalt  }
0x6d: {  	_ =	shalt  }
0x6e: {  	_ =	shalt  }
0x6f: {  	_ =	shalt  }
0x70: {  	_ =	shalt  }
0x71: {  	_ =	shalt  }
0x72: {  	_ =	shalt  }
0x73: {  	_ =	shalt  }
0x74: {  	_ =	shalt  }
0x75: {  	_ =	shalt  }
0x76: {  	_ =	shalt  }
0x77: {  	_ =	shalt  }
0x78: {  	_ =	shalt  }
0x79: {  	_ =	shalt  }
0x7a: {  	_ =	shalt  }
0x7b: {  	_ =	shalt  }
0x7c: {  	_ =	shalt  }
0x7d: {  	_ =	shalt  }
0x7e: {  	_ =	shalt  }
0x7f: {  	_ =	shalt  }
0x80: {  	_ =	shalt  }
0x81: {  	_ =	shalt  }
0x82: {  	_ =	shalt  }
0x83: {  	_ =	shalt  }
0x84: {  	_ =	shalt  }
0x85: {  	_ =	shalt  }
0x86: {  	_ =	shalt  }
0x87: {  	_ =	shalt  }
.Lfunc_end0:
.L_simem_size_0:
called_computation.1_lowered:
.L_overlay_start_0:
0x88: {  	s2 =	sld [smem:$0x3FD9]  }
0x89: {  	s3 =	sld [smem:$0x3FFE];
	_ =	sdelay $0x1  }
0x8a: {  	s1 =	srdreg.scid  }
0x8b: {  	s0 =	sand.u32 $0x1, s1  }
0x8c: {  	s16 =	sshll.u32 s0, $0xA;
	s2 =	sadd.s32 s3, s2  }
0x8d: {  	s2 =	sadd.s32 s2, s16  }
0x8e: {  	[smem:$0x3F91] =	sst s2  }
0x8f: {  	_ = 	snop  }
0x90: {  	(tm) =	ssettm $0x1  }
0x91: {  	s17 =	sld [smem:$0x3FFB];
	_ =	sdelay $0x3  }
0x92: {  	_ =	strace s17  }
0x93: {  	s2 =	sld [smem:$0x3FFC];
	_ =	sdelay $0x3  }
0x94: {  	_ =	strace s2  }
0x95: {  	s2 =	sld [smem:$0x3FFD];
	_ =	sdelay $0x3  }
0x96: {  	_ =	strace s2  }
0x97: {  	_ =	strace $0x8FFFFFFF  }
0x98: {  	s18 =	sld [smem:$0x3FDB];
	_ =	sdelay $0x1  }
0x99: {  	s19 =	simm.s32 $_scs_section_size  }
0x9a: {  	s4 =	simm.s32 $_size__tile_overlayer_lowered;
	s5 =	simm.s32 $_tile_overlayer_lowered  }
0x9b: {  	s22 =	simm.s32 $0x1BFF;
	s21 =	sshll.u32 s5, $0x1;
	s2 =	sadd.s32 s19, s18  }
0x9c: {  	s6 =	simm.s32 $0x0;
	s20 =	sshll.u32 s4, $0x1;
	s4 =	sadd.s32 s21, s2  }
0x9d: {  	[timem:s6], [sflag:s22] =	dma.local [hbm:s4], s20  }
0x9e: {  	_ =	swait.ge [sflag:s22], s20  }
0x9f: {  	s3 =	ssub.s32 $0x0, s20;
	[sflag:s22] =	ssyncset.done $0x0  }
0xa0: {  	[sflag:s22] =	ssyncadd.s32 s3;
	_ =	sdelay $0x1  }
0xa1: {  	s23 =	simm.s32 $0x1B8B  }
0xa2: {  	_ =	swait.ge [sflag:s23], $0x1  }
0xa3: {  	[sflag:s23] =	ssyncset.done $0x0  }
0xa4: {  	s25 =	simm.s32 $0x1B8E;
	s24 =	sld [smem:$0x3FFE];
	[sflag:s23] =	ssyncadd.s32 $0xFFFFFFFF  }
0xa5: {  	s26 =	simm.s32 $execute0_lowered;
	[smem:$0x3FD2] =	sst s25  }
0xa6: {  	s4 =	sshll.u32 s26, $0x1;
	_ =	strace $0x80000049;
	[dreg:$0x1] =	wrdreg $0xFFFFFFFF  }
0xa7: {  	s28 =	simm.s32 $_size_execute0_lowered;
	s2 =	sadd.s32 s2, s4;
	[dreg:$0x0] =	wrdreg $0x0  }
0xa8: {  	s4 =	sshll.u32 s28, $0x1;
	[dreg:$0x2] =	wrdreg s2  }
0xa9: {  	[dreg:$0x3] =	wrdreg s4  }
0xaa: {  	[dreg:$0x4] =	wrdreg $0xC0  }
0xab: {  	_ =	task [dreg:s6], $0x5FFFF  }
0xac: {  	[dreg:$0x1] =	wrdreg $0xFFFFFFFF  }
0xad: {  	[dreg:$0x0] =	wrdreg $0x60  }
0xae: {  	[dreg:$0x2] =	wrdreg s24  }
0xaf: {  	[dreg:$0x3] =	wrdreg $0x81000  }
0xb0: {  	[dreg:$0x4] =	wrdreg $0x9  }
0xb1: {  	_ =	task.clear_ibuf [dreg:s6], $0x5FFFF;
	_ =	strace $0x90000049  }
0xb2: {  	s29 =	simm.s32 $0x9;
	_ =	strace $0x8000004B  }
0xb3: {  	_ =	swait.ge [sflag:s29], $0x1  }
0xb4: {  	[sflag:s29] =	ssyncadd.s32 $0xFFFFFFFF  }
0xb5: {  	_ =	strace $0x9000004B  }
0xb6: {  	_ =	sfence  }
0xb7: {  	s30 =	sld [smem:$0x0];
	_ =	sdelay $0x2  }
0xb8: {  	s31 =	sshll.u32 s1, $0xD;
	s1 =	sshrl.u32 s1, $0x2  }
0xb9: {  	s3 =	sand.u32 $0x4000, s31;
	s1 =	sadd.s32 s1, s30  }
0xba: {  	s0 =	sor.u32 s3, s0;
	s1 =	sshll.u32 s1, $0x11  }
0xbb: {  	s0 =	sor.u32 s1, s0  }
0xbc: {  	s0 =	sadd.s32 $0x8F2B, s0  }
0xbd: {  	[sflag:s0] =	ssyncadd.remote.s32 $0x1  }
0xbe: {  	_ =	sfence.sel $0xFFFF  }
0xbf: {  	[dreg:$0x0] =	wrdreg $0xFFFFFFFF;
	(pc) =	sbr.abs _section_cstart, $3  }
0xc0: {  	[dreg:$0x1] =	wrdreg $0xFFFFFFFF  }
0xc1: {  	_ =	task.clear_ibuf [dreg:s6], $0x2FFFF;
	_ =	strace $0x9FFFFFFF  }
0xc2: {  	(tm) =	ssettm $0x7FFFFFFF  }
0xc3: {  	_ =	shalt  }
tec
execute0_lowered:
.L_overlay_start_1:
0x0: {  	(tag) =	ssettag $0x1  }
0x1: {  	s4 =	rddreg [dreg:$0x0];
	s0 =	srdreg.scid  }
0x2: {  	s2 =	rddreg [dreg:$0x1];
	s1 =	stileid.u32;
	s3 =	simm.s32 $0x0  }
0x3: {  	s15 =	simm.s32 $0x8080;
	s16 =	simm.s32 $0x1;
	s7 =	smul.u32 $0x14000, s1  }
0x4: {  	s17 =	simm.s32 $0x2;
	s18 =	simm.s32 $0x80;
	s11 =	smul.u32 $0x50000, s1  }
0x5: {  	s5 =	sand.u32 $0x1, s0;
	s0 =	rddreg [dreg:$0x2];
	s28 =	smul.u32 $0x2800, s1  }
0x6: {  	s19 =	simm.s32 $0x0;
	[smem:$0x7FF] =	sst s3;
	s14 =	smul.u32 $0x28000, s1  }
0x7: {  	s10 =	sadd.s32 $0x8200, s4;
	s29 =	sshll.u32 s1, $0x6;
	s6 =	smul.u32 $0x280000, s5  }
0x8: {  	s8 =	smul.u32 $0x140000, s5;
	_ =	strace $0x8000004A;
	s24 =	ssub.s32 $0x2, s5  }
0x9: {  	s12 =	smul.u32 $0x28000, s5;
	s5 =	sor.u32 $0x1C03, s29;
	s23 =	sshrl.u32 s7, $0x3  }
0xa: {  	s25 =	sshrl.u32 s24, $0x1;
	s26 =	sshrl.u32 s11, $0x2;
	s9 =	sadd.s32 s6, s4  }
0xb: {  	s6 =	sadd.s32 s23, s4;
	s7 =	sadd.s32 s7, s8;
	s8 =	ssub.s32 s24, s25  }
0xc: {  	s13 =	sadd.s32 s26, s2;
	s11 =	sadd.s32 s28, s12;
	s12 =	simm.s32 $0x3  }
0xd: {  	s7 =	sshrl.u32 s7, $0x3;
	s30 =	sor.u32 $0x80, s11;
	s9 =	sadd.s32 s14, s9  }
0xe: {  	s11 =	sshrl.u32 s11, $0x3;
	s14 =	simm.s32 $0x8000;
	s7 =	sadd.s32 s7, s4  }
0xf: {  	s4 =	sadd.s32 $0x1C200, s6;
	s31 =	sshrl.u32 s30, $0x3;
	s6 =	sadd.s32 $0x44200, s7  }
0x10: {  	s7 =	smax.u32 s8, $0x1;
	s8 =	sadd.s32 $0xF44A00, s9;
	s9 =	sadd.s32 s31, s10  }
0x11: {  	s10 =	sadd.s32 s11, s10;
	s11 =	sshrl.u32 s13, $0x3;
	s13 =	simm.s32 $0x4000  }
.LBB2_1:
0x12: {  	[spmem:s11], [sflag:s5] =	dma.local [hbm:s4], $0x2800  }
0x13: {  	_ =	swait.ge [sflag:s12], $0x2800  }
0x14: {  	[sflag:s12] =	ssyncset.done $0x0  }
0x15: {  	[sflag:s12] =	ssyncadd.s32 $0xFFFFD800  }
0x16: {  	s20 =	sadd.s32 $0xFFFFF800, s8;
	[bflag:$0x0] =	sbarrier.arrive $0xFFFF  }
0x17: {  	[tilespmem:s3], [sflag:$0x1] =	stream.linear.gather [hbm4b:s20+s3], $0x4000, $0x38;
	[tilespmem:$0x1C100] =	vst v63  }
0x18: {  	_ = 	snop  }
0x19: {  	[tilespmem:s13], [sflag:$0x2] =	stream.linear.gather [hbm4b:s8+s3], $0x4000, $0x38;
	[tilespmem:$0x1C100] =	vst v63  }
0x1a: {  	s30 =	sadd.s32 $0x0, s10  }
0x1b: {  	[tilespmem:s14], [sflag:$0x3] =	stream.linear.gather [hbm4b:s30+s3], $0x80, $0x38;
	[tilespmem:$0x1C100] =	vst v63  }
0x1c: {  	_ =	swait.ge [sflag:s12], $0x80  }
0x1d: {  	[sflag:s12] =	ssyncset.done $0x0  }
0x1e: {  	s31 =	sadd.s32 $0x0, s9;
	[sflag:s12] =	ssyncadd.s32 $0xFFFFFF80  }
0x1f: {  	[tilespmem:s15], [sflag:$0x3] =	stream.linear.gather [hbm4b:s31+s3], $0x80, $0x38;
	[tilespmem:$0x1C100] =	vst v63  }
0x20: {  	_ =	swait.ge [sflag:s12], $0x80  }
0x21: {  	[sflag:s12] =	ssyncset.done $0x0  }
0x22: {  	[sflag:s12] =	ssyncadd.s32 $0xFFFFFF80  }
0x23: {  	_ =	swait.ge [sflag:s16], $0x4000  }
0x24: {  	[sflag:s16] =	ssyncset.done $0x0  }
0x25: {  	[sflag:s16] =	ssyncadd.s32 $0xFFFFC000  }
0x26: {  	_ =	swait.ge [sflag:s17], $0x4000  }
0x27: {  	[sflag:s17] =	ssyncset.done $0x0  }
0x28: {  	[sflag:s17] =	ssyncadd.s32 $0xFFFFC000  }
0x29: {  	[spmem:s2] =	stream.indirect.scatter.add.f32 [tilespmem:s3], [sflag:$0x3], $0x80, s14, s18, $0xb8;
	[tilespmem:$0x1C100] =	vst v63  }
0x2a: {  	_ =	swait.ge [sflag:s12], $0x4000  }
0x2b: {  	[sflag:s12] =	ssyncset.done $0x0  }
0x2c: {  	[sflag:s12] =	ssyncadd.s32 $0xFFFFC000  }
0x2d: {  	[spmem:s2] =	stream.indirect.scatter.add.f32 [tilespmem:s13], [sflag:$0x3], $0x80, s15, s18, $0xb8;
	[tilespmem:$0x1C100] =	vst v63  }
0x2e: {  	s22 =	simm.s32 $0x40;
	_ =	swait.ge [sflag:s12], $0x4000  }
0x2f: {  	s21 =	sadd.s32 $0x1000, s8;
	s20 =	simm.s32 $0x20;
	[sflag:s12] =	ssyncset.done $0x0  }
.LBB2_2:
0x30: {  	p0 =	sne.s32 s22, $0x4E0;
	s23 =	sadd.s32 $0xFFFFF800, s21;
	[sflag:s12] =	ssyncadd.s32 $0xFFFFC000  }
0x31: {  	[tilespmem:s3], [sflag:$0x1] =	stream.linear.gather [hbm4b:s23+s3], $0x4000, $0x38;
	[tilespmem:$0x1C100] =	vst v63  }
0x32: {  	s23 =	smov.u32 s22;
	s22 =	sadd.s32 $0x20, s22  }
0x33: {  	[tilespmem:s13], [sflag:$0x2] =	stream.linear.gather [hbm4b:s21+s3], $0x4000, $0x38;
	[tilespmem:$0x1C100] =	vst v63  }
0x34: {  	s24 =	sadd.s32 s20, s10  }
0x35: {  	[tilespmem:s14], [sflag:$0x3] =	stream.linear.gather [hbm4b:s24+s3], $0x80, $0x38;
	[tilespmem:$0x1C100] =	vst v63  }
0x36: {  	_ =	swait.ge [sflag:s12], $0x80  }
0x37: {  	[sflag:s12] =	ssyncset.done $0x0  }
0x38: {  	s24 =	sadd.s32 s20, s9;
	s20 =	smov.u32 s23;
	[sflag:s12] =	ssyncadd.s32 $0xFFFFFF80  }
0x39: {  	[tilespmem:s15], [sflag:$0x3] =	stream.linear.gather [hbm4b:s24+s3], $0x80, $0x38;
	[tilespmem:$0x1C100] =	vst v63  }
0x3a: {  	_ =	swait.ge [sflag:s12], $0x80  }
0x3b: {  	[sflag:s12] =	ssyncset.done $0x0  }
0x3c: {  	[sflag:s12] =	ssyncadd.s32 $0xFFFFFF80  }
0x3d: {  	_ =	swait.ge [sflag:s16], $0x4000  }
0x3e: {  	[sflag:s16] =	ssyncset.done $0x0  }
0x3f: {  	[sflag:s16] =	ssyncadd.s32 $0xFFFFC000  }
0x40: {  	_ =	swait.ge [sflag:s17], $0x4000  }
0x41: {  	[sflag:s17] =	ssyncset.done $0x0  }
0x42: {  	[sflag:s17] =	ssyncadd.s32 $0xFFFFC000  }
0x43: {  	[spmem:s2] =	stream.indirect.scatter.add.f32 [tilespmem:s3], [sflag:$0x3], $0x80, s14, s18, $0xb8;
	[tilespmem:$0x1C100] =	vst v63  }
0x44: {  	_ =	swait.ge [sflag:s12], $0x4000  }
.Ltmp0:
0x45: {  	[sflag:s12] =	ssyncset.done $0x0;
	(pc) =	sbr.rel @p0 .LBB2_2-.Ltmp0, $4  }
0x46: {  	[sflag:s12] =	ssyncadd.s32 $0xFFFFC000  }
0x47: {  	[spmem:s2] =	stream.indirect.scatter.add.f32 [tilespmem:s13], [sflag:$0x3], $0x80, s15, s18, $0xb8;
	[tilespmem:$0x1C100] =	vst v63  }
0x48: {  	_ =	swait.ge [sflag:s12], $0x4000  }
0x49: {  	s21 =	sadd.s32 $0x1000, s21;
	[sflag:s12] =	ssyncset.done $0x0  }
0x4a: {  	s22 =	sadd.s32 $0xFFFFF800, s21;
	[sflag:s12] =	ssyncadd.s32 $0xFFFFC000  }
0x4b: {  	[tilespmem:s3], [sflag:$0x1] =	stream.linear.gather [hbm4b:s22+s3], $0x4000, $0x38;
	[tilespmem:$0x1C100] =	vst v63  }
0x4c: {  	_ = 	snop  }
0x4d: {  	[tilespmem:s13], [sflag:$0x2] =	stream.linear.gather [hbm4b:s21+s3], $0x4000, $0x38;
	[tilespmem:$0x1C100] =	vst v63  }
0x4e: {  	s30 =	sadd.s32 s20, s10  }
0x4f: {  	[tilespmem:s14], [sflag:$0x3] =	stream.linear.gather [hbm4b:s30+s3], $0x80, $0x38;
	[tilespmem:$0x1C100] =	vst v63  }
0x50: {  	_ =	swait.ge [sflag:s12], $0x80  }
0x51: {  	[sflag:s12] =	ssyncset.done $0x0  }
0x52: {  	s31 =	sadd.s32 s20, s9;
	[sflag:s12] =	ssyncadd.s32 $0xFFFFFF80  }
0x53: {  	[tilespmem:s15], [sflag:$0x3] =	stream.linear.gather [hbm4b:s31+s3], $0x80, $0x38;
	[tilespmem:$0x1C100] =	vst v63  }
0x54: {  	_ =	swait.ge [sflag:s12], $0x80  }
0x55: {  	[sflag:s12] =	ssyncset.done $0x0  }
0x56: {  	[sflag:s12] =	ssyncadd.s32 $0xFFFFFF80  }
0x57: {  	_ =	swait.ge [sflag:s16], $0x4000  }
0x58: {  	[sflag:s16] =	ssyncset.done $0x0  }
0x59: {  	[sflag:s16] =	ssyncadd.s32 $0xFFFFC000  }
0x5a: {  	_ =	swait.ge [sflag:s17], $0x4000  }
0x5b: {  	[sflag:s17] =	ssyncset.done $0x0  }
0x5c: {  	[sflag:s17] =	ssyncadd.s32 $0xFFFFC000  }
0x5d: {  	[spmem:s2] =	stream.indirect.scatter.add.f32 [tilespmem:s3], [sflag:$0x3], $0x80, s14, s18, $0xb8;
	[tilespmem:$0x1C100] =	vst v63  }
0x5e: {  	_ =	swait.ge [sflag:s12], $0x4000  }
0x5f: {  	[sflag:s12] =	ssyncset.done $0x0  }
0x60: {  	[sflag:s12] =	ssyncadd.s32 $0xFFFFC000  }
0x61: {  	[spmem:s2] =	stream.indirect.scatter.add.f32 [tilespmem:s13], [sflag:$0x3], $0x80, s15, s18, $0xb8;
	[tilespmem:$0x1C100] =	vst v63  }
0x62: {  	_ =	swait.ge [sflag:s12], $0x4000  }
0x63: {  	s19 =	sadd.s32 $0x1, s19;
	[sflag:s12] =	ssyncset.done $0x0  }
0x64: {  	p0 =	sne.s32 s19, s7;
	[sflag:s12] =	ssyncadd.s32 $0xFFFFC000  }
.Ltmp1:
0x65: {  	[bflag:$0x0] =	sbarrier.arrive $0xFFFF;
	(pc) =	sbr.rel @p0 .LBB2_1-.Ltmp1, $4  }
0x66: {  	[hbm:s6], [sflag:s5] =	dma.local [spmem:s11], $0x2800  }
0x67: {  	_ =	swait.ge [sflag:s12], $0x2800  }
0x68: {  	[sflag:s12] =	ssyncset.done $0x0  }
0x69: {  	[sflag:s12] =	ssyncadd.s32 $0xFFFFD800  }
0x6a: {  	_ =	sfence.sel $0x180000  }
0x6b: {  	[bflag:$0x0] =	sbarrier.arrive $0xFFFF  }
0x6c: {  	p0 =	sne.s32 s1, $0x0;
	_ =	strace $0x9000004A  }
0x6d: {  	s0 =	sadd.s32 @!p0 $0x100000, s0;
	[bflag:$0x2] =	sbarrier.arrive $0xFFFF  }
0x6e: {  	[sflag:s0] =	ssyncadd.tile.s32 @!p0 $0x1;
	_ =	shalt  }
.Lfunc_end2:
_tile_overlayer_lowered:
.L_overlay_start_2:
0x6f: {  	(tag) =	ssettag $0x2  }
0x70: {  	s0 =	rddreg [dreg:$0x0];
	s2 =	stileid.u32  }
0x71: {  	s1 =	rddreg [dreg:$0x1];
	p0 =	sne.s32 s2, $0x0  }
0x72: {  	s3 =	rddreg [dreg:$0x2];
	[bflag:$0x3] =	sbarrier.arrive $0xFFFF;
	s2 =	simm.s32 @!p0 $0x1C03  }
0x73: {  	[timem:s3], [sflag:s2] =	dma.local @!p0 [hbm:s0], s1  }
0x74: {  	s0 =	simm.s32 @!p0 $0x3  }
0x75: {  	_ =	swait.ge @!p0 [sflag:s0], s1  }
0x76: {  	s1 =	ssub.s32 @!p0 $0x0, s1;
	[sflag:s0] =	ssyncset.done @!p0 $0x0  }
0x77: {  	[sflag:s0] =	ssyncadd.s32 @!p0 s1  }
0x78: {  	[bflag:$0x3] =	sbarrier.arrive $0xFFFF  }
0x79: {  	_ =	shalt  }

// kernel: kernel.23.cloned.1.call-start
scs
__scs_entry_jumppad:
0x0: {  	(pc) =	sbr.rel $0x88, $3  }
0x1: {  	(tag) =	ssettag $0x0;
	lr =	simm.s32 $0x1  }
0x2: {  	[smem:$0x3F6A] =	sst lr;
	_ =	strace $0xD0000000  }
0x3: {  	_ = 	snop  }
0x4: {  	_ = 	snop  }
0x5: {  	_ = 	snop  }
0x6: {  	_ = 	snop  }
0x7: {  	_ = 	snop  }
__scs_overlays_trampoline_lowered:
0x8: {  	[smem:$0x3F79] =	sst s0  }
0x9: {  	[smem:$0x3F7A] =	sst s1  }
0xa: {  	[smem:$0x3F7B] =	sst s2  }
0xb: {  	[smem:$0x3F7C] =	sst s3  }
0xc: {  	[smem:$0x3F7D] =	sst s4  }
0xd: {  	[smem:$0x3F7E] =	sst s5  }
0xe: {  	[smem:$0x3F7F] =	sst s6  }
0xf: {  	[smem:$0x3F80] =	sst s7  }
0x10: {  	[smem:$0x3F81] =	sst s8  }
0x11: {  	[smem:$0x3F82] =	sst s9;
	s0 =	simm.s32 @!p0 $0x0  }
0x12: {  	s1 =	sld [smem:$0x3F68];
	s0 =	simm.s32 @p0 $0x1  }
0x13: {  	[smem:$0x3F83] =	sst s0;
	s0 =	simm.s32 @!p1 $0x0  }
0x14: {  	s2 =	sld [smem:$0x3F67];
	s0 =	simm.s32 @p1 $0x1  }
0x15: {  	[smem:$0x3F84] =	sst s0;
	s0 =	simm.s32 @!p2 $0x0  }
0x16: {  	s3 =	sld [smem:$0x3FDB];
	s0 =	simm.s32 @p2 $0x1  }
0x17: {  	s4 =	simm.s32 $0x1BF5;
	[smem:$0x3F86] =	sst s0  }
0x18: {  	s0 =	sld [smem:$0x3F69];
	_ =	swait.ge [sflag:s4], $0x0  }
0x19: {  	s7 =	sld [smem:$0x3F6A]  }
0x1a: {  	s8 =	sadd.s32 $0xFFFFE003, lr  }
0x1b: {  	s9 =	sadd.s32 $0xFFFFFEF7, lr;
	s5 =	simm.s32 $0xFFFFFFFF;
	p2 =	slt.u32 s8, $0xFFFFF086  }
0x1c: {  	p1 =	slt.u32 s9, $0xF7A;
	s5 =	simm.s32 @!p2 $0x0  }
0x1d: {  	s5 =	simm.s32 @p1 $0x1;
	p0 =	seq.s32 s7, s2  }
0x1e: {  	s7 =	smul.u32 @!p0 $0xF7A, s2;
	p2 =	seq.s32 @!p0 s5, $0x0  }
0x1f: {  	s9 =	smul.u32 $0xF7A, s1;
	s8 =	simm.s32 @!p0 $0x1BF5;
	p2 =	por !p2, p0  }
0x20: {  	[sflag:s8] =	ssyncset.s32 @!p0 $0xFFFFF086;
	s6 =	sadd.s32 @!p0 s3, s7;
	s7 =	simm.s32 @!p0 $0x108  }
0x21: {  	s3 =	sadd.s32 s3, s9;
	s6 =	sadd.s32 @!p0 $0x88, s6;
	s7 =	simm.s32 @p2 $0x1082  }
0x22: {  	[simem:s7], [sflag:s8] =	dma.local @!p0 [hbm:s6], $0xF7A  }
0x23: {  	s9 =	sor.u32 $0xD0000000, s2;
	s6 =	simm.s32 $0x108;
	_ =	swait.ge @!p0 [sflag:s8], $0x0  }
0x24: {  	s3 =	sadd.s32 $0x88, s3;
	s6 =	simm.s32 @!p1 $0x1082;
	[sflag:s4] =	ssyncset.s32 $0xFFFFF086  }
0x25: {  	[simem:s6], [sflag:s4] =	dma.local [hbm:s3], $0xF7A  }
0x26: {  	[smem:$0x3F6A] =	sst s1;
	(tag) =	ssettag s2;
	_ =	strace s9  }
0x27: {  	s1 =	sld [smem:$0x3F7A]  }
0x28: {  	s2 =	sld [smem:$0x3F7B]  }
0x29: {  	s4 =	sld [smem:$0x3F7D]  }
0x2a: {  	p0 =	seq.s32 s5, $0x0;
	s5 =	sld [smem:$0x3F7E]  }
0x2b: {  	s6 =	sld [smem:$0x3F7F]  }
0x2c: {  	s7 =	sld [smem:$0x3F80]  }
0x2d: {  	s3 =	simm.s32 $0x108;
	s8 =	sld [smem:$0x3F81]  }
0x2e: {  	s3 =	simm.s32 @!p0 $0x1082;
	s9 =	sld [smem:$0x3F82]  }
0x2f: {  	lr =	sadd.s32 s0, s3;
	s0 =	sld [smem:$0x3F79]  }
0x30: {  	s3 =	sld [smem:$0x3F7C]  }
0x31: {  	[smem:$0x3F85] =	sst s10  }
0x32: {  	s10 =	sld [smem:$0x3F83];
	_ =	sdelay $0x3  }
0x33: {  	p0 =	seq.s32 s10, $0x1;
	s10 =	sld [smem:$0x3F85];
	_ =	sdelay $0x3  }
0x34: {  	[smem:$0x3F85] =	sst s10  }
0x35: {  	s10 =	sld [smem:$0x3F84];
	_ =	sdelay $0x3  }
0x36: {  	p1 =	seq.s32 s10, $0x1;
	s10 =	sld [smem:$0x3F85];
	_ =	sdelay $0x3  }
0x37: {  	[smem:$0x3F85] =	sst s10  }
0x38: {  	s10 =	sld [smem:$0x3F86]  }
0x39: {  	_ = 	snop;
	(pc) =	sbr.ind lr, $3  }
0x3a: {  	_ = 	snop  }
0x3b: {  	_ = 	snop  }
0x3c: {  	p2 =	seq.s32 s10, $0x1;
	s10 =	sld [smem:$0x3F85]  }
0x3d: {  	_ =	shalt  }
0x3e: {  	_ =	shalt  }
0x3f: {  	_ =	shalt  }
0x40: {  	_ =	shalt  }
0x41: {  	_ =	shalt  }
0x42: {  	_ =	shalt  }
0x43: {  	_ =	shalt  }
0x44: {  	_ =	shalt  }
0x45: {  	_ =	shalt  }
0x46: {  	_ =	shalt  }
0x47: {  	_ =	shalt  }
0x48: {  	_ =	shalt  }
0x49: {  	_ =	shalt  }
0x4a: {  	_ =	shalt  }
0x4b: {  	_ =	shalt  }
0x4c: {  	_ =	shalt  }
0x4d: {  	_ =	shalt  }
0x4e: {  	_ =	shalt  }
0x4f: {  	_ =	shalt  }
0x50: {  	_ =	shalt  }
0x51: {  	_ =	shalt  }
0x52: {  	_ =	shalt  }
0x53: {  	_ =	shalt  }
0x54: {  	_ =	shalt  }
0x55: {  	_ =	shalt  }
0x56: {  	_ =	shalt  }
0x57: {  	_ =	shalt  }
0x58: {  	_ =	shalt  }
0x59: {  	_ =	shalt  }
0x5a: {  	_ =	shalt  }
0x5b: {  	_ =	shalt  }
0x5c: {  	_ =	shalt  }
0x5d: {  	_ =	shalt  }
0x5e: {  	_ =	shalt  }
0x5f: {  	_ =	shalt  }
0x60: {  	_ =	shalt  }
0x61: {  	_ =	shalt  }
0x62: {  	_ =	shalt  }
0x63: {  	_ =	shalt  }
0x64: {  	_ =	shalt  }
0x65: {  	_ =	shalt  }
0x66: {  	_ =	shalt  }
0x67: {  	_ =	shalt  }
0x68: {  	_ =	shalt  }
0x69: {  	_ =	shalt  }
0x6a: {  	_ =	shalt  }
0x6b: {  	_ =	shalt  }
0x6c: {  	_ =	shalt  }
0x6d: {  	_ =	shalt  }
0x6e: {  	_ =	shalt  }
0x6f: {  	_ =	shalt  }
0x70: {  	_ =	shalt  }
0x71: {  	_ =	shalt  }
0x72: {  	_ =	shalt  }
0x73: {  	_ =	shalt  }
0x74: {  	_ =	shalt  }
0x75: {  	_ =	shalt  }
0x76: {  	_ =	shalt  }
0x77: {  	_ =	shalt  }
0x78: {  	_ =	shalt  }
0x79: {  	_ =	shalt  }
0x7a: {  	_ =	shalt  }
0x7b: {  	_ =	shalt  }
0x7c: {  	_ =	shalt  }
0x7d: {  	_ =	shalt  }
0x7e: {  	_ =	shalt  }
0x7f: {  	_ =	shalt  }
0x80: {  	_ =	shalt  }
0x81: {  	_ =	shalt  }
0x82: {  	_ =	shalt  }
0x83: {  	_ =	shalt  }
0x84: {  	_ =	shalt  }
0x85: {  	_ =	shalt  }
0x86: {  	_ =	shalt  }
0x87: {  	_ =	shalt  }
.Lfunc_end0:
.L_simem_size_0:
called_computation.2_lowered:
.L_overlay_start_0:
0x88: {  	s2 =	sld [smem:$0x3FD9]  }
0x89: {  	s3 =	sld [smem:$0x3FFE];
	_ =	sdelay $0x1  }
0x8a: {  	s1 =	srdreg.scid  }
0x8b: {  	s0 =	sand.u32 $0x1, s1  }
0x8c: {  	s16 =	sshll.u32 s0, $0xA;
	s2 =	sadd.s32 s3, s2  }
0x8d: {  	s2 =	sadd.s32 s2, s16  }
0x8e: {  	[smem:$0x3F91] =	sst s2  }
0x8f: {  	_ = 	snop  }
0x90: {  	(tm) =	ssettm $0x1  }
0x91: {  	s17 =	sld [smem:$0x3FFB];
	_ =	sdelay $0x3  }
0x92: {  	_ =	strace s17  }
0x93: {  	s2 =	sld [smem:$0x3FFC];
	_ =	sdelay $0x3  }
0x94: {  	_ =	strace s2  }
0x95: {  	s2 =	sld [smem:$0x3FFD];
	_ =	sdelay $0x3  }
0x96: {  	_ =	strace s2  }
0x97: {  	_ =	strace $0x8FFFFFFF  }
0x98: {  	s18 =	sld [smem:$0x3FDB];
	_ =	sdelay $0x1  }
0x99: {  	s19 =	simm.s32 $_scs_section_size  }
0x9a: {  	s4 =	simm.s32 $_size__tile_overlayer_lowered;
	s5 =	simm.s32 $_tile_overlayer_lowered  }
0x9b: {  	s22 =	simm.s32 $0x1BFF;
	s21 =	sshll.u32 s5, $0x1;
	s2 =	sadd.s32 s19, s18  }
0x9c: {  	s6 =	simm.s32 $0x0;
	s20 =	sshll.u32 s4, $0x1;
	s4 =	sadd.s32 s21, s2  }
0x9d: {  	[timem:s6], [sflag:s22] =	dma.local [hbm:s4], s20  }
0x9e: {  	_ =	swait.ge [sflag:s22], s20  }
0x9f: {  	s3 =	ssub.s32 $0x0, s20;
	[sflag:s22] =	ssyncset.done $0x0  }
0xa0: {  	[sflag:s22] =	ssyncadd.s32 s3;
	_ =	sdelay $0x1  }
0xa1: {  	s23 =	simm.s32 $0x1B8B  }
0xa2: {  	_ =	swait.ge [sflag:s23], $0x1  }
0xa3: {  	[sflag:s23] =	ssyncset.done $0x0  }
0xa4: {  	s25 =	simm.s32 $0x1B8E;
	s24 =	sld [smem:$0x3FFE];
	[sflag:s23] =	ssyncadd.s32 $0xFFFFFFFF  }
0xa5: {  	s26 =	simm.s32 $execute0_lowered;
	[smem:$0x3FD2] =	sst s25  }
0xa6: {  	s4 =	sshll.u32 s26, $0x1;
	_ =	strace $0x8000004C;
	[dreg:$0x1] =	wrdreg $0xFFFFFFFF  }
0xa7: {  	s28 =	simm.s32 $_size_execute0_lowered;
	s2 =	sadd.s32 s2, s4;
	[dreg:$0x0] =	wrdreg $0x0  }
0xa8: {  	s4 =	sshll.u32 s28, $0x1;
	[dreg:$0x2] =	wrdreg s2  }
0xa9: {  	[dreg:$0x3] =	wrdreg s4  }
0xaa: {  	[dreg:$0x4] =	wrdreg $0xC0  }
0xab: {  	_ =	task [dreg:s6], $0x5FFFF  }
0xac: {  	[dreg:$0x1] =	wrdreg $0xFFFFFFFF  }
0xad: {  	[dreg:$0x0] =	wrdreg $0x60  }
0xae: {  	[dreg:$0x2] =	wrdreg s24  }
0xaf: {  	[dreg:$0x3] =	wrdreg $0x9  }
0xb0: {  	_ =	task.clear_ibuf [dreg:s6], $0x4FFFF;
	_ =	strace $0x9000004C  }
0xb1: {  	s29 =	simm.s32 $0x9;
	_ =	strace $0x8000004E  }
0xb2: {  	_ =	swait.ge [sflag:s29], $0x1  }
0xb3: {  	[sflag:s29] =	ssyncadd.s32 $0xFFFFFFFF  }
0xb4: {  	_ =	strace $0x9000004E  }
0xb5: {  	_ =	sfence  }
0xb6: {  	s30 =	sld [smem:$0x0];
	_ =	sdelay $0x2  }
0xb7: {  	s31 =	sshll.u32 s1, $0xD;
	s1 =	sshrl.u32 s1, $0x2  }
0xb8: {  	s3 =	sand.u32 $0x4000, s31;
	s1 =	sadd.s32 s1, s30  }
0xb9: {  	s0 =	sor.u32 s3, s0;
	s1 =	sshll.u32 s1, $0x11  }
0xba: {  	s0 =	sor.u32 s1, s0  }
0xbb: {  	s0 =	sadd.s32 $0x8F2B, s0  }
0xbc: {  	[sflag:s0] =	ssyncadd.remote.s32 $0x1  }
0xbd: {  	_ =	sfence.sel $0xFFFF  }
0xbe: {  	[dreg:$0x0] =	wrdreg $0xFFFFFFFF;
	(pc) =	sbr.abs _section_cstart, $3  }
0xbf: {  	[dreg:$0x1] =	wrdreg $0xFFFFFFFF  }
0xc0: {  	_ =	task.clear_ibuf [dreg:s6], $0x2FFFF;
	_ =	strace $0x9FFFFFFF  }
0xc1: {  	(tm) =	ssettm $0x7FFFFFFF  }
tec
execute0_lowered:
.L_overlay_start_1:
0x0: {  	(tag) =	ssettag $0x1  }
0x1: {  	s5 =	rddreg [dreg:$0x0]  }
0x2: {  	s0 =	rddreg [dreg:$0x1];
	s2 =	simm.s32 $0x0  }
0x3: {  	s1 =	stileid.u32;
	s3 =	srdreg.scid;
	s12 =	simm.s32 $0x10100  }
0x4: {  	s13 =	simm.s32 $0x10080;
	s14 =	simm.s32 $0x10180;
	s15 =	simm.s32 $0x80  }
0x5: {  	s16 =	simm.s32 $0x4000;
	s17 =	simm.s32 $0x8000;
	s18 =	simm.s32 $0xC000  }
0x6: {  	s19 =	simm.s32 $0x1;
	s20 =	simm.s32 $0x2;
	s21 =	simm.s32 $0x3  }
0x7: {  	s22 =	simm.s32 $0x4;
	s23 =	simm.s32 $0x0;
	s6 =	smul.u32 $0x50000, s1  }
0x8: {  	[smem:$0x7FF] =	sst s2;
	s7 =	sand.u32 $0x1, s3;
	s10 =	smul.u32 $0x5000, s1  }
0x9: {  	s3 =	sadd.s32 $0x44200, s5;
	s4 =	sadd.s32 $0x8200, s5;
	s8 =	smul.u32 $0x28000, s7  }
0xa: {  	_ =	strace $0x8000004D;
	s9 =	ssub.s32 $0x2, s7;
	s7 =	smul.u32 $0x2800, s7  }
0xb: {  	s6 =	sadd.s32 s6, s5;
	s11 =	sshrl.u32 s9, $0x1;
	s5 =	sadd.s32 $0x12200, s5  }
0xc: {  	s8 =	sadd.s32 s8, s6;
	s29 =	ssub.s32 s9, s11;
	s31 =	sadd.s32 s7, s10  }
0xd: {  	s10 =	simm.s32 $0x10000;
	s11 =	simm.s32 $0x5;
	s30 =	sadd.s32 $0x94400, s8  }
0xe: {  	s6 =	smax.u32 s29, $0x1;
	s7 =	sadd.s32 $0xF44200, s8;
	s9 =	sor.u32 $0x80, s31  }
0xf: {  	s8 =	sshrl.u32 s31, $0x3;
	[dreg:$0x2] =	wrdreg s30;
	s9 =	sshrl.u32 s9, $0x3  }
.LBB2_1:
0x10: {  	s24 =	sadd.s32 s4, s8  }
0x11: {  	[tilespmem:s10], [sflag:$0x5] =	stream.linear.gather [hbm4b:s24+s2], $0x80, $0x38;
	[tilespmem:$0x10200] =	vst v63  }
0x12: {  	_ =	swait.ge [sflag:s11], $0x80  }
0x13: {  	[sflag:s11] =	ssyncset.done $0x0  }
0x14: {  	s25 =	sadd.s32 s5, s8;
	[sflag:s11] =	ssyncadd.s32 $0xFFFFFF80  }
0x15: {  	[tilespmem:s12], [sflag:$0x5] =	stream.linear.gather [hbm4b:s25+s2], $0x80, $0x38;
	[tilespmem:$0x10200] =	vst v63  }
0x16: {  	_ =	swait.ge [sflag:s11], $0x80  }
0x17: {  	[sflag:s11] =	ssyncset.done $0x0  }
0x18: {  	s26 =	sadd.s32 s4, s9;
	[sflag:s11] =	ssyncadd.s32 $0xFFFFFF80  }
0x19: {  	[tilespmem:s13], [sflag:$0x5] =	stream.linear.gather [hbm4b:s26+s2], $0x80, $0x38;
	[tilespmem:$0x10200] =	vst v63  }
0x1a: {  	_ =	swait.ge [sflag:s11], $0x80  }
0x1b: {  	[sflag:s11] =	ssyncset.done $0x0  }
0x1c: {  	s29 =	sadd.s32 s5, s9;
	[sflag:s11] =	ssyncadd.s32 $0xFFFFFF80  }
0x1d: {  	[tilespmem:s14], [sflag:$0x5] =	stream.linear.gather [hbm4b:s29+s2], $0x80, $0x38;
	[tilespmem:$0x10200] =	vst v63  }
0x1e: {  	_ =	swait.ge [sflag:s11], $0x80  }
0x1f: {  	[sflag:s11] =	ssyncset.done $0x0  }
0x20: {  	[sflag:s11] =	ssyncadd.s32 $0xFFFFFF80  }
0x21: {  	[tilespmem:s2], [sflag:$0x1] =	stream.indirect.gather [hbm4b:s3+s15], $0x80, s10, s15, $0xb8;
	[tilespmem:$0x10200] =	vst v63  }
0x22: {  	_ = 	snop  }
0x23: {  	[tilespmem:s16], [sflag:$0x2] =	stream.indirect.gather [hbm4b:s3+s15], $0x80, s12, s15, $0xb8;
	[tilespmem:$0x10200] =	vst v63  }
0x24: {  	_ = 	snop  }
0x25: {  	[tilespmem:s17], [sflag:$0x3] =	stream.indirect.gather [hbm4b:s3+s15], $0x80, s13, s15, $0xb8;
	[tilespmem:$0x10200] =	vst v63  }
0x26: {  	_ = 	snop  }
0x27: {  	[tilespmem:s18], [sflag:$0x4] =	stream.indirect.gather [hbm4b:s3+s15], $0x80, s14, s15, $0xb8;
	[tilespmem:$0x10200] =	vst v63  }
0x28: {  	_ =	swait.ge [sflag:s19], $0x4000  }
0x29: {  	[sflag:s19] =	ssyncset.done $0x0  }
0x2a: {  	[sflag:s19] =	ssyncadd.s32 $0xFFFFC000  }
0x2b: {  	_ =	swait.ge [sflag:s20], $0x4000  }
0x2c: {  	[sflag:s20] =	ssyncset.done $0x0  }
0x2d: {  	[sflag:s20] =	ssyncadd.s32 $0xFFFFC000  }
0x2e: {  	_ =	swait.ge [sflag:s21], $0x4000  }
0x2f: {  	[sflag:s21] =	ssyncset.done $0x0  }
0x30: {  	[sflag:s21] =	ssyncadd.s32 $0xFFFFC000  }
0x31: {  	_ =	swait.ge [sflag:s22], $0x4000  }
0x32: {  	s30 =	rddreg [dreg:$0x2];
	[sflag:s22] =	ssyncset.done $0x0  }
0x33: {  	[sflag:s22] =	ssyncadd.s32 $0xFFFFC000;
	s24 =	sadd.s32 $0x0, s30  }
0x34: {  	[hbm4b:s24+s2] =	stream.linear.scatter [tilespmem:s2], [sflag:$0x5], $0x4000, $0x38;
	[tilespmem:$0x10200] =	vst v63  }
0x35: {  	_ =	swait.ge [sflag:s11], $0x4000  }
0x36: {  	[sflag:s11] =	ssyncset.done $0x0  }
0x37: {  	s25 =	sadd.s32 $0x0, s7;
	[sflag:s11] =	ssyncadd.s32 $0xFFFFC000  }
0x38: {  	[hbm4b:s25+s2] =	stream.linear.scatter [tilespmem:s16], [sflag:$0x5], $0x4000, $0x38;
	[tilespmem:$0x10200] =	vst v63  }
0x39: {  	_ =	swait.ge [sflag:s11], $0x4000  }
0x3a: {  	[sflag:s11] =	ssyncset.done $0x0  }
0x3b: {  	s24 =	sadd.s32 $0x800, s24;
	[sflag:s11] =	ssyncadd.s32 $0xFFFFC000  }
0x3c: {  	[hbm4b:s24+s2] =	stream.linear.scatter [tilespmem:s17], [sflag:$0x5], $0x4000, $0x38;
	[tilespmem:$0x10200] =	vst v63  }
0x3d: {  	_ =	swait.ge [sflag:s11], $0x4000  }
0x3e: {  	[sflag:s11] =	ssyncset.done $0x0  }
0x3f: {  	s31 =	sadd.s32 $0x800, s25;
	[sflag:s11] =	ssyncadd.s32 $0xFFFFC000  }
0x40: {  	[hbm4b:s31+s2] =	stream.linear.scatter [tilespmem:s18], [sflag:$0x5], $0x4000, $0x38;
	[tilespmem:$0x10200] =	vst v63  }
0x41: {  	s28 =	simm.s32 $0x2000;
	s26 =	smov.u32 s5;
	_ =	swait.ge [sflag:s11], $0x4000  }
0x42: {  	s25 =	sadd.s32 $0x20, s4;
	s24 =	simm.s32 $0x1000;
	[sflag:s11] =	ssyncset.done $0x0  }
.LBB2_2:
0x43: {  	s30 =	sadd.s32 s25, s8;
	[sflag:s11] =	ssyncadd.s32 $0xFFFFC000  }
0x44: {  	[tilespmem:s10], [sflag:$0x5] =	stream.linear.gather [hbm4b:s30+s2], $0x80, $0x38;
	[tilespmem:$0x10200] =	vst v63  }
0x45: {  	_ =	swait.ge [sflag:s11], $0x80  }
0x46: {  	s26 =	sadd.s32 $0x20, s26;
	[sflag:s11] =	ssyncset.done $0x0  }
0x47: {  	s31 =	sadd.s32 s26, s8;
	[sflag:s11] =	ssyncadd.s32 $0xFFFFFF80  }
0x48: {  	[tilespmem:s12], [sflag:$0x5] =	stream.linear.gather [hbm4b:s31+s2], $0x80, $0x38;
	[tilespmem:$0x10200] =	vst v63  }
0x49: {  	_ =	swait.ge [sflag:s11], $0x80  }
0x4a: {  	[sflag:s11] =	ssyncset.done $0x0  }
0x4b: {  	s31 =	sadd.s32 s25, s9;
	[sflag:s11] =	ssyncadd.s32 $0xFFFFFF80  }
0x4c: {  	[tilespmem:s13], [sflag:$0x5] =	stream.linear.gather [hbm4b:s31+s2], $0x80, $0x38;
	[tilespmem:$0x10200] =	vst v63  }
0x4d: {  	_ =	swait.ge [sflag:s11], $0x80  }
0x4e: {  	[sflag:s11] =	ssyncset.done $0x0  }
0x4f: {  	s31 =	sadd.s32 s26, s9;
	[sflag:s11] =	ssyncadd.s32 $0xFFFFFF80  }
0x50: {  	[tilespmem:s14], [sflag:$0x5] =	stream.linear.gather [hbm4b:s31+s2], $0x80, $0x38;
	[tilespmem:$0x10200] =	vst v63  }
0x51: {  	_ =	swait.ge [sflag:s11], $0x80  }
0x52: {  	[sflag:s11] =	ssyncset.done $0x0  }
0x53: {  	[sflag:s11] =	ssyncadd.s32 $0xFFFFFF80  }
0x54: {  	[tilespmem:s2], [sflag:$0x1] =	stream.indirect.gather [hbm4b:s3+s15], $0x80, s10, s15, $0xb8;
	[tilespmem:$0x10200] =	vst v63  }
0x55: {  	_ = 	snop  }
0x56: {  	[tilespmem:s16], [sflag:$0x2] =	stream.indirect.gather [hbm4b:s3+s15], $0x80, s12, s15, $0xb8;
	[tilespmem:$0x10200] =	vst v63  }
0x57: {  	_ = 	snop  }
0x58: {  	[tilespmem:s17], [sflag:$0x3] =	stream.indirect.gather [hbm4b:s3+s15], $0x80, s13, s15, $0xb8;
	[tilespmem:$0x10200] =	vst v63  }
0x59: {  	_ = 	snop  }
0x5a: {  	[tilespmem:s18], [sflag:$0x4] =	stream.indirect.gather [hbm4b:s3+s15], $0x80, s14, s15, $0xb8;
	[tilespmem:$0x10200] =	vst v63  }
0x5b: {  	_ =	swait.ge [sflag:s19], $0x4000  }
0x5c: {  	[sflag:s19] =	ssyncset.done $0x0  }
0x5d: {  	[sflag:s19] =	ssyncadd.s32 $0xFFFFC000  }
0x5e: {  	_ =	swait.ge [sflag:s20], $0x4000  }
0x5f: {  	[sflag:s20] =	ssyncset.done $0x0  }
0x60: {  	[sflag:s20] =	ssyncadd.s32 $0xFFFFC000  }
0x61: {  	_ =	swait.ge [sflag:s21], $0x4000  }
0x62: {  	[sflag:s21] =	ssyncset.done $0x0  }
0x63: {  	[sflag:s21] =	ssyncadd.s32 $0xFFFFC000  }
0x64: {  	_ =	swait.ge [sflag:s22], $0x4000  }
0x65: {  	s31 =	rddreg [dreg:$0x2];
	[sflag:s22] =	ssyncset.done $0x0  }
0x66: {  	[sflag:s22] =	ssyncadd.s32 $0xFFFFC000;
	s30 =	sadd.s32 s24, s31  }
0x67: {  	[hbm4b:s30+s2] =	stream.linear.scatter [tilespmem:s2], [sflag:$0x5], $0x4000, $0x38;
	[tilespmem:$0x10200] =	vst v63  }
0x68: {  	_ =	swait.ge [sflag:s11], $0x4000  }
0x69: {  	[sflag:s11] =	ssyncset.done $0x0  }
0x6a: {  	s31 =	sadd.s32 s24, s7;
	[sflag:s11] =	ssyncadd.s32 $0xFFFFC000  }
0x6b: {  	[hbm4b:s31+s2] =	stream.linear.scatter [tilespmem:s16], [sflag:$0x5], $0x4000, $0x38;
	[tilespmem:$0x10200] =	vst v63  }
0x6c: {  	_ =	swait.ge [sflag:s11], $0x4000  }
0x6d: {  	[sflag:s11] =	ssyncset.done $0x0  }
0x6e: {  	s30 =	sadd.s32 $0x800, s30;
	[sflag:s11] =	ssyncadd.s32 $0xFFFFC000  }
0x6f: {  	[hbm4b:s30+s2] =	stream.linear.scatter [tilespmem:s17], [sflag:$0x5], $0x4000, $0x38;
	[tilespmem:$0x10200] =	vst v63  }
0x70: {  	p0 =	sne.s32 s28, $0x27000;
	_ =	swait.ge [sflag:s11], $0x4000  }
.Ltmp0:
0x71: {  	[sflag:s11] =	ssyncset.done $0x0;
	(pc) =	sbr.rel @p0 .LBB2_2-.Ltmp0, $4  }
0x72: {  	s31 =	sadd.s32 $0x800, s31;
	[sflag:s11] =	ssyncadd.s32 $0xFFFFC000  }
0x73: {  	[hbm4b:s31+s2] =	stream.linear.scatter [tilespmem:s18], [sflag:$0x5], $0x4000, $0x38;
	[tilespmem:$0x10200] =	vst v63  }
0x74: {  	s29 =	smov.u32 s28;
	s28 =	sadd.s32 $0x1000, s28;
	_ =	swait.ge [sflag:s11], $0x4000  }
0x75: {  	s25 =	sadd.s32 $0x20, s25;
	s24 =	smov.u32 s29;
	[sflag:s11] =	ssyncset.done $0x0  }
0x76: {  	s28 =	sadd.s32 s25, s8;
	[sflag:s11] =	ssyncadd.s32 $0xFFFFC000  }
0x77: {  	[tilespmem:s10], [sflag:$0x5] =	stream.linear.gather [hbm4b:s28+s2], $0x80, $0x38;
	[tilespmem:$0x10200] =	vst v63  }
0x78: {  	_ =	swait.ge [sflag:s11], $0x80  }
0x79: {  	s26 =	sadd.s32 $0x20, s26;
	[sflag:s11] =	ssyncset.done $0x0  }
0x7a: {  	s31 =	sadd.s32 s26, s8;
	[sflag:s11] =	ssyncadd.s32 $0xFFFFFF80  }
0x7b: {  	[tilespmem:s12], [sflag:$0x5] =	stream.linear.gather [hbm4b:s31+s2], $0x80, $0x38;
	[tilespmem:$0x10200] =	vst v63  }
0x7c: {  	_ =	swait.ge [sflag:s11], $0x80  }
0x7d: {  	[sflag:s11] =	ssyncset.done $0x0  }
0x7e: {  	s28 =	sadd.s32 s25, s9;
	[sflag:s11] =	ssyncadd.s32 $0xFFFFFF80  }
0x7f: {  	[tilespmem:s13], [sflag:$0x5] =	stream.linear.gather [hbm4b:s28+s2], $0x80, $0x38;
	[tilespmem:$0x10200] =	vst v63  }
0x80: {  	_ =	swait.ge [sflag:s11], $0x80  }
0x81: {  	[sflag:s11] =	ssyncset.done $0x0  }
0x82: {  	s29 =	sadd.s32 s26, s9;
	[sflag:s11] =	ssyncadd.s32 $0xFFFFFF80  }
0x83: {  	[tilespmem:s14], [sflag:$0x5] =	stream.linear.gather [hbm4b:s29+s2], $0x80, $0x38;
	[tilespmem:$0x10200] =	vst v63  }
0x84: {  	_ =	swait.ge [sflag:s11], $0x80  }
0x85: {  	[sflag:s11] =	ssyncset.done $0x0  }
0x86: {  	[sflag:s11] =	ssyncadd.s32 $0xFFFFFF80  }
0x87: {  	[tilespmem:s2], [sflag:$0x1] =	stream.indirect.gather [hbm4b:s3+s15], $0x80, s10, s15, $0xb8;
	[tilespmem:$0x10200] =	vst v63  }
0x88: {  	_ = 	snop  }
0x89: {  	[tilespmem:s16], [sflag:$0x2] =	stream.indirect.gather [hbm4b:s3+s15], $0x80, s12, s15, $0xb8;
	[tilespmem:$0x10200] =	vst v63  }
0x8a: {  	_ = 	snop  }
0x8b: {  	[tilespmem:s17], [sflag:$0x3] =	stream.indirect.gather [hbm4b:s3+s15], $0x80, s13, s15, $0xb8;
	[tilespmem:$0x10200] =	vst v63  }
0x8c: {  	_ = 	snop  }
0x8d: {  	[tilespmem:s18], [sflag:$0x4] =	stream.indirect.gather [hbm4b:s3+s15], $0x80, s14, s15, $0xb8;
	[tilespmem:$0x10200] =	vst v63  }
0x8e: {  	_ =	swait.ge [sflag:s19], $0x4000  }
0x8f: {  	[sflag:s19] =	ssyncset.done $0x0  }
0x90: {  	[sflag:s19] =	ssyncadd.s32 $0xFFFFC000  }
0x91: {  	_ =	swait.ge [sflag:s20], $0x4000  }
0x92: {  	[sflag:s20] =	ssyncset.done $0x0  }
0x93: {  	[sflag:s20] =	ssyncadd.s32 $0xFFFFC000  }
0x94: {  	_ =	swait.ge [sflag:s21], $0x4000  }
0x95: {  	[sflag:s21] =	ssyncset.done $0x0  }
0x96: {  	[sflag:s21] =	ssyncadd.s32 $0xFFFFC000  }
0x97: {  	_ =	swait.ge [sflag:s22], $0x4000  }
0x98: {  	s30 =	rddreg [dreg:$0x2];
	[sflag:s22] =	ssyncset.done $0x0  }
0x99: {  	[sflag:s22] =	ssyncadd.s32 $0xFFFFC000;
	s25 =	sadd.s32 s24, s30  }
0x9a: {  	[hbm4b:s25+s2] =	stream.linear.scatter [tilespmem:s2], [sflag:$0x5], $0x4000, $0x38;
	[tilespmem:$0x10200] =	vst v63  }
0x9b: {  	_ =	swait.ge [sflag:s11], $0x4000  }
0x9c: {  	[sflag:s11] =	ssyncset.done $0x0  }
0x9d: {  	s31 =	sadd.s32 s24, s7;
	[sflag:s11] =	ssyncadd.s32 $0xFFFFC000  }
0x9e: {  	[hbm4b:s31+s2] =	stream.linear.scatter [tilespmem:s16], [sflag:$0x5], $0x4000, $0x38;
	[tilespmem:$0x10200] =	vst v63  }
0x9f: {  	_ =	swait.ge [sflag:s11], $0x4000  }
0xa0: {  	[sflag:s11] =	ssyncset.done $0x0  }
0xa1: {  	s25 =	sadd.s32 $0x800, s25;
	[sflag:s11] =	ssyncadd.s32 $0xFFFFC000  }
0xa2: {  	[hbm4b:s25+s2] =	stream.linear.scatter [tilespmem:s17], [sflag:$0x5], $0x4000, $0x38;
	[tilespmem:$0x10200] =	vst v63  }
0xa3: {  	s23 =	sadd.s32 $0x1, s23;
	_ =	swait.ge [sflag:s11], $0x4000  }
0xa4: {  	p0 =	sne.s32 s23, s6;
	[sflag:s11] =	ssyncset.done $0x0  }
.Ltmp1:
0xa5: {  	s24 =	sadd.s32 $0x800, s31;
	[sflag:s11] =	ssyncadd.s32 $0xFFFFC000;
	(pc) =	sbr.rel @p0 .LBB2_1-.Ltmp1, $4  }
0xa6: {  	[hbm4b:s24+s2] =	stream.linear.scatter [tilespmem:s18], [sflag:$0x5], $0x4000, $0x38;
	[tilespmem:$0x10200] =	vst v63  }
0xa7: {  	_ =	swait.ge [sflag:s11], $0x4000  }
0xa8: {  	[sflag:s11] =	ssyncset.done $0x0  }
0xa9: {  	[sflag:s11] =	ssyncadd.s32 $0xFFFFC000  }
0xaa: {  	_ =	sfence.sel $0x180000  }
0xab: {  	[bflag:$0x0] =	sbarrier.arrive $0xFFFF  }
0xac: {  	p0 =	sne.s32 s1, $0x0;
	_ =	strace $0x9000004D  }
0xad: {  	s0 =	sadd.s32 @!p0 $0x100000, s0;
	[bflag:$0x2] =	sbarrier.arrive $0xFFFF  }
0xae: {  	[sflag:s0] =	ssyncadd.tile.s32 @!p0 $0x1;
	_ =	shalt  }
.Lfunc_end2:
_tile_overlayer_lowered:
.L_overlay_start_2:
0xaf: {  	(tag) =	ssettag $0x2  }
0xb0: {  	s0 =	rddreg [dreg:$0x0];
	s2 =	stileid.u32  }
0xb1: {  	s1 =	rddreg [dreg:$0x1];
	p0 =	sne.s32 s2, $0x0  }
0xb2: {  	s3 =	rddreg [dreg:$0x2];
	[bflag:$0x3] =	sbarrier.arrive $0xFFFF;
	s2 =	simm.s32 @!p0 $0x1C05  }
0xb3: {  	[timem:s3], [sflag:s2] =	dma.local @!p0 [hbm:s0], s1  }
0xb4: {  	s0 =	simm.s32 @!p0 $0x5  }
0xb5: {  	_ =	swait.ge @!p0 [sflag:s0], s1  }
0xb6: {  	s1 =	ssub.s32 @!p0 $0x0, s1;
	[sflag:s0] =	ssyncset.done @!p0 $0x0  }
0xb7: {  	[sflag:s0] =	ssyncadd.s32 @!p0 s1  }
0xb8: {  	[bflag:$0x3] =	sbarrier.arrive $0xFFFF  }
0xb9: {  	_ =	shalt  }

// kernel: kernel.26.cloned.1.call-start
scs
__scs_entry_jumppad:
0x0: {  	(pc) =	sbr.rel $0x88, $3  }
0x1: {  	(tag) =	ssettag $0x0;
	lr =	simm.s32 $0x1  }
0x2: {  	[smem:$0x3F6A] =	sst lr;
	_ =	strace $0xD0000000  }
0x3: {  	_ = 	snop  }
0x4: {  	_ = 	snop  }
0x5: {  	_ = 	snop  }
0x6: {  	_ = 	snop  }
0x7: {  	_ = 	snop  }
__scs_overlays_trampoline_lowered:
0x8: {  	[smem:$0x3F79] =	sst s0  }
0x9: {  	[smem:$0x3F7A] =	sst s1  }
0xa: {  	[smem:$0x3F7B] =	sst s2  }
0xb: {  	[smem:$0x3F7C] =	sst s3  }
0xc: {  	[smem:$0x3F7D] =	sst s4  }
0xd: {  	[smem:$0x3F7E] =	sst s5  }
0xe: {  	[smem:$0x3F7F] =	sst s6  }
0xf: {  	[smem:$0x3F80] =	sst s7  }
0x10: {  	[smem:$0x3F81] =	sst s8  }
0x11: {  	[smem:$0x3F82] =	sst s9;
	s0 =	simm.s32 @!p0 $0x0  }
0x12: {  	s1 =	sld [smem:$0x3F68];
	s0 =	simm.s32 @p0 $0x1  }
0x13: {  	[smem:$0x3F83] =	sst s0;
	s0 =	simm.s32 @!p1 $0x0  }
0x14: {  	s2 =	sld [smem:$0x3F67];
	s0 =	simm.s32 @p1 $0x1  }
0x15: {  	[smem:$0x3F84] =	sst s0;
	s0 =	simm.s32 @!p2 $0x0  }
0x16: {  	s3 =	sld [smem:$0x3FDB];
	s0 =	simm.s32 @p2 $0x1  }
0x17: {  	s4 =	simm.s32 $0x1BF5;
	[smem:$0x3F86] =	sst s0  }
0x18: {  	s0 =	sld [smem:$0x3F69];
	_ =	swait.ge [sflag:s4], $0x0  }
0x19: {  	s7 =	sld [smem:$0x3F6A]  }
0x1a: {  	s8 =	sadd.s32 $0xFFFFE003, lr  }
0x1b: {  	s9 =	sadd.s32 $0xFFFFFEF7, lr;
	s5 =	simm.s32 $0xFFFFFFFF;
	p2 =	slt.u32 s8, $0xFFFFF086  }
0x1c: {  	p1 =	slt.u32 s9, $0xF7A;
	s5 =	simm.s32 @!p2 $0x0  }
0x1d: {  	s5 =	simm.s32 @p1 $0x1;
	p0 =	seq.s32 s7, s2  }
0x1e: {  	s7 =	smul.u32 @!p0 $0xF7A, s2;
	p2 =	seq.s32 @!p0 s5, $0x0  }
0x1f: {  	s9 =	smul.u32 $0xF7A, s1;
	s8 =	simm.s32 @!p0 $0x1BF5;
	p2 =	por !p2, p0  }
0x20: {  	[sflag:s8] =	ssyncset.s32 @!p0 $0xFFFFF086;
	s6 =	sadd.s32 @!p0 s3, s7;
	s7 =	simm.s32 @!p0 $0x108  }
0x21: {  	s3 =	sadd.s32 s3, s9;
	s6 =	sadd.s32 @!p0 $0x88, s6;
	s7 =	simm.s32 @p2 $0x1082  }
0x22: {  	[simem:s7], [sflag:s8] =	dma.local @!p0 [hbm:s6], $0xF7A  }
0x23: {  	s9 =	sor.u32 $0xD0000000, s2;
	s6 =	simm.s32 $0x108;
	_ =	swait.ge @!p0 [sflag:s8], $0x0  }
0x24: {  	s3 =	sadd.s32 $0x88, s3;
	s6 =	simm.s32 @!p1 $0x1082;
	[sflag:s4] =	ssyncset.s32 $0xFFFFF086  }
0x25: {  	[simem:s6], [sflag:s4] =	dma.local [hbm:s3], $0xF7A  }
0x26: {  	[smem:$0x3F6A] =	sst s1;
	(tag) =	ssettag s2;
	_ =	strace s9  }
0x27: {  	s1 =	sld [smem:$0x3F7A]  }
0x28: {  	s2 =	sld [smem:$0x3F7B]  }
0x29: {  	s4 =	sld [smem:$0x3F7D]  }
0x2a: {  	p0 =	seq.s32 s5, $0x0;
	s5 =	sld [smem:$0x3F7E]  }
0x2b: {  	s6 =	sld [smem:$0x3F7F]  }
0x2c: {  	s7 =	sld [smem:$0x3F80]  }
0x2d: {  	s3 =	simm.s32 $0x108;
	s8 =	sld [smem:$0x3F81]  }
0x2e: {  	s3 =	simm.s32 @!p0 $0x1082;
	s9 =	sld [smem:$0x3F82]  }
0x2f: {  	lr =	sadd.s32 s0, s3;
	s0 =	sld [smem:$0x3F79]  }
0x30: {  	s3 =	sld [smem:$0x3F7C]  }
0x31: {  	[smem:$0x3F85] =	sst s10  }
0x32: {  	s10 =	sld [smem:$0x3F83];
	_ =	sdelay $0x3  }
0x33: {  	p0 =	seq.s32 s10, $0x1;
	s10 =	sld [smem:$0x3F85];
	_ =	sdelay $0x3  }
0x34: {  	[smem:$0x3F85] =	sst s10  }
0x35: {  	s10 =	sld [smem:$0x3F84];
	_ =	sdelay $0x3  }
0x36: {  	p1 =	seq.s32 s10, $0x1;
	s10 =	sld [smem:$0x3F85];
	_ =	sdelay $0x3  }
0x37: {  	[smem:$0x3F85] =	sst s10  }
0x38: {  	s10 =	sld [smem:$0x3F86]  }
0x39: {  	_ = 	snop;
	(pc) =	sbr.ind lr, $3  }
0x3a: {  	_ = 	snop  }
0x3b: {  	_ = 	snop  }
0x3c: {  	p2 =	seq.s32 s10, $0x1;
	s10 =	sld [smem:$0x3F85]  }
0x3d: {  	_ =	shalt  }
0x3e: {  	_ =	shalt  }
0x3f: {  	_ =	shalt  }
0x40: {  	_ =	shalt  }
0x41: {  	_ =	shalt  }
0x42: {  	_ =	shalt  }
0x43: {  	_ =	shalt  }
0x44: {  	_ =	shalt  }
0x45: {  	_ =	shalt  }
0x46: {  	_ =	shalt  }
0x47: {  	_ =	shalt  }
0x48: {  	_ =	shalt  }
0x49: {  	_ =	shalt  }
0x4a: {  	_ =	shalt  }
0x4b: {  	_ =	shalt  }
0x4c: {  	_ =	shalt  }
0x4d: {  	_ =	shalt  }
0x4e: {  	_ =	shalt  }
0x4f: {  	_ =	shalt  }
0x50: {  	_ =	shalt  }
0x51: {  	_ =	shalt  }
0x52: {  	_ =	shalt  }
0x53: {  	_ =	shalt  }
0x54: {  	_ =	shalt  }
0x55: {  	_ =	shalt  }
0x56: {  	_ =	shalt  }
0x57: {  	_ =	shalt  }
0x58: {  	_ =	shalt  }
0x59: {  	_ =	shalt  }
0x5a: {  	_ =	shalt  }
0x5b: {  	_ =	shalt  }
0x5c: {  	_ =	shalt  }
0x5d: {  	_ =	shalt  }
0x5e: {  	_ =	shalt  }
0x5f: {  	_ =	shalt  }
0x60: {  	_ =	shalt  }
0x61: {  	_ =	shalt  }
0x62: {  	_ =	shalt  }
0x63: {  	_ =	shalt  }
0x64: {  	_ =	shalt  }
0x65: {  	_ =	shalt  }
0x66: {  	_ =	shalt  }
0x67: {  	_ =	shalt  }
0x68: {  	_ =	shalt  }
0x69: {  	_ =	shalt  }
0x6a: {  	_ =	shalt  }
0x6b: {  	_ =	shalt  }
0x6c: {  	_ =	shalt  }
0x6d: {  	_ =	shalt  }
0x6e: {  	_ =	shalt  }
0x6f: {  	_ =	shalt  }
0x70: {  	_ =	shalt  }
0x71: {  	_ =	shalt  }
0x72: {  	_ =	shalt  }
0x73: {  	_ =	shalt  }
0x74: {  	_ =	shalt  }
0x75: {  	_ =	shalt  }
0x76: {  	_ =	shalt  }
0x77: {  	_ =	shalt  }
0x78: {  	_ =	shalt  }
0x79: {  	_ =	shalt  }
0x7a: {  	_ =	shalt  }
0x7b: {  	_ =	shalt  }
0x7c: {  	_ =	shalt  }
0x7d: {  	_ =	shalt  }
0x7e: {  	_ =	shalt  }
0x7f: {  	_ =	shalt  }
0x80: {  	_ =	shalt  }
0x81: {  	_ =	shalt  }
0x82: {  	_ =	shalt  }
0x83: {  	_ =	shalt  }
0x84: {  	_ =	shalt  }
0x85: {  	_ =	shalt  }
0x86: {  	_ =	shalt  }
0x87: {  	_ =	shalt  }
.Lfunc_end0:
.L_simem_size_0:
called_computation.3_lowered:
.L_overlay_start_0:
0x88: {  	s2 =	sld [smem:$0x3FD9]  }
0x89: {  	s3 =	sld [smem:$0x3FFE];
	_ =	sdelay $0x1  }
0x8a: {  	s1 =	srdreg.scid  }
0x8b: {  	s0 =	sand.u32 $0x1, s1  }
0x8c: {  	s16 =	sshll.u32 s0, $0xA;
	s2 =	sadd.s32 s3, s2  }
0x8d: {  	s2 =	sadd.s32 s2, s16  }
0x8e: {  	[smem:$0x3F91] =	sst s2  }
0x8f: {  	_ = 	snop  }
0x90: {  	(tm) =	ssettm $0x1  }
0x91: {  	s17 =	sld [smem:$0x3FFB];
	_ =	sdelay $0x3  }
0x92: {  	_ =	strace s17  }
0x93: {  	s2 =	sld [smem:$0x3FFC];
	_ =	sdelay $0x3  }
0x94: {  	_ =	strace s2  }
0x95: {  	s2 =	sld [smem:$0x3FFD];
	_ =	sdelay $0x3  }
0x96: {  	_ =	strace s2  }
0x97: {  	_ =	strace $0x8FFFFFFF  }
0x98: {  	s18 =	sld [smem:$0x3FDB];
	_ =	sdelay $0x1  }
0x99: {  	s19 =	simm.s32 $_scs_section_size  }
0x9a: {  	s4 =	simm.s32 $_size__tile_overlayer_lowered;
	s5 =	simm.s32 $_tile_overlayer_lowered  }
0x9b: {  	s22 =	simm.s32 $0x1BFF;
	s21 =	sshll.u32 s5, $0x1;
	s2 =	sadd.s32 s19, s18  }
0x9c: {  	s6 =	simm.s32 $0x0;
	s20 =	sshll.u32 s4, $0x1;
	s4 =	sadd.s32 s21, s2  }
0x9d: {  	[timem:s6], [sflag:s22] =	dma.local [hbm:s4], s20  }
0x9e: {  	_ =	swait.ge [sflag:s22], s20  }
0x9f: {  	s3 =	ssub.s32 $0x0, s20;
	[sflag:s22] =	ssyncset.done $0x0  }
0xa0: {  	[sflag:s22] =	ssyncadd.s32 s3;
	_ =	sdelay $0x1  }
0xa1: {  	s23 =	simm.s32 $0x1B8B  }
0xa2: {  	_ =	swait.ge [sflag:s23], $0x1  }
0xa3: {  	[sflag:s23] =	ssyncset.done $0x0  }
0xa4: {  	s25 =	simm.s32 $0x1B8E;
	s24 =	sld [smem:$0x3FFE];
	[sflag:s23] =	ssyncadd.s32 $0xFFFFFFFF  }
0xa5: {  	s26 =	simm.s32 $execute0_lowered;
	[smem:$0x3FD2] =	sst s25  }
0xa6: {  	s4 =	sshll.u32 s26, $0x1;
	_ =	strace $0x8000004F;
	[dreg:$0x1] =	wrdreg $0xFFFFFFFF  }
0xa7: {  	s28 =	simm.s32 $_size_execute0_lowered;
	s2 =	sadd.s32 s2, s4;
	[dreg:$0x0] =	wrdreg $0x0  }
0xa8: {  	s4 =	sshll.u32 s28, $0x1;
	[dreg:$0x2] =	wrdreg s2  }
0xa9: {  	[dreg:$0x3] =	wrdreg s4  }
0xaa: {  	[dreg:$0x4] =	wrdreg $0xC0  }
0xab: {  	_ =	task [dreg:s6], $0x5FFFF  }
0xac: {  	[dreg:$0x1] =	wrdreg $0xFFFFFFFF  }
0xad: {  	[dreg:$0x0] =	wrdreg $0x60  }
0xae: {  	[dreg:$0x2] =	wrdreg s24  }
0xaf: {  	[dreg:$0x3] =	wrdreg $0x81000  }
0xb0: {  	[dreg:$0x4] =	wrdreg $0x9  }
0xb1: {  	_ =	task.clear_ibuf [dreg:s6], $0x5FFFF;
	_ =	strace $0x9000004F  }
0xb2: {  	s29 =	simm.s32 $0x9;
	_ =	strace $0x80000051  }
0xb3: {  	_ =	swait.ge [sflag:s29], $0x1  }
0xb4: {  	[sflag:s29] =	ssyncadd.s32 $0xFFFFFFFF  }
0xb5: {  	_ =	strace $0x90000051  }
0xb6: {  	_ =	sfence  }
0xb7: {  	s30 =	sld [smem:$0x0];
	_ =	sdelay $0x2  }
0xb8: {  	s31 =	sshll.u32 s1, $0xD;
	s1 =	sshrl.u32 s1, $0x2  }
0xb9: {  	s3 =	sand.u32 $0x4000, s31;
	s1 =	sadd.s32 s1, s30  }
0xba: {  	s0 =	sor.u32 s3, s0;
	s1 =	sshll.u32 s1, $0x11  }
0xbb: {  	s0 =	sor.u32 s1, s0  }
0xbc: {  	s0 =	sadd.s32 $0x8F2B, s0  }
0xbd: {  	[sflag:s0] =	ssyncadd.remote.s32 $0x1  }
0xbe: {  	_ =	sfence.sel $0xFFFF  }
0xbf: {  	[dreg:$0x0] =	wrdreg $0xFFFFFFFF;
	(pc) =	sbr.abs _section_cstart, $3  }
0xc0: {  	[dreg:$0x1] =	wrdreg $0xFFFFFFFF  }
0xc1: {  	_ =	task.clear_ibuf [dreg:s6], $0x2FFFF;
	_ =	strace $0x9FFFFFFF  }
0xc2: {  	(tm) =	ssettm $0x7FFFFFFF  }
0xc3: {  	_ =	shalt  }
tec
execute0_lowered:
.L_overlay_start_1:
0x0: {  	(tag) =	ssettag $0x1  }
0x1: {  	s4 =	rddreg [dreg:$0x0];
	s0 =	srdreg.scid  }
0x2: {  	s2 =	rddreg [dreg:$0x1];
	s1 =	stileid.u32;
	s3 =	simm.s32 $0x0  }
0x3: {  	s15 =	simm.s32 $0x8080;
	s16 =	simm.s32 $0x1;
	s7 =	smul.u32 $0x14000, s1  }
0x4: {  	s17 =	simm.s32 $0x2;
	s18 =	simm.s32 $0x80;
	s11 =	smul.u32 $0x50000, s1  }
0x5: {  	s5 =	sand.u32 $0x1, s0;
	s0 =	rddreg [dreg:$0x2];
	s28 =	smul.u32 $0x2800, s1  }
0x6: {  	s19 =	simm.s32 $0x0;
	[smem:$0x7FF] =	sst s3;
	s14 =	smul.u32 $0x28000, s1  }
0x7: {  	s10 =	sadd.s32 $0x8200, s4;
	s29 =	sshll.u32 s1, $0x6;
	s6 =	smul.u32 $0x280000, s5  }
0x8: {  	s8 =	smul.u32 $0x140000, s5;
	_ =	strace $0x80000050;
	s24 =	ssub.s32 $0x2, s5  }
0x9: {  	s12 =	smul.u32 $0x28000, s5;
	s5 =	sor.u32 $0x1C03, s29;
	s23 =	sshrl.u32 s7, $0x3  }
0xa: {  	s25 =	sshrl.u32 s24, $0x1;
	s26 =	sshrl.u32 s11, $0x2;
	s9 =	sadd.s32 s6, s4  }
0xb: {  	s6 =	sadd.s32 s23, s4;
	s7 =	sadd.s32 s7, s8;
	s8 =	ssub.s32 s24, s25  }
0xc: {  	s13 =	sadd.s32 s26, s2;
	s11 =	sadd.s32 s28, s12;
	s12 =	simm.s32 $0x3  }
0xd: {  	s7 =	sshrl.u32 s7, $0x3;
	s30 =	sor.u32 $0x80, s11;
	s9 =	sadd.s32 s14, s9  }
0xe: {  	s11 =	sshrl.u32 s11, $0x3;
	s14 =	simm.s32 $0x8000;
	s7 =	sadd.s32 s7, s4  }
0xf: {  	s4 =	sadd.s32 $0x1C200, s6;
	s31 =	sshrl.u32 s30, $0x3;
	s6 =	sadd.s32 $0x44200, s7  }
0x10: {  	s7 =	smax.u32 s8, $0x1;
	s8 =	sadd.s32 $0x1444A00, s9;
	s9 =	sadd.s32 s31, s10  }
0x11: {  	s10 =	sadd.s32 s11, s10;
	s11 =	sshrl.u32 s13, $0x3;
	s13 =	simm.s32 $0x4000  }
.LBB2_1:
0x12: {  	[spmem:s11], [sflag:s5] =	dma.local [hbm:s4], $0x2800  }
0x13: {  	_ =	swait.ge [sflag:s12], $0x2800  }
0x14: {  	[sflag:s12] =	ssyncset.done $0x0  }
0x15: {  	[sflag:s12] =	ssyncadd.s32 $0xFFFFD800  }
0x16: {  	s20 =	sadd.s32 $0xFFFFF800, s8;
	[bflag:$0x0] =	sbarrier.arrive $0xFFFF  }
0x17: {  	[tilespmem:s3], [sflag:$0x1] =	stream.linear.gather [hbm4b:s20+s3], $0x4000, $0x38;
	[tilespmem:$0x1C100] =	vst v63  }
0x18: {  	_ = 	snop  }
0x19: {  	[tilespmem:s13], [sflag:$0x2] =	stream.linear.gather [hbm4b:s8+s3], $0x4000, $0x38;
	[tilespmem:$0x1C100] =	vst v63  }
0x1a: {  	s30 =	sadd.s32 $0x0, s10  }
0x1b: {  	[tilespmem:s14], [sflag:$0x3] =	stream.linear.gather [hbm4b:s30+s3], $0x80, $0x38;
	[tilespmem:$0x1C100] =	vst v63  }
0x1c: {  	_ =	swait.ge [sflag:s12], $0x80  }
0x1d: {  	[sflag:s12] =	ssyncset.done $0x0  }
0x1e: {  	s31 =	sadd.s32 $0x0, s9;
	[sflag:s12] =	ssyncadd.s32 $0xFFFFFF80  }
0x1f: {  	[tilespmem:s15], [sflag:$0x3] =	stream.linear.gather [hbm4b:s31+s3], $0x80, $0x38;
	[tilespmem:$0x1C100] =	vst v63  }
0x20: {  	_ =	swait.ge [sflag:s12], $0x80  }
0x21: {  	[sflag:s12] =	ssyncset.done $0x0  }
0x22: {  	[sflag:s12] =	ssyncadd.s32 $0xFFFFFF80  }
0x23: {  	_ =	swait.ge [sflag:s16], $0x4000  }
0x24: {  	[sflag:s16] =	ssyncset.done $0x0  }
0x25: {  	[sflag:s16] =	ssyncadd.s32 $0xFFFFC000  }
0x26: {  	_ =	swait.ge [sflag:s17], $0x4000  }
0x27: {  	[sflag:s17] =	ssyncset.done $0x0  }
0x28: {  	[sflag:s17] =	ssyncadd.s32 $0xFFFFC000  }
0x29: {  	[spmem:s2] =	stream.indirect.scatter.add.f32 [tilespmem:s3], [sflag:$0x3], $0x80, s14, s18, $0xb8;
	[tilespmem:$0x1C100] =	vst v63  }
0x2a: {  	_ =	swait.ge [sflag:s12], $0x4000  }
0x2b: {  	[sflag:s12] =	ssyncset.done $0x0  }
0x2c: {  	[sflag:s12] =	ssyncadd.s32 $0xFFFFC000  }
0x2d: {  	[spmem:s2] =	stream.indirect.scatter.add.f32 [tilespmem:s13], [sflag:$0x3], $0x80, s15, s18, $0xb8;
	[tilespmem:$0x1C100] =	vst v63  }
0x2e: {  	s22 =	simm.s32 $0x40;
	_ =	swait.ge [sflag:s12], $0x4000  }
0x2f: {  	s21 =	sadd.s32 $0x1000, s8;
	s20 =	simm.s32 $0x20;
	[sflag:s12] =	ssyncset.done $0x0  }
.LBB2_2:
0x30: {  	p0 =	sne.s32 s22, $0x4E0;
	s23 =	sadd.s32 $0xFFFFF800, s21;
	[sflag:s12] =	ssyncadd.s32 $0xFFFFC000  }
0x31: {  	[tilespmem:s3], [sflag:$0x1] =	stream.linear.gather [hbm4b:s23+s3], $0x4000, $0x38;
	[tilespmem:$0x1C100] =	vst v63  }
0x32: {  	s23 =	smov.u32 s22;
	s22 =	sadd.s32 $0x20, s22  }
0x33: {  	[tilespmem:s13], [sflag:$0x2] =	stream.linear.gather [hbm4b:s21+s3], $0x4000, $0x38;
	[tilespmem:$0x1C100] =	vst v63  }
0x34: {  	s24 =	sadd.s32 s20, s10  }
0x35: {  	[tilespmem:s14], [sflag:$0x3] =	stream.linear.gather [hbm4b:s24+s3], $0x80, $0x38;
	[tilespmem:$0x1C100] =	vst v63  }
0x36: {  	_ =	swait.ge [sflag:s12], $0x80  }
0x37: {  	[sflag:s12] =	ssyncset.done $0x0  }
0x38: {  	s24 =	sadd.s32 s20, s9;
	s20 =	smov.u32 s23;
	[sflag:s12] =	ssyncadd.s32 $0xFFFFFF80  }
0x39: {  	[tilespmem:s15], [sflag:$0x3] =	stream.linear.gather [hbm4b:s24+s3], $0x80, $0x38;
	[tilespmem:$0x1C100] =	vst v63  }
0x3a: {  	_ =	swait.ge [sflag:s12], $0x80  }
0x3b: {  	[sflag:s12] =	ssyncset.done $0x0  }
0x3c: {  	[sflag:s12] =	ssyncadd.s32 $0xFFFFFF80  }
0x3d: {  	_ =	swait.ge [sflag:s16], $0x4000  }
0x3e: {  	[sflag:s16] =	ssyncset.done $0x0  }
0x3f: {  	[sflag:s16] =	ssyncadd.s32 $0xFFFFC000  }
0x40: {  	_ =	swait.ge [sflag:s17], $0x4000  }
0x41: {  	[sflag:s17] =	ssyncset.done $0x0  }
0x42: {  	[sflag:s17] =	ssyncadd.s32 $0xFFFFC000  }
0x43: {  	[spmem:s2] =	stream.indirect.scatter.add.f32 [tilespmem:s3], [sflag:$0x3], $0x80, s14, s18, $0xb8;
	[tilespmem:$0x1C100] =	vst v63  }
0x44: {  	_ =	swait.ge [sflag:s12], $0x4000  }
.Ltmp0:
0x45: {  	[sflag:s12] =	ssyncset.done $0x0;
	(pc) =	sbr.rel @p0 .LBB2_2-.Ltmp0, $4  }
0x46: {  	[sflag:s12] =	ssyncadd.s32 $0xFFFFC000  }
0x47: {  	[spmem:s2] =	stream.indirect.scatter.add.f32 [tilespmem:s13], [sflag:$0x3], $0x80, s15, s18, $0xb8;
	[tilespmem:$0x1C100] =	vst v63  }
0x48: {  	_ =	swait.ge [sflag:s12], $0x4000  }
0x49: {  	s21 =	sadd.s32 $0x1000, s21;
	[sflag:s12] =	ssyncset.done $0x0  }
0x4a: {  	s22 =	sadd.s32 $0xFFFFF800, s21;
	[sflag:s12] =	ssyncadd.s32 $0xFFFFC000  }
0x4b: {  	[tilespmem:s3], [sflag:$0x1] =	stream.linear.gather [hbm4b:s22+s3], $0x4000, $0x38;
	[tilespmem:$0x1C100] =	vst v63  }
0x4c: {  	_ = 	snop  }
0x4d: {  	[tilespmem:s13], [sflag:$0x2] =	stream.linear.gather [hbm4b:s21+s3], $0x4000, $0x38;
	[tilespmem:$0x1C100] =	vst v63  }
0x4e: {  	s30 =	sadd.s32 s20, s10  }
0x4f: {  	[tilespmem:s14], [sflag:$0x3] =	stream.linear.gather [hbm4b:s30+s3], $0x80, $0x38;
	[tilespmem:$0x1C100] =	vst v63  }
0x50: {  	_ =	swait.ge [sflag:s12], $0x80  }
0x51: {  	[sflag:s12] =	ssyncset.done $0x0  }
0x52: {  	s31 =	sadd.s32 s20, s9;
	[sflag:s12] =	ssyncadd.s32 $0xFFFFFF80  }
0x53: {  	[tilespmem:s15], [sflag:$0x3] =	stream.linear.gather [hbm4b:s31+s3], $0x80, $0x38;
	[tilespmem:$0x1C100] =	vst v63  }
0x54: {  	_ =	swait.ge [sflag:s12], $0x80  }
0x55: {  	[sflag:s12] =	ssyncset.done $0x0  }
0x56: {  	[sflag:s12] =	ssyncadd.s32 $0xFFFFFF80  }
0x57: {  	_ =	swait.ge [sflag:s16], $0x4000  }
0x58: {  	[sflag:s16] =	ssyncset.done $0x0  }
0x59: {  	[sflag:s16] =	ssyncadd.s32 $0xFFFFC000  }
0x5a: {  	_ =	swait.ge [sflag:s17], $0x4000  }
0x5b: {  	[sflag:s17] =	ssyncset.done $0x0  }
0x5c: {  	[sflag:s17] =	ssyncadd.s32 $0xFFFFC000  }
0x5d: {  	[spmem:s2] =	stream.indirect.scatter.add.f32 [tilespmem:s3], [sflag:$0x3], $0x80, s14, s18, $0xb8;
	[tilespmem:$0x1C100] =	vst v63  }
0x5e: {  	_ =	swait.ge [sflag:s12], $0x4000  }
0x5f: {  	[sflag:s12] =	ssyncset.done $0x0  }
0x60: {  	[sflag:s12] =	ssyncadd.s32 $0xFFFFC000  }
0x61: {  	[spmem:s2] =	stream.indirect.scatter.add.f32 [tilespmem:s13], [sflag:$0x3], $0x80, s15, s18, $0xb8;
	[tilespmem:$0x1C100] =	vst v63  }
0x62: {  	_ =	swait.ge [sflag:s12], $0x4000  }
0x63: {  	s19 =	sadd.s32 $0x1, s19;
	[sflag:s12] =	ssyncset.done $0x0  }
0x64: {  	p0 =	sne.s32 s19, s7;
	[sflag:s12] =	ssyncadd.s32 $0xFFFFC000  }
.Ltmp1:
0x65: {  	[bflag:$0x0] =	sbarrier.arrive $0xFFFF;
	(pc) =	sbr.rel @p0 .LBB2_1-.Ltmp1, $4  }
0x66: {  	[hbm:s6], [sflag:s5] =	dma.local [spmem:s11], $0x2800  }
0x67: {  	_ =	swait.ge [sflag:s12], $0x2800  }
0x68: {  	[sflag:s12] =	ssyncset.done $0x0  }
0x69: {  	[sflag:s12] =	ssyncadd.s32 $0xFFFFD800  }
0x6a: {  	_ =	sfence.sel $0x180000  }
0x6b: {  	[bflag:$0x0] =	sbarrier.arrive $0xFFFF  }
0x6c: {  	p0 =	sne.s32 s1, $0x0;
	_ =	strace $0x90000050  }
0x6d: {  	s0 =	sadd.s32 @!p0 $0x100000, s0;
	[bflag:$0x2] =	sbarrier.arrive $0xFFFF  }
0x6e: {  	[sflag:s0] =	ssyncadd.tile.s32 @!p0 $0x1;
	_ =	shalt  }
.Lfunc_end2:
_tile_overlayer_lowered:
.L_overlay_start_2:
0x6f: {  	(tag) =	ssettag $0x2  }
0x70: {  	s0 =	rddreg [dreg:$0x0];
	s2 =	stileid.u32  }
0x71: {  	s1 =	rddreg [dreg:$0x1];
	p0 =	sne.s32 s2, $0x0  }
0x72: {  	s3 =	rddreg [dreg:$0x2];
	[bflag:$0x3] =	sbarrier.arrive $0xFFFF;
	s2 =	simm.s32 @!p0 $0x1C03  }
0x73: {  	[timem:s3], [sflag:s2] =	dma.local @!p0 [hbm:s0], s1  }
0x74: {  	s0 =	simm.s32 @!p0 $0x3  }
0x75: {  	_ =	swait.ge @!p0 [sflag:s0], s1  }
0x76: {  	s1 =	ssub.s32 @!p0 $0x0, s1;
	[sflag:s0] =	ssyncset.done @!p0 $0x0  }
0x77: {  	[sflag:s0] =	ssyncadd.s32 @!p0 s1  }
0x78: {  	[bflag:$0x3] =	sbarrier.arrive $0xFFFF  }
0x79: {  	_ =	shalt  }

// kernel: kernel.29.cloned.1.call-start
scs
__scs_entry_jumppad:
0x0: {  	(pc) =	sbr.rel $0x88, $3  }
0x1: {  	(tag) =	ssettag $0x0;
	lr =	simm.s32 $0x1  }
0x2: {  	[smem:$0x3F6A] =	sst lr;
	_ =	strace $0xD0000000  }
0x3: {  	_ = 	snop  }
0x4: {  	_ = 	snop  }
0x5: {  	_ = 	snop  }
0x6: {  	_ = 	snop  }
0x7: {  	_ = 	snop  }
__scs_overlays_trampoline_lowered:
0x8: {  	[smem:$0x3F79] =	sst s0  }
0x9: {  	[smem:$0x3F7A] =	sst s1  }
0xa: {  	[smem:$0x3F7B] =	sst s2  }
0xb: {  	[smem:$0x3F7C] =	sst s3  }
0xc: {  	[smem:$0x3F7D] =	sst s4  }
0xd: {  	[smem:$0x3F7E] =	sst s5  }
0xe: {  	[smem:$0x3F7F] =	sst s6  }
0xf: {  	[smem:$0x3F80] =	sst s7  }
0x10: {  	[smem:$0x3F81] =	sst s8  }
0x11: {  	[smem:$0x3F82] =	sst s9;
	s0 =	simm.s32 @!p0 $0x0  }
0x12: {  	s1 =	sld [smem:$0x3F68];
	s0 =	simm.s32 @p0 $0x1  }
0x13: {  	[smem:$0x3F83] =	sst s0;
	s0 =	simm.s32 @!p1 $0x0  }
0x14: {  	s2 =	sld [smem:$0x3F67];
	s0 =	simm.s32 @p1 $0x1  }
0x15: {  	[smem:$0x3F84] =	sst s0;
	s0 =	simm.s32 @!p2 $0x0  }
0x16: {  	s3 =	sld [smem:$0x3FDB];
	s0 =	simm.s32 @p2 $0x1  }
0x17: {  	s4 =	simm.s32 $0x1BF5;
	[smem:$0x3F86] =	sst s0  }
0x18: {  	s0 =	sld [smem:$0x3F69];
	_ =	swait.ge [sflag:s4], $0x0  }
0x19: {  	s7 =	sld [smem:$0x3F6A]  }
0x1a: {  	s8 =	sadd.s32 $0xFFFFE003, lr  }
0x1b: {  	s9 =	sadd.s32 $0xFFFFFEF7, lr;
	s5 =	simm.s32 $0xFFFFFFFF;
	p2 =	slt.u32 s8, $0xFFFFF086  }
0x1c: {  	p1 =	slt.u32 s9, $0xF7A;
	s5 =	simm.s32 @!p2 $0x0  }
0x1d: {  	s5 =	simm.s32 @p1 $0x1;
	p0 =	seq.s32 s7, s2  }
0x1e: {  	s7 =	smul.u32 @!p0 $0xF7A, s2;
	p2 =	seq.s32 @!p0 s5, $0x0  }
0x1f: {  	s9 =	smul.u32 $0xF7A, s1;
	s8 =	simm.s32 @!p0 $0x1BF5;
	p2 =	por !p2, p0  }
0x20: {  	[sflag:s8] =	ssyncset.s32 @!p0 $0xFFFFF086;
	s6 =	sadd.s32 @!p0 s3, s7;
	s7 =	simm.s32 @!p0 $0x108  }
0x21: {  	s3 =	sadd.s32 s3, s9;
	s6 =	sadd.s32 @!p0 $0x88, s6;
	s7 =	simm.s32 @p2 $0x1082  }
0x22: {  	[simem:s7], [sflag:s8] =	dma.local @!p0 [hbm:s6], $0xF7A  }
0x23: {  	s9 =	sor.u32 $0xD0000000, s2;
	s6 =	simm.s32 $0x108;
	_ =	swait.ge @!p0 [sflag:s8], $0x0  }
0x24: {  	s3 =	sadd.s32 $0x88, s3;
	s6 =	simm.s32 @!p1 $0x1082;
	[sflag:s4] =	ssyncset.s32 $0xFFFFF086  }
0x25: {  	[simem:s6], [sflag:s4] =	dma.local [hbm:s3], $0xF7A  }
0x26: {  	[smem:$0x3F6A] =	sst s1;
	(tag) =	ssettag s2;
	_ =	strace s9  }
0x27: {  	s1 =	sld [smem:$0x3F7A]  }
0x28: {  	s2 =	sld [smem:$0x3F7B]  }
0x29: {  	s4 =	sld [smem:$0x3F7D]  }
0x2a: {  	p0 =	seq.s32 s5, $0x0;
	s5 =	sld [smem:$0x3F7E]  }
0x2b: {  	s6 =	sld [smem:$0x3F7F]  }
0x2c: {  	s7 =	sld [smem:$0x3F80]  }
0x2d: {  	s3 =	simm.s32 $0x108;
	s8 =	sld [smem:$0x3F81]  }
0x2e: {  	s3 =	simm.s32 @!p0 $0x1082;
	s9 =	sld [smem:$0x3F82]  }
0x2f: {  	lr =	sadd.s32 s0, s3;
	s0 =	sld [smem:$0x3F79]  }
0x30: {  	s3 =	sld [smem:$0x3F7C]  }
0x31: {  	[smem:$0x3F85] =	sst s10  }
0x32: {  	s10 =	sld [smem:$0x3F83];
	_ =	sdelay $0x3  }
0x33: {  	p0 =	seq.s32 s10, $0x1;
	s10 =	sld [smem:$0x3F85];
	_ =	sdelay $0x3  }
0x34: {  	[smem:$0x3F85] =	sst s10  }
0x35: {  	s10 =	sld [smem:$0x3F84];
	_ =	sdelay $0x3  }
0x36: {  	p1 =	seq.s32 s10, $0x1;
	s10 =	sld [smem:$0x3F85];
	_ =	sdelay $0x3  }
0x37: {  	[smem:$0x3F85] =	sst s10  }
0x38: {  	s10 =	sld [smem:$0x3F86]  }
0x39: {  	_ = 	snop;
	(pc) =	sbr.ind lr, $3  }
0x3a: {  	_ = 	snop  }
0x3b: {  	_ = 	snop  }
0x3c: {  	p2 =	seq.s32 s10, $0x1;
	s10 =	sld [smem:$0x3F85]  }
0x3d: {  	_ =	shalt  }
0x3e: {  	_ =	shalt  }
0x3f: {  	_ =	shalt  }
0x40: {  	_ =	shalt  }
0x41: {  	_ =	shalt  }
0x42: {  	_ =	shalt  }
0x43: {  	_ =	shalt  }
0x44: {  	_ =	shalt  }
0x45: {  	_ =	shalt  }
0x46: {  	_ =	shalt  }
0x47: {  	_ =	shalt  }
0x48: {  	_ =	shalt  }
0x49: {  	_ =	shalt  }
0x4a: {  	_ =	shalt  }
0x4b: {  	_ =	shalt  }
0x4c: {  	_ =	shalt  }
0x4d: {  	_ =	shalt  }
0x4e: {  	_ =	shalt  }
0x4f: {  	_ =	shalt  }
0x50: {  	_ =	shalt  }
0x51: {  	_ =	shalt  }
0x52: {  	_ =	shalt  }
0x53: {  	_ =	shalt  }
0x54: {  	_ =	shalt  }
0x55: {  	_ =	shalt  }
0x56: {  	_ =	shalt  }
0x57: {  	_ =	shalt  }
0x58: {  	_ =	shalt  }
0x59: {  	_ =	shalt  }
0x5a: {  	_ =	shalt  }
0x5b: {  	_ =	shalt  }
0x5c: {  	_ =	shalt  }
0x5d: {  	_ =	shalt  }
0x5e: {  	_ =	shalt  }
0x5f: {  	_ =	shalt  }
0x60: {  	_ =	shalt  }
0x61: {  	_ =	shalt  }
0x62: {  	_ =	shalt  }
0x63: {  	_ =	shalt  }
0x64: {  	_ =	shalt  }
0x65: {  	_ =	shalt  }
0x66: {  	_ =	shalt  }
0x67: {  	_ =	shalt  }
0x68: {  	_ =	shalt  }
0x69: {  	_ =	shalt  }
0x6a: {  	_ =	shalt  }
0x6b: {  	_ =	shalt  }
0x6c: {  	_ =	shalt  }
0x6d: {  	_ =	shalt  }
0x6e: {  	_ =	shalt  }
0x6f: {  	_ =	shalt  }
0x70: {  	_ =	shalt  }
0x71: {  	_ =	shalt  }
0x72: {  	_ =	shalt  }
0x73: {  	_ =	shalt  }
0x74: {  	_ =	shalt  }
0x75: {  	_ =	shalt  }
0x76: {  	_ =	shalt  }
0x77: {  	_ =	shalt  }
0x78: {  	_ =	shalt  }
0x79: {  	_ =	shalt  }
0x7a: {  	_ =	shalt  }
0x7b: {  	_ =	shalt  }
0x7c: {  	_ =	shalt  }
0x7d: {  	_ =	shalt  }
0x7e: {  	_ =	shalt  }
0x7f: {  	_ =	shalt  }
0x80: {  	_ =	shalt  }
0x81: {  	_ =	shalt  }
0x82: {  	_ =	shalt  }
0x83: {  	_ =	shalt  }
0x84: {  	_ =	shalt  }
0x85: {  	_ =	shalt  }
0x86: {  	_ =	shalt  }
0x87: {  	_ =	shalt  }
.Lfunc_end0:
.L_simem_size_0:
called_computation.4_lowered:
.L_overlay_start_0:
0x88: {  	s2 =	sld [smem:$0x3FD9]  }
0x89: {  	s3 =	sld [smem:$0x3FFE];
	_ =	sdelay $0x1  }
0x8a: {  	s1 =	srdreg.scid  }
0x8b: {  	s0 =	sand.u32 $0x1, s1  }
0x8c: {  	s16 =	sshll.u32 s0, $0xA;
	s2 =	sadd.s32 s3, s2  }
0x8d: {  	s2 =	sadd.s32 s2, s16  }
0x8e: {  	[smem:$0x3F91] =	sst s2  }
0x8f: {  	_ = 	snop  }
0x90: {  	(tm) =	ssettm $0x1  }
0x91: {  	s17 =	sld [smem:$0x3FFB];
	_ =	sdelay $0x3  }
0x92: {  	_ =	strace s17  }
0x93: {  	s2 =	sld [smem:$0x3FFC];
	_ =	sdelay $0x3  }
0x94: {  	_ =	strace s2  }
0x95: {  	s2 =	sld [smem:$0x3FFD];
	_ =	sdelay $0x3  }
0x96: {  	_ =	strace s2  }
0x97: {  	_ =	strace $0x8FFFFFFF  }
0x98: {  	s18 =	sld [smem:$0x3FDB];
	_ =	sdelay $0x1  }
0x99: {  	s19 =	simm.s32 $_scs_section_size  }
0x9a: {  	s4 =	simm.s32 $_size__tile_overlayer_lowered;
	s5 =	simm.s32 $_tile_overlayer_lowered  }
0x9b: {  	s22 =	simm.s32 $0x1BFF;
	s21 =	sshll.u32 s5, $0x1;
	s2 =	sadd.s32 s19, s18  }
0x9c: {  	s6 =	simm.s32 $0x0;
	s20 =	sshll.u32 s4, $0x1;
	s4 =	sadd.s32 s21, s2  }
0x9d: {  	[timem:s6], [sflag:s22] =	dma.local [hbm:s4], s20  }
0x9e: {  	_ =	swait.ge [sflag:s22], s20  }
0x9f: {  	s3 =	ssub.s32 $0x0, s20;
	[sflag:s22] =	ssyncset.done $0x0  }
0xa0: {  	[sflag:s22] =	ssyncadd.s32 s3;
	_ =	sdelay $0x1  }
0xa1: {  	s23 =	simm.s32 $0x1B8B  }
0xa2: {  	_ =	swait.ge [sflag:s23], $0x1  }
0xa3: {  	[sflag:s23] =	ssyncset.done $0x0  }
0xa4: {  	s25 =	simm.s32 $0x1B8E;
	s24 =	sld [smem:$0x3FFE];
	[sflag:s23] =	ssyncadd.s32 $0xFFFFFFFF  }
0xa5: {  	s26 =	simm.s32 $execute0_lowered;
	[smem:$0x3FD2] =	sst s25  }
0xa6: {  	s4 =	sshll.u32 s26, $0x1;
	_ =	strace $0x80000052;
	[dreg:$0x1] =	wrdreg $0xFFFFFFFF  }
0xa7: {  	s28 =	simm.s32 $_size_execute0_lowered;
	s2 =	sadd.s32 s2, s4;
	[dreg:$0x0] =	wrdreg $0x0  }
0xa8: {  	s4 =	sshll.u32 s28, $0x1;
	[dreg:$0x2] =	wrdreg s2  }
0xa9: {  	[dreg:$0x3] =	wrdreg s4  }
0xaa: {  	[dreg:$0x4] =	wrdreg $0xC0  }
0xab: {  	_ =	task [dreg:s6], $0x5FFFF  }
0xac: {  	[dreg:$0x1] =	wrdreg $0xFFFFFFFF  }
0xad: {  	[dreg:$0x0] =	wrdreg $0x60  }
0xae: {  	[dreg:$0x2] =	wrdreg s24  }
0xaf: {  	[dreg:$0x3] =	wrdreg $0x9  }
0xb0: {  	_ =	task.clear_ibuf [dreg:s6], $0x4FFFF;
	_ =	strace $0x90000052  }
0xb1: {  	s29 =	simm.s32 $0x9;
	_ =	strace $0x80000054  }
0xb2: {  	_ =	swait.ge [sflag:s29], $0x1  }
0xb3: {  	[sflag:s29] =	ssyncadd.s32 $0xFFFFFFFF  }
0xb4: {  	_ =	strace $0x90000054  }
0xb5: {  	_ =	sfence  }
0xb6: {  	s30 =	sld [smem:$0x0];
	_ =	sdelay $0x2  }
0xb7: {  	s31 =	sshll.u32 s1, $0xD;
	s1 =	sshrl.u32 s1, $0x2  }
0xb8: {  	s3 =	sand.u32 $0x4000, s31;
	s1 =	sadd.s32 s1, s30  }
0xb9: {  	s0 =	sor.u32 s3, s0;
	s1 =	sshll.u32 s1, $0x11  }
0xba: {  	s0 =	sor.u32 s1, s0  }
0xbb: {  	s0 =	sadd.s32 $0x8F2B, s0  }
0xbc: {  	[sflag:s0] =	ssyncadd.remote.s32 $0x1  }
0xbd: {  	_ =	sfence.sel $0xFFFF  }
0xbe: {  	[dreg:$0x0] =	wrdreg $0xFFFFFFFF;
	(pc) =	sbr.abs _section_cstart, $3  }
0xbf: {  	[dreg:$0x1] =	wrdreg $0xFFFFFFFF  }
0xc0: {  	_ =	task.clear_ibuf [dreg:s6], $0x2FFFF;
	_ =	strace $0x9FFFFFFF  }
0xc1: {  	(tm) =	ssettm $0x7FFFFFFF  }
tec
execute0_lowered:
.L_overlay_start_1:
0x0: {  	(tag) =	ssettag $0x1  }
0x1: {  	s5 =	rddreg [dreg:$0x0]  }
0x2: {  	s0 =	rddreg [dreg:$0x1];
	s2 =	simm.s32 $0x0  }
0x3: {  	s1 =	stileid.u32;
	s3 =	srdreg.scid;
	s12 =	simm.s32 $0x10100  }
0x4: {  	s13 =	simm.s32 $0x10080;
	s14 =	simm.s32 $0x10180;
	s15 =	simm.s32 $0x80  }
0x5: {  	s16 =	simm.s32 $0x4000;
	s17 =	simm.s32 $0x8000;
	s18 =	simm.s32 $0xC000  }
0x6: {  	s19 =	simm.s32 $0x1;
	s20 =	simm.s32 $0x2;
	s21 =	simm.s32 $0x3  }
0x7: {  	s22 =	simm.s32 $0x4;
	s23 =	simm.s32 $0x0;
	s6 =	smul.u32 $0x50000, s1  }
0x8: {  	[smem:$0x7FF] =	sst s2;
	s7 =	sand.u32 $0x1, s3;
	s10 =	smul.u32 $0x5000, s1  }
0x9: {  	s3 =	sadd.s32 $0x44200, s5;
	s4 =	sadd.s32 $0x8200, s5;
	s8 =	smul.u32 $0x28000, s7  }
0xa: {  	_ =	strace $0x80000053;
	s9 =	ssub.s32 $0x2, s7;
	s7 =	smul.u32 $0x2800, s7  }
0xb: {  	s6 =	sadd.s32 s6, s5;
	s11 =	sshrl.u32 s9, $0x1;
	s5 =	sadd.s32 $0x12200, s5  }
0xc: {  	s8 =	sadd.s32 s8, s6;
	s29 =	ssub.s32 s9, s11;
	s31 =	sadd.s32 s7, s10  }
0xd: {  	s10 =	simm.s32 $0x10000;
	s11 =	simm.s32 $0x5;
	s30 =	sadd.s32 $0x6C200, s8  }
0xe: {  	s6 =	smax.u32 s29, $0x1;
	s7 =	sadd.s32 $0xF44A00, s8;
	s9 =	sor.u32 $0x80, s31  }
0xf: {  	s8 =	sshrl.u32 s31, $0x3;
	[dreg:$0x2] =	wrdreg s30;
	s9 =	sshrl.u32 s9, $0x3  }
.LBB2_1:
0x10: {  	s24 =	sadd.s32 s4, s8  }
0x11: {  	[tilespmem:s10], [sflag:$0x5] =	stream.linear.gather [hbm4b:s24+s2], $0x80, $0x38;
	[tilespmem:$0x10200] =	vst v63  }
0x12: {  	_ =	swait.ge [sflag:s11], $0x80  }
0x13: {  	[sflag:s11] =	ssyncset.done $0x0  }
0x14: {  	s25 =	sadd.s32 s5, s8;
	[sflag:s11] =	ssyncadd.s32 $0xFFFFFF80  }
0x15: {  	[tilespmem:s12], [sflag:$0x5] =	stream.linear.gather [hbm4b:s25+s2], $0x80, $0x38;
	[tilespmem:$0x10200] =	vst v63  }
0x16: {  	_ =	swait.ge [sflag:s11], $0x80  }
0x17: {  	[sflag:s11] =	ssyncset.done $0x0  }
0x18: {  	s26 =	sadd.s32 s4, s9;
	[sflag:s11] =	ssyncadd.s32 $0xFFFFFF80  }
0x19: {  	[tilespmem:s13], [sflag:$0x5] =	stream.linear.gather [hbm4b:s26+s2], $0x80, $0x38;
	[tilespmem:$0x10200] =	vst v63  }
0x1a: {  	_ =	swait.ge [sflag:s11], $0x80  }
0x1b: {  	[sflag:s11] =	ssyncset.done $0x0  }
0x1c: {  	s29 =	sadd.s32 s5, s9;
	[sflag:s11] =	ssyncadd.s32 $0xFFFFFF80  }
0x1d: {  	[tilespmem:s14], [sflag:$0x5] =	stream.linear.gather [hbm4b:s29+s2], $0x80, $0x38;
	[tilespmem:$0x10200] =	vst v63  }
0x1e: {  	_ =	swait.ge [sflag:s11], $0x80  }
0x1f: {  	[sflag:s11] =	ssyncset.done $0x0  }
0x20: {  	[sflag:s11] =	ssyncadd.s32 $0xFFFFFF80  }
0x21: {  	[tilespmem:s2], [sflag:$0x1] =	stream.indirect.gather [hbm4b:s3+s15], $0x80, s10, s15, $0xb8;
	[tilespmem:$0x10200] =	vst v63  }
0x22: {  	_ = 	snop  }
0x23: {  	[tilespmem:s16], [sflag:$0x2] =	stream.indirect.gather [hbm4b:s3+s15], $0x80, s12, s15, $0xb8;
	[tilespmem:$0x10200] =	vst v63  }
0x24: {  	_ = 	snop  }
0x25: {  	[tilespmem:s17], [sflag:$0x3] =	stream.indirect.gather [hbm4b:s3+s15], $0x80, s13, s15, $0xb8;
	[tilespmem:$0x10200] =	vst v63  }
0x26: {  	_ = 	snop  }
0x27: {  	[tilespmem:s18], [sflag:$0x4] =	stream.indirect.gather [hbm4b:s3+s15], $0x80, s14, s15, $0xb8;
	[tilespmem:$0x10200] =	vst v63  }
0x28: {  	_ =	swait.ge [sflag:s19], $0x4000  }
0x29: {  	[sflag:s19] =	ssyncset.done $0x0  }
0x2a: {  	[sflag:s19] =	ssyncadd.s32 $0xFFFFC000  }
0x2b: {  	_ =	swait.ge [sflag:s20], $0x4000  }
0x2c: {  	[sflag:s20] =	ssyncset.done $0x0  }
0x2d: {  	[sflag:s20] =	ssyncadd.s32 $0xFFFFC000  }
0x2e: {  	_ =	swait.ge [sflag:s21], $0x4000  }
0x2f: {  	[sflag:s21] =	ssyncset.done $0x0  }
0x30: {  	[sflag:s21] =	ssyncadd.s32 $0xFFFFC000  }
0x31: {  	_ =	swait.ge [sflag:s22], $0x4000  }
0x32: {  	s30 =	rddreg [dreg:$0x2];
	[sflag:s22] =	ssyncset.done $0x0  }
0x33: {  	[sflag:s22] =	ssyncadd.s32 $0xFFFFC000;
	s24 =	sadd.s32 $0x0, s30  }
0x34: {  	[hbm4b:s24+s2] =	stream.linear.scatter [tilespmem:s2], [sflag:$0x5], $0x4000, $0x38;
	[tilespmem:$0x10200] =	vst v63  }
0x35: {  	_ =	swait.ge [sflag:s11], $0x4000  }
0x36: {  	[sflag:s11] =	ssyncset.done $0x0  }
0x37: {  	s25 =	sadd.s32 $0x0, s7;
	[sflag:s11] =	ssyncadd.s32 $0xFFFFC000  }
0x38: {  	[hbm4b:s25+s2] =	stream.linear.scatter [tilespmem:s16], [sflag:$0x5], $0x4000, $0x38;
	[tilespmem:$0x10200] =	vst v63  }
0x39: {  	_ =	swait.ge [sflag:s11], $0x4000  }
0x3a: {  	[sflag:s11] =	ssyncset.done $0x0  }
0x3b: {  	s24 =	sadd.s32 $0x800, s24;
	[sflag:s11] =	ssyncadd.s32 $0xFFFFC000  }
0x3c: {  	[hbm4b:s24+s2] =	stream.linear.scatter [tilespmem:s17], [sflag:$0x5], $0x4000, $0x38;
	[tilespmem:$0x10200] =	vst v63  }
0x3d: {  	_ =	swait.ge [sflag:s11], $0x4000  }
0x3e: {  	[sflag:s11] =	ssyncset.done $0x0  }
0x3f: {  	s31 =	sadd.s32 $0x800, s25;
	[sflag:s11] =	ssyncadd.s32 $0xFFFFC000  }
0x40: {  	[hbm4b:s31+s2] =	stream.linear.scatter [tilespmem:s18], [sflag:$0x5], $0x4000, $0x38;
	[tilespmem:$0x10200] =	vst v63  }
0x41: {  	s28 =	simm.s32 $0x2000;
	s26 =	smov.u32 s5;
	_ =	swait.ge [sflag:s11], $0x4000  }
0x42: {  	s25 =	sadd.s32 $0x20, s4;
	s24 =	simm.s32 $0x1000;
	[sflag:s11] =	ssyncset.done $0x0  }
.LBB2_2:
0x43: {  	s30 =	sadd.s32 s25, s8;
	[sflag:s11] =	ssyncadd.s32 $0xFFFFC000  }
0x44: {  	[tilespmem:s10], [sflag:$0x5] =	stream.linear.gather [hbm4b:s30+s2], $0x80, $0x38;
	[tilespmem:$0x10200] =	vst v63  }
0x45: {  	_ =	swait.ge [sflag:s11], $0x80  }
0x46: {  	s26 =	sadd.s32 $0x20, s26;
	[sflag:s11] =	ssyncset.done $0x0  }
0x47: {  	s31 =	sadd.s32 s26, s8;
	[sflag:s11] =	ssyncadd.s32 $0xFFFFFF80  }
0x48: {  	[tilespmem:s12], [sflag:$0x5] =	stream.linear.gather [hbm4b:s31+s2], $0x80, $0x38;
	[tilespmem:$0x10200] =	vst v63  }
0x49: {  	_ =	swait.ge [sflag:s11], $0x80  }
0x4a: {  	[sflag:s11] =	ssyncset.done $0x0  }
0x4b: {  	s31 =	sadd.s32 s25, s9;
	[sflag:s11] =	ssyncadd.s32 $0xFFFFFF80  }
0x4c: {  	[tilespmem:s13], [sflag:$0x5] =	stream.linear.gather [hbm4b:s31+s2], $0x80, $0x38;
	[tilespmem:$0x10200] =	vst v63  }
0x4d: {  	_ =	swait.ge [sflag:s11], $0x80  }
0x4e: {  	[sflag:s11] =	ssyncset.done $0x0  }
0x4f: {  	s31 =	sadd.s32 s26, s9;
	[sflag:s11] =	ssyncadd.s32 $0xFFFFFF80  }
0x50: {  	[tilespmem:s14], [sflag:$0x5] =	stream.linear.gather [hbm4b:s31+s2], $0x80, $0x38;
	[tilespmem:$0x10200] =	vst v63  }
0x51: {  	_ =	swait.ge [sflag:s11], $0x80  }
0x52: {  	[sflag:s11] =	ssyncset.done $0x0  }
0x53: {  	[sflag:s11] =	ssyncadd.s32 $0xFFFFFF80  }
0x54: {  	[tilespmem:s2], [sflag:$0x1] =	stream.indirect.gather [hbm4b:s3+s15], $0x80, s10, s15, $0xb8;
	[tilespmem:$0x10200] =	vst v63  }
0x55: {  	_ = 	snop  }
0x56: {  	[tilespmem:s16], [sflag:$0x2] =	stream.indirect.gather [hbm4b:s3+s15], $0x80, s12, s15, $0xb8;
	[tilespmem:$0x10200] =	vst v63  }
0x57: {  	_ = 	snop  }
0x58: {  	[tilespmem:s17], [sflag:$0x3] =	stream.indirect.gather [hbm4b:s3+s15], $0x80, s13, s15, $0xb8;
	[tilespmem:$0x10200] =	vst v63  }
0x59: {  	_ = 	snop  }
0x5a: {  	[tilespmem:s18], [sflag:$0x4] =	stream.indirect.gather [hbm4b:s3+s15], $0x80, s14, s15, $0xb8;
	[tilespmem:$0x10200] =	vst v63  }
0x5b: {  	_ =	swait.ge [sflag:s19], $0x4000  }
0x5c: {  	[sflag:s19] =	ssyncset.done $0x0  }
0x5d: {  	[sflag:s19] =	ssyncadd.s32 $0xFFFFC000  }
0x5e: {  	_ =	swait.ge [sflag:s20], $0x4000  }
0x5f: {  	[sflag:s20] =	ssyncset.done $0x0  }
0x60: {  	[sflag:s20] =	ssyncadd.s32 $0xFFFFC000  }
0x61: {  	_ =	swait.ge [sflag:s21], $0x4000  }
0x62: {  	[sflag:s21] =	ssyncset.done $0x0  }
0x63: {  	[sflag:s21] =	ssyncadd.s32 $0xFFFFC000  }
0x64: {  	_ =	swait.ge [sflag:s22], $0x4000  }
0x65: {  	s31 =	rddreg [dreg:$0x2];
	[sflag:s22] =	ssyncset.done $0x0  }
0x66: {  	[sflag:s22] =	ssyncadd.s32 $0xFFFFC000;
	s30 =	sadd.s32 s24, s31  }
0x67: {  	[hbm4b:s30+s2] =	stream.linear.scatter [tilespmem:s2], [sflag:$0x5], $0x4000, $0x38;
	[tilespmem:$0x10200] =	vst v63  }
0x68: {  	_ =	swait.ge [sflag:s11], $0x4000  }
0x69: {  	[sflag:s11] =	ssyncset.done $0x0  }
0x6a: {  	s31 =	sadd.s32 s24, s7;
	[sflag:s11] =	ssyncadd.s32 $0xFFFFC000  }
0x6b: {  	[hbm4b:s31+s2] =	stream.linear.scatter [tilespmem:s16], [sflag:$0x5], $0x4000, $0x38;
	[tilespmem:$0x10200] =	vst v63  }
0x6c: {  	_ =	swait.ge [sflag:s11], $0x4000  }
0x6d: {  	[sflag:s11] =	ssyncset.done $0x0  }
0x6e: {  	s30 =	sadd.s32 $0x800, s30;
	[sflag:s11] =	ssyncadd.s32 $0xFFFFC000  }
0x6f: {  	[hbm4b:s30+s2] =	stream.linear.scatter [tilespmem:s17], [sflag:$0x5], $0x4000, $0x38;
	[tilespmem:$0x10200] =	vst v63  }
0x70: {  	p0 =	sne.s32 s28, $0x27000;
	_ =	swait.ge [sflag:s11], $0x4000  }
.Ltmp0:
0x71: {  	[sflag:s11] =	ssyncset.done $0x0;
	(pc) =	sbr.rel @p0 .LBB2_2-.Ltmp0, $4  }
0x72: {  	s31 =	sadd.s32 $0x800, s31;
	[sflag:s11] =	ssyncadd.s32 $0xFFFFC000  }
0x73: {  	[hbm4b:s31+s2] =	stream.linear.scatter [tilespmem:s18], [sflag:$0x5], $0x4000, $0x38;
	[tilespmem:$0x10200] =	vst v63  }
0x74: {  	s29 =	smov.u32 s28;
	s28 =	sadd.s32 $0x1000, s28;
	_ =	swait.ge [sflag:s11], $0x4000  }
0x75: {  	s25 =	sadd.s32 $0x20, s25;
	s24 =	smov.u32 s29;
	[sflag:s11] =	ssyncset.done $0x0  }
0x76: {  	s28 =	sadd.s32 s25, s8;
	[sflag:s11] =	ssyncadd.s32 $0xFFFFC000  }
0x77: {  	[tilespmem:s10], [sflag:$0x5] =	stream.linear.gather [hbm4b:s28+s2], $0x80, $0x38;
	[tilespmem:$0x10200] =	vst v63  }
0x78: {  	_ =	swait.ge [sflag:s11], $0x80  }
0x79: {  	s26 =	sadd.s32 $0x20, s26;
	[sflag:s11] =	ssyncset.done $0x0  }
0x7a: {  	s31 =	sadd.s32 s26, s8;
	[sflag:s11] =	ssyncadd.s32 $0xFFFFFF80  }
0x7b: {  	[tilespmem:s12], [sflag:$0x5] =	stream.linear.gather [hbm4b:s31+s2], $0x80, $0x38;
	[tilespmem:$0x10200] =	vst v63  }
0x7c: {  	_ =	swait.ge [sflag:s11], $0x80  }
0x7d: {  	[sflag:s11] =	ssyncset.done $0x0  }
0x7e: {  	s28 =	sadd.s32 s25, s9;
	[sflag:s11] =	ssyncadd.s32 $0xFFFFFF80  }
0x7f: {  	[tilespmem:s13], [sflag:$0x5] =	stream.linear.gather [hbm4b:s28+s2], $0x80, $0x38;
	[tilespmem:$0x10200] =	vst v63  }
0x80: {  	_ =	swait.ge [sflag:s11], $0x80  }
0x81: {  	[sflag:s11] =	ssyncset.done $0x0  }
0x82: {  	s29 =	sadd.s32 s26, s9;
	[sflag:s11] =	ssyncadd.s32 $0xFFFFFF80  }
0x83: {  	[tilespmem:s14], [sflag:$0x5] =	stream.linear.gather [hbm4b:s29+s2], $0x80, $0x38;
	[tilespmem:$0x10200] =	vst v63  }
0x84: {  	_ =	swait.ge [sflag:s11], $0x80  }
0x85: {  	[sflag:s11] =	ssyncset.done $0x0  }
0x86: {  	[sflag:s11] =	ssyncadd.s32 $0xFFFFFF80  }
0x87: {  	[tilespmem:s2], [sflag:$0x1] =	stream.indirect.gather [hbm4b:s3+s15], $0x80, s10, s15, $0xb8;
	[tilespmem:$0x10200] =	vst v63  }
0x88: {  	_ = 	snop  }
0x89: {  	[tilespmem:s16], [sflag:$0x2] =	stream.indirect.gather [hbm4b:s3+s15], $0x80, s12, s15, $0xb8;
	[tilespmem:$0x10200] =	vst v63  }
0x8a: {  	_ = 	snop  }
0x8b: {  	[tilespmem:s17], [sflag:$0x3] =	stream.indirect.gather [hbm4b:s3+s15], $0x80, s13, s15, $0xb8;
	[tilespmem:$0x10200] =	vst v63  }
0x8c: {  	_ = 	snop  }
0x8d: {  	[tilespmem:s18], [sflag:$0x4] =	stream.indirect.gather [hbm4b:s3+s15], $0x80, s14, s15, $0xb8;
	[tilespmem:$0x10200] =	vst v63  }
0x8e: {  	_ =	swait.ge [sflag:s19], $0x4000  }
0x8f: {  	[sflag:s19] =	ssyncset.done $0x0  }
0x90: {  	[sflag:s19] =	ssyncadd.s32 $0xFFFFC000  }
0x91: {  	_ =	swait.ge [sflag:s20], $0x4000  }
0x92: {  	[sflag:s20] =	ssyncset.done $0x0  }
0x93: {  	[sflag:s20] =	ssyncadd.s32 $0xFFFFC000  }
0x94: {  	_ =	swait.ge [sflag:s21], $0x4000  }
0x95: {  	[sflag:s21] =	ssyncset.done $0x0  }
0x96: {  	[sflag:s21] =	ssyncadd.s32 $0xFFFFC000  }
0x97: {  	_ =	swait.ge [sflag:s22], $0x4000  }
0x98: {  	s30 =	rddreg [dreg:$0x2];
	[sflag:s22] =	ssyncset.done $0x0  }
0x99: {  	[sflag:s22] =	ssyncadd.s32 $0xFFFFC000;
	s25 =	sadd.s32 s24, s30  }
0x9a: {  	[hbm4b:s25+s2] =	stream.linear.scatter [tilespmem:s2], [sflag:$0x5], $0x4000, $0x38;
	[tilespmem:$0x10200] =	vst v63  }
0x9b: {  	_ =	swait.ge [sflag:s11], $0x4000  }
0x9c: {  	[sflag:s11] =	ssyncset.done $0x0  }
0x9d: {  	s31 =	sadd.s32 s24, s7;
	[sflag:s11] =	ssyncadd.s32 $0xFFFFC000  }
0x9e: {  	[hbm4b:s31+s2] =	stream.linear.scatter [tilespmem:s16], [sflag:$0x5], $0x4000, $0x38;
	[tilespmem:$0x10200] =	vst v63  }
0x9f: {  	_ =	swait.ge [sflag:s11], $0x4000  }
0xa0: {  	[sflag:s11] =	ssyncset.done $0x0  }
0xa1: {  	s25 =	sadd.s32 $0x800, s25;
	[sflag:s11] =	ssyncadd.s32 $0xFFFFC000  }
0xa2: {  	[hbm4b:s25+s2] =	stream.linear.scatter [tilespmem:s17], [sflag:$0x5], $0x4000, $0x38;
	[tilespmem:$0x10200] =	vst v63  }
0xa3: {  	s23 =	sadd.s32 $0x1, s23;
	_ =	swait.ge [sflag:s11], $0x4000  }
0xa4: {  	p0 =	sne.s32 s23, s6;
	[sflag:s11] =	ssyncset.done $0x0  }
.Ltmp1:
0xa5: {  	s24 =	sadd.s32 $0x800, s31;
	[sflag:s11] =	ssyncadd.s32 $0xFFFFC000;
	(pc) =	sbr.rel @p0 .LBB2_1-.Ltmp1, $4  }
0xa6: {  	[hbm4b:s24+s2] =	stream.linear.scatter [tilespmem:s18], [sflag:$0x5], $0x4000, $0x38;
	[tilespmem:$0x10200] =	vst v63  }
0xa7: {  	_ =	swait.ge [sflag:s11], $0x4000  }
0xa8: {  	[sflag:s11] =	ssyncset.done $0x0  }
0xa9: {  	[sflag:s11] =	ssyncadd.s32 $0xFFFFC000  }
0xaa: {  	_ =	sfence.sel $0x180000  }
0xab: {  	[bflag:$0x0] =	sbarrier.arrive $0xFFFF  }
0xac: {  	p0 =	sne.s32 s1, $0x0;
	_ =	strace $0x90000053  }
0xad: {  	s0 =	sadd.s32 @!p0 $0x100000, s0;
	[bflag:$0x2] =	sbarrier.arrive $0xFFFF  }
0xae: {  	[sflag:s0] =	ssyncadd.tile.s32 @!p0 $0x1;
	_ =	shalt  }
.Lfunc_end2:
_tile_overlayer_lowered:
.L_overlay_start_2:
0xaf: {  	(tag) =	ssettag $0x2  }
0xb0: {  	s0 =	rddreg [dreg:$0x0];
	s2 =	stileid.u32  }
0xb1: {  	s1 =	rddreg [dreg:$0x1];
	p0 =	sne.s32 s2, $0x0  }
0xb2: {  	s3 =	rddreg [dreg:$0x2];
	[bflag:$0x3] =	sbarrier.arrive $0xFFFF;
	s2 =	simm.s32 @!p0 $0x1C05  }
0xb3: {  	[timem:s3], [sflag:s2] =	dma.local @!p0 [hbm:s0], s1  }
0xb4: {  	s0 =	simm.s32 @!p0 $0x5  }
0xb5: {  	_ =	swait.ge @!p0 [sflag:s0], s1  }
0xb6: {  	s1 =	ssub.s32 @!p0 $0x0, s1;
	[sflag:s0] =	ssyncset.done @!p0 $0x0  }
0xb7: {  	[sflag:s0] =	ssyncadd.s32 @!p0 s1  }
0xb8: {  	[bflag:$0x3] =	sbarrier.arrive $0xFFFF  }
0xb9: {  	_ =	shalt  }

// kernel: kernel.32.cloned.1.call-start
scs
__scs_entry_jumppad:
0x0: {  	(pc) =	sbr.rel $0x88, $3  }
0x1: {  	(tag) =	ssettag $0x0;
	lr =	simm.s32 $0x1  }
0x2: {  	[smem:$0x3F6A] =	sst lr;
	_ =	strace $0xD0000000  }
0x3: {  	_ = 	snop  }
0x4: {  	_ = 	snop  }
0x5: {  	_ = 	snop  }
0x6: {  	_ = 	snop  }
0x7: {  	_ = 	snop  }
__scs_overlays_trampoline_lowered:
0x8: {  	[smem:$0x3F79] =	sst s0  }
0x9: {  	[smem:$0x3F7A] =	sst s1  }
0xa: {  	[smem:$0x3F7B] =	sst s2  }
0xb: {  	[smem:$0x3F7C] =	sst s3  }
0xc: {  	[smem:$0x3F7D] =	sst s4  }
0xd: {  	[smem:$0x3F7E] =	sst s5  }
0xe: {  	[smem:$0x3F7F] =	sst s6  }
0xf: {  	[smem:$0x3F80] =	sst s7  }
0x10: {  	[smem:$0x3F81] =	sst s8  }
0x11: {  	[smem:$0x3F82] =	sst s9;
	s0 =	simm.s32 @!p0 $0x0  }
0x12: {  	s1 =	sld [smem:$0x3F68];
	s0 =	simm.s32 @p0 $0x1  }
0x13: {  	[smem:$0x3F83] =	sst s0;
	s0 =	simm.s32 @!p1 $0x0  }
0x14: {  	s2 =	sld [smem:$0x3F67];
	s0 =	simm.s32 @p1 $0x1  }
0x15: {  	[smem:$0x3F84] =	sst s0;
	s0 =	simm.s32 @!p2 $0x0  }
0x16: {  	s3 =	sld [smem:$0x3FDB];
	s0 =	simm.s32 @p2 $0x1  }
0x17: {  	s4 =	simm.s32 $0x1BF5;
	[smem:$0x3F86] =	sst s0  }
0x18: {  	s0 =	sld [smem:$0x3F69];
	_ =	swait.ge [sflag:s4], $0x0  }
0x19: {  	s7 =	sld [smem:$0x3F6A]  }
0x1a: {  	s8 =	sadd.s32 $0xFFFFE003, lr  }
0x1b: {  	s9 =	sadd.s32 $0xFFFFFEF7, lr;
	s5 =	simm.s32 $0xFFFFFFFF;
	p2 =	slt.u32 s8, $0xFFFFF086  }
0x1c: {  	p1 =	slt.u32 s9, $0xF7A;
	s5 =	simm.s32 @!p2 $0x0  }
0x1d: {  	s5 =	simm.s32 @p1 $0x1;
	p0 =	seq.s32 s7, s2  }
0x1e: {  	s7 =	smul.u32 @!p0 $0xF7A, s2;
	p2 =	seq.s32 @!p0 s5, $0x0  }
0x1f: {  	s9 =	smul.u32 $0xF7A, s1;
	s8 =	simm.s32 @!p0 $0x1BF5;
	p2 =	por !p2, p0  }
0x20: {  	[sflag:s8] =	ssyncset.s32 @!p0 $0xFFFFF086;
	s6 =	sadd.s32 @!p0 s3, s7;
	s7 =	simm.s32 @!p0 $0x108  }
0x21: {  	s3 =	sadd.s32 s3, s9;
	s6 =	sadd.s32 @!p0 $0x88, s6;
	s7 =	simm.s32 @p2 $0x1082  }
0x22: {  	[simem:s7], [sflag:s8] =	dma.local @!p0 [hbm:s6], $0xF7A  }
0x23: {  	s9 =	sor.u32 $0xD0000000, s2;
	s6 =	simm.s32 $0x108;
	_ =	swait.ge @!p0 [sflag:s8], $0x0  }
0x24: {  	s3 =	sadd.s32 $0x88, s3;
	s6 =	simm.s32 @!p1 $0x1082;
	[sflag:s4] =	ssyncset.s32 $0xFFFFF086  }
0x25: {  	[simem:s6], [sflag:s4] =	dma.local [hbm:s3], $0xF7A  }
0x26: {  	[smem:$0x3F6A] =	sst s1;
	(tag) =	ssettag s2;
	_ =	strace s9  }
0x27: {  	s1 =	sld [smem:$0x3F7A]  }
0x28: {  	s2 =	sld [smem:$0x3F7B]  }
0x29: {  	s4 =	sld [smem:$0x3F7D]  }
0x2a: {  	p0 =	seq.s32 s5, $0x0;
	s5 =	sld [smem:$0x3F7E]  }
0x2b: {  	s6 =	sld [smem:$0x3F7F]  }
0x2c: {  	s7 =	sld [smem:$0x3F80]  }
0x2d: {  	s3 =	simm.s32 $0x108;
	s8 =	sld [smem:$0x3F81]  }
0x2e: {  	s3 =	simm.s32 @!p0 $0x1082;
	s9 =	sld [smem:$0x3F82]  }
0x2f: {  	lr =	sadd.s32 s0, s3;
	s0 =	sld [smem:$0x3F79]  }
0x30: {  	s3 =	sld [smem:$0x3F7C]  }
0x31: {  	[smem:$0x3F85] =	sst s10  }
0x32: {  	s10 =	sld [smem:$0x3F83];
	_ =	sdelay $0x3  }
0x33: {  	p0 =	seq.s32 s10, $0x1;
	s10 =	sld [smem:$0x3F85];
	_ =	sdelay $0x3  }
0x34: {  	[smem:$0x3F85] =	sst s10  }
0x35: {  	s10 =	sld [smem:$0x3F84];
	_ =	sdelay $0x3  }
0x36: {  	p1 =	seq.s32 s10, $0x1;
	s10 =	sld [smem:$0x3F85];
	_ =	sdelay $0x3  }
0x37: {  	[smem:$0x3F85] =	sst s10  }
0x38: {  	s10 =	sld [smem:$0x3F86]  }
0x39: {  	_ = 	snop;
	(pc) =	sbr.ind lr, $3  }
0x3a: {  	_ = 	snop  }
0x3b: {  	_ = 	snop  }
0x3c: {  	p2 =	seq.s32 s10, $0x1;
	s10 =	sld [smem:$0x3F85]  }
0x3d: {  	_ =	shalt  }
0x3e: {  	_ =	shalt  }
0x3f: {  	_ =	shalt  }
0x40: {  	_ =	shalt  }
0x41: {  	_ =	shalt  }
0x42: {  	_ =	shalt  }
0x43: {  	_ =	shalt  }
0x44: {  	_ =	shalt  }
0x45: {  	_ =	shalt  }
0x46: {  	_ =	shalt  }
0x47: {  	_ =	shalt  }
0x48: {  	_ =	shalt  }
0x49: {  	_ =	shalt  }
0x4a: {  	_ =	shalt  }
0x4b: {  	_ =	shalt  }
0x4c: {  	_ =	shalt  }
0x4d: {  	_ =	shalt  }
0x4e: {  	_ =	shalt  }
0x4f: {  	_ =	shalt  }
0x50: {  	_ =	shalt  }
0x51: {  	_ =	shalt  }
0x52: {  	_ =	shalt  }
0x53: {  	_ =	shalt  }
0x54: {  	_ =	shalt  }
0x55: {  	_ =	shalt  }
0x56: {  	_ =	shalt  }
0x57: {  	_ =	shalt  }
0x58: {  	_ =	shalt  }
0x59: {  	_ =	shalt  }
0x5a: {  	_ =	shalt  }
0x5b: {  	_ =	shalt  }
0x5c: {  	_ =	shalt  }
0x5d: {  	_ =	shalt  }
0x5e: {  	_ =	shalt  }
0x5f: {  	_ =	shalt  }
0x60: {  	_ =	shalt  }
0x61: {  	_ =	shalt  }
0x62: {  	_ =	shalt  }
0x63: {  	_ =	shalt  }
0x64: {  	_ =	shalt  }
0x65: {  	_ =	shalt  }
0x66: {  	_ =	shalt  }
0x67: {  	_ =	shalt  }
0x68: {  	_ =	shalt  }
0x69: {  	_ =	shalt  }
0x6a: {  	_ =	shalt  }
0x6b: {  	_ =	shalt  }
0x6c: {  	_ =	shalt  }
0x6d: {  	_ =	shalt  }
0x6e: {  	_ =	shalt  }
0x6f: {  	_ =	shalt  }
0x70: {  	_ =	shalt  }
0x71: {  	_ =	shalt  }
0x72: {  	_ =	shalt  }
0x73: {  	_ =	shalt  }
0x74: {  	_ =	shalt  }
0x75: {  	_ =	shalt  }
0x76: {  	_ =	shalt  }
0x77: {  	_ =	shalt  }
0x78: {  	_ =	shalt  }
0x79: {  	_ =	shalt  }
0x7a: {  	_ =	shalt  }
0x7b: {  	_ =	shalt  }
0x7c: {  	_ =	shalt  }
0x7d: {  	_ =	shalt  }
0x7e: {  	_ =	shalt  }
0x7f: {  	_ =	shalt  }
0x80: {  	_ =	shalt  }
0x81: {  	_ =	shalt  }
0x82: {  	_ =	shalt  }
0x83: {  	_ =	shalt  }
0x84: {  	_ =	shalt  }
0x85: {  	_ =	shalt  }
0x86: {  	_ =	shalt  }
0x87: {  	_ =	shalt  }
.Lfunc_end0:
.L_simem_size_0:
called_computation.5_lowered:
.L_overlay_start_0:
0x88: {  	s2 =	sld [smem:$0x3FD9]  }
0x89: {  	s3 =	sld [smem:$0x3FFE];
	_ =	sdelay $0x1  }
0x8a: {  	s1 =	srdreg.scid  }
0x8b: {  	s0 =	sand.u32 $0x1, s1  }
0x8c: {  	s16 =	sshll.u32 s0, $0xA;
	s2 =	sadd.s32 s3, s2  }
0x8d: {  	s2 =	sadd.s32 s2, s16  }
0x8e: {  	[smem:$0x3F91] =	sst s2  }
0x8f: {  	_ = 	snop  }
0x90: {  	(tm) =	ssettm $0x1  }
0x91: {  	s17 =	sld [smem:$0x3FFB];
	_ =	sdelay $0x3  }
0x92: {  	_ =	strace s17  }
0x93: {  	s2 =	sld [smem:$0x3FFC];
	_ =	sdelay $0x3  }
0x94: {  	_ =	strace s2  }
0x95: {  	s2 =	sld [smem:$0x3FFD];
	_ =	sdelay $0x3  }
0x96: {  	_ =	strace s2  }
0x97: {  	_ =	strace $0x8FFFFFFF  }
0x98: {  	s18 =	sld [smem:$0x3FDB];
	_ =	sdelay $0x1  }
0x99: {  	s19 =	simm.s32 $_scs_section_size  }
0x9a: {  	s4 =	simm.s32 $_size__tile_overlayer_lowered;
	s5 =	simm.s32 $_tile_overlayer_lowered  }
0x9b: {  	s22 =	simm.s32 $0x1BFF;
	s21 =	sshll.u32 s5, $0x1;
	s2 =	sadd.s32 s19, s18  }
0x9c: {  	s6 =	simm.s32 $0x0;
	s20 =	sshll.u32 s4, $0x1;
	s4 =	sadd.s32 s21, s2  }
0x9d: {  	[timem:s6], [sflag:s22] =	dma.local [hbm:s4], s20  }
0x9e: {  	_ =	swait.ge [sflag:s22], s20  }
0x9f: {  	s3 =	ssub.s32 $0x0, s20;
	[sflag:s22] =	ssyncset.done $0x0  }
0xa0: {  	[sflag:s22] =	ssyncadd.s32 s3;
	_ =	sdelay $0x1  }
0xa1: {  	s23 =	simm.s32 $0x1B8B  }
0xa2: {  	_ =	swait.ge [sflag:s23], $0x1  }
0xa3: {  	[sflag:s23] =	ssyncset.done $0x0  }
0xa4: {  	s25 =	simm.s32 $0x1B8E;
	s24 =	sld [smem:$0x3FFE];
	[sflag:s23] =	ssyncadd.s32 $0xFFFFFFFF  }
0xa5: {  	s26 =	simm.s32 $execute0_lowered;
	[smem:$0x3FD2] =	sst s25  }
0xa6: {  	s4 =	sshll.u32 s26, $0x1;
	_ =	strace $0x80000055;
	[dreg:$0x1] =	wrdreg $0xFFFFFFFF  }
0xa7: {  	s28 =	simm.s32 $_size_execute0_lowered;
	s2 =	sadd.s32 s2, s4;
	[dreg:$0x0] =	wrdreg $0x0  }
0xa8: {  	s4 =	sshll.u32 s28, $0x1;
	[dreg:$0x2] =	wrdreg s2  }
0xa9: {  	[dreg:$0x3] =	wrdreg s4  }
0xaa: {  	[dreg:$0x4] =	wrdreg $0xC0  }
0xab: {  	_ =	task [dreg:s6], $0x5FFFF  }
0xac: {  	[dreg:$0x1] =	wrdreg $0xFFFFFFFF  }
0xad: {  	[dreg:$0x0] =	wrdreg $0x60  }
0xae: {  	[dreg:$0x2] =	wrdreg s24  }
0xaf: {  	[dreg:$0x3] =	wrdreg $0x81000  }
0xb0: {  	[dreg:$0x4] =	wrdreg $0x9  }
0xb1: {  	_ =	task.clear_ibuf [dreg:s6], $0x5FFFF;
	_ =	strace $0x90000055  }
0xb2: {  	s29 =	simm.s32 $0x9;
	_ =	strace $0x80000057  }
0xb3: {  	_ =	swait.ge [sflag:s29], $0x1  }
0xb4: {  	[sflag:s29] =	ssyncadd.s32 $0xFFFFFFFF  }
0xb5: {  	_ =	strace $0x90000057  }
0xb6: {  	_ =	sfence  }
0xb7: {  	s30 =	sld [smem:$0x0];
	_ =	sdelay $0x2  }
0xb8: {  	s31 =	sshll.u32 s1, $0xD;
	s1 =	sshrl.u32 s1, $0x2  }
0xb9: {  	s3 =	sand.u32 $0x4000, s31;
	s1 =	sadd.s32 s1, s30  }
0xba: {  	s0 =	sor.u32 s3, s0;
	s1 =	sshll.u32 s1, $0x11  }
0xbb: {  	s0 =	sor.u32 s1, s0  }
0xbc: {  	s0 =	sadd.s32 $0x8F2B, s0  }
0xbd: {  	[sflag:s0] =	ssyncadd.remote.s32 $0x1  }
0xbe: {  	_ =	sfence.sel $0xFFFF  }
0xbf: {  	[dreg:$0x0] =	wrdreg $0xFFFFFFFF;
	(pc) =	sbr.abs _section_cstart, $3  }
0xc0: {  	[dreg:$0x1] =	wrdreg $0xFFFFFFFF  }
0xc1: {  	_ =	task.clear_ibuf [dreg:s6], $0x2FFFF;
	_ =	strace $0x9FFFFFFF  }
0xc2: {  	(tm) =	ssettm $0x7FFFFFFF  }
0xc3: {  	_ =	shalt  }
tec
execute0_lowered:
.L_overlay_start_1:
0x0: {  	(tag) =	ssettag $0x1  }
0x1: {  	s4 =	rddreg [dreg:$0x0];
	s0 =	srdreg.scid  }
0x2: {  	s2 =	rddreg [dreg:$0x1];
	s1 =	stileid.u32;
	s3 =	simm.s32 $0x0  }
0x3: {  	s15 =	simm.s32 $0x8080;
	s16 =	simm.s32 $0x1;
	s7 =	smul.u32 $0x14000, s1  }
0x4: {  	s17 =	simm.s32 $0x2;
	s18 =	simm.s32 $0x80;
	s11 =	smul.u32 $0x50000, s1  }
0x5: {  	s5 =	sand.u32 $0x1, s0;
	s0 =	rddreg [dreg:$0x2];
	s28 =	smul.u32 $0x2800, s1  }
0x6: {  	s19 =	simm.s32 $0x0;
	[smem:$0x7FF] =	sst s3;
	s14 =	smul.u32 $0x28000, s1  }
0x7: {  	s10 =	sadd.s32 $0x8200, s4;
	s29 =	sshll.u32 s1, $0x6;
	s6 =	smul.u32 $0x280000, s5  }
0x8: {  	s8 =	smul.u32 $0x140000, s5;
	_ =	strace $0x80000056;
	s24 =	ssub.s32 $0x2, s5  }
0x9: {  	s12 =	smul.u32 $0x28000, s5;
	s5 =	sor.u32 $0x1C03, s29;
	s23 =	sshrl.u32 s7, $0x3  }
0xa: {  	s25 =	sshrl.u32 s24, $0x1;
	s26 =	sshrl.u32 s11, $0x2;
	s9 =	sadd.s32 s6, s4  }
0xb: {  	s6 =	sadd.s32 s23, s4;
	s7 =	sadd.s32 s7, s8;
	s8 =	ssub.s32 s24, s25  }
0xc: {  	s13 =	sadd.s32 s26, s2;
	s11 =	sadd.s32 s28, s12;
	s12 =	simm.s32 $0x3  }
0xd: {  	s7 =	sshrl.u32 s7, $0x3;
	s30 =	sor.u32 $0x80, s11;
	s9 =	sadd.s32 s14, s9  }
0xe: {  	s11 =	sshrl.u32 s11, $0x3;
	s14 =	simm.s32 $0x8000;
	s7 =	sadd.s32 s7, s4  }
0xf: {  	s4 =	sadd.s32 $0x1C200, s6;
	s31 =	sshrl.u32 s30, $0x3;
	s6 =	sadd.s32 $0xF44A00, s7  }
0x10: {  	s7 =	smax.u32 s8, $0x1;
	s8 =	sadd.s32 $0x1445200, s9;
	s9 =	sadd.s32 s31, s10  }
0x11: {  	s10 =	sadd.s32 s11, s10;
	s11 =	sshrl.u32 s13, $0x3;
	s13 =	simm.s32 $0x4000  }
.LBB2_1:
0x12: {  	[spmem:s11], [sflag:s5] =	dma.local [hbm:s4], $0x2800  }
0x13: {  	_ =	swait.ge [sflag:s12], $0x2800  }
0x14: {  	[sflag:s12] =	ssyncset.done $0x0  }
0x15: {  	[sflag:s12] =	ssyncadd.s32 $0xFFFFD800  }
0x16: {  	s20 =	sadd.s32 $0xFFFFF800, s8;
	[bflag:$0x0] =	sbarrier.arrive $0xFFFF  }
0x17: {  	[tilespmem:s3], [sflag:$0x1] =	stream.linear.gather [hbm4b:s20+s3], $0x4000, $0x38;
	[tilespmem:$0x1C100] =	vst v63  }
0x18: {  	_ = 	snop  }
0x19: {  	[tilespmem:s13], [sflag:$0x2] =	stream.linear.gather [hbm4b:s8+s3], $0x4000, $0x38;
	[tilespmem:$0x1C100] =	vst v63  }
0x1a: {  	s30 =	sadd.s32 $0x0, s10  }
0x1b: {  	[tilespmem:s14], [sflag:$0x3] =	stream.linear.gather [hbm4b:s30+s3], $0x80, $0x38;
	[tilespmem:$0x1C100] =	vst v63  }
0x1c: {  	_ =	swait.ge [sflag:s12], $0x80  }
0x1d: {  	[sflag:s12] =	ssyncset.done $0x0  }
0x1e: {  	s31 =	sadd.s32 $0x0, s9;
	[sflag:s12] =	ssyncadd.s32 $0xFFFFFF80  }
0x1f: {  	[tilespmem:s15], [sflag:$0x3] =	stream.linear.gather [hbm4b:s31+s3], $0x80, $0x38;
	[tilespmem:$0x1C100] =	vst v63  }
0x20: {  	_ =	swait.ge [sflag:s12], $0x80  }
0x21: {  	[sflag:s12] =	ssyncset.done $0x0  }
0x22: {  	[sflag:s12] =	ssyncadd.s32 $0xFFFFFF80  }
0x23: {  	_ =	swait.ge [sflag:s16], $0x4000  }
0x24: {  	[sflag:s16] =	ssyncset.done $0x0  }
0x25: {  	[sflag:s16] =	ssyncadd.s32 $0xFFFFC000  }
0x26: {  	_ =	swait.ge [sflag:s17], $0x4000  }
0x27: {  	[sflag:s17] =	ssyncset.done $0x0  }
0x28: {  	[sflag:s17] =	ssyncadd.s32 $0xFFFFC000  }
0x29: {  	[spmem:s2] =	stream.indirect.scatter.add.f32 [tilespmem:s3], [sflag:$0x3], $0x80, s14, s18, $0xb8;
	[tilespmem:$0x1C100] =	vst v63  }
0x2a: {  	_ =	swait.ge [sflag:s12], $0x4000  }
0x2b: {  	[sflag:s12] =	ssyncset.done $0x0  }
0x2c: {  	[sflag:s12] =	ssyncadd.s32 $0xFFFFC000  }
0x2d: {  	[spmem:s2] =	stream.indirect.scatter.add.f32 [tilespmem:s13], [sflag:$0x3], $0x80, s15, s18, $0xb8;
	[tilespmem:$0x1C100] =	vst v63  }
0x2e: {  	s22 =	simm.s32 $0x40;
	_ =	swait.ge [sflag:s12], $0x4000  }
0x2f: {  	s21 =	sadd.s32 $0x1000, s8;
	s20 =	simm.s32 $0x20;
	[sflag:s12] =	ssyncset.done $0x0  }
.LBB2_2:
0x30: {  	p0 =	sne.s32 s22, $0x4E0;
	s23 =	sadd.s32 $0xFFFFF800, s21;
	[sflag:s12] =	ssyncadd.s32 $0xFFFFC000  }
0x31: {  	[tilespmem:s3], [sflag:$0x1] =	stream.linear.gather [hbm4b:s23+s3], $0x4000, $0x38;
	[tilespmem:$0x1C100] =	vst v63  }
0x32: {  	s23 =	smov.u32 s22;
	s22 =	sadd.s32 $0x20, s22  }
0x33: {  	[tilespmem:s13], [sflag:$0x2] =	stream.linear.gather [hbm4b:s21+s3], $0x4000, $0x38;
	[tilespmem:$0x1C100] =	vst v63  }
0x34: {  	s24 =	sadd.s32 s20, s10  }
0x35: {  	[tilespmem:s14], [sflag:$0x3] =	stream.linear.gather [hbm4b:s24+s3], $0x80, $0x38;
	[tilespmem:$0x1C100] =	vst v63  }
0x36: {  	_ =	swait.ge [sflag:s12], $0x80  }
0x37: {  	[sflag:s12] =	ssyncset.done $0x0  }
0x38: {  	s24 =	sadd.s32 s20, s9;
	s20 =	smov.u32 s23;
	[sflag:s12] =	ssyncadd.s32 $0xFFFFFF80  }
0x39: {  	[tilespmem:s15], [sflag:$0x3] =	stream.linear.gather [hbm4b:s24+s3], $0x80, $0x38;
	[tilespmem:$0x1C100] =	vst v63  }
0x3a: {  	_ =	swait.ge [sflag:s12], $0x80  }
0x3b: {  	[sflag:s12] =	ssyncset.done $0x0  }
0x3c: {  	[sflag:s12] =	ssyncadd.s32 $0xFFFFFF80  }
0x3d: {  	_ =	swait.ge [sflag:s16], $0x4000  }
0x3e: {  	[sflag:s16] =	ssyncset.done $0x0  }
0x3f: {  	[sflag:s16] =	ssyncadd.s32 $0xFFFFC000  }
0x40: {  	_ =	swait.ge [sflag:s17], $0x4000  }
0x41: {  	[sflag:s17] =	ssyncset.done $0x0  }
0x42: {  	[sflag:s17] =	ssyncadd.s32 $0xFFFFC000  }
0x43: {  	[spmem:s2] =	stream.indirect.scatter.add.f32 [tilespmem:s3], [sflag:$0x3], $0x80, s14, s18, $0xb8;
	[tilespmem:$0x1C100] =	vst v63  }
0x44: {  	_ =	swait.ge [sflag:s12], $0x4000  }
.Ltmp0:
0x45: {  	[sflag:s12] =	ssyncset.done $0x0;
	(pc) =	sbr.rel @p0 .LBB2_2-.Ltmp0, $4  }
0x46: {  	[sflag:s12] =	ssyncadd.s32 $0xFFFFC000  }
0x47: {  	[spmem:s2] =	stream.indirect.scatter.add.f32 [tilespmem:s13], [sflag:$0x3], $0x80, s15, s18, $0xb8;
	[tilespmem:$0x1C100] =	vst v63  }
0x48: {  	_ =	swait.ge [sflag:s12], $0x4000  }
0x49: {  	s21 =	sadd.s32 $0x1000, s21;
	[sflag:s12] =	ssyncset.done $0x0  }
0x4a: {  	s22 =	sadd.s32 $0xFFFFF800, s21;
	[sflag:s12] =	ssyncadd.s32 $0xFFFFC000  }
0x4b: {  	[tilespmem:s3], [sflag:$0x1] =	stream.linear.gather [hbm4b:s22+s3], $0x4000, $0x38;
	[tilespmem:$0x1C100] =	vst v63  }
0x4c: {  	_ = 	snop  }
0x4d: {  	[tilespmem:s13], [sflag:$0x2] =	stream.linear.gather [hbm4b:s21+s3], $0x4000, $0x38;
	[tilespmem:$0x1C100] =	vst v63  }
0x4e: {  	s30 =	sadd.s32 s20, s10  }
0x4f: {  	[tilespmem:s14], [sflag:$0x3] =	stream.linear.gather [hbm4b:s30+s3], $0x80, $0x38;
	[tilespmem:$0x1C100] =	vst v63  }
0x50: {  	_ =	swait.ge [sflag:s12], $0x80  }
0x51: {  	[sflag:s12] =	ssyncset.done $0x0  }
0x52: {  	s31 =	sadd.s32 s20, s9;
	[sflag:s12] =	ssyncadd.s32 $0xFFFFFF80  }
0x53: {  	[tilespmem:s15], [sflag:$0x3] =	stream.linear.gather [hbm4b:s31+s3], $0x80, $0x38;
	[tilespmem:$0x1C100] =	vst v63  }
0x54: {  	_ =	swait.ge [sflag:s12], $0x80  }
0x55: {  	[sflag:s12] =	ssyncset.done $0x0  }
0x56: {  	[sflag:s12] =	ssyncadd.s32 $0xFFFFFF80  }
0x57: {  	_ =	swait.ge [sflag:s16], $0x4000  }
0x58: {  	[sflag:s16] =	ssyncset.done $0x0  }
0x59: {  	[sflag:s16] =	ssyncadd.s32 $0xFFFFC000  }
0x5a: {  	_ =	swait.ge [sflag:s17], $0x4000  }
0x5b: {  	[sflag:s17] =	ssyncset.done $0x0  }
0x5c: {  	[sflag:s17] =	ssyncadd.s32 $0xFFFFC000  }
0x5d: {  	[spmem:s2] =	stream.indirect.scatter.add.f32 [tilespmem:s3], [sflag:$0x3], $0x80, s14, s18, $0xb8;
	[tilespmem:$0x1C100] =	vst v63  }
0x5e: {  	_ =	swait.ge [sflag:s12], $0x4000  }
0x5f: {  	[sflag:s12] =	ssyncset.done $0x0  }
0x60: {  	[sflag:s12] =	ssyncadd.s32 $0xFFFFC000  }
0x61: {  	[spmem:s2] =	stream.indirect.scatter.add.f32 [tilespmem:s13], [sflag:$0x3], $0x80, s15, s18, $0xb8;
	[tilespmem:$0x1C100] =	vst v63  }
0x62: {  	_ =	swait.ge [sflag:s12], $0x4000  }
0x63: {  	s19 =	sadd.s32 $0x1, s19;
	[sflag:s12] =	ssyncset.done $0x0  }
0x64: {  	p0 =	sne.s32 s19, s7;
	[sflag:s12] =	ssyncadd.s32 $0xFFFFC000  }
.Ltmp1:
0x65: {  	[bflag:$0x0] =	sbarrier.arrive $0xFFFF;
	(pc) =	sbr.rel @p0 .LBB2_1-.Ltmp1, $4  }
0x66: {  	[hbm:s6], [sflag:s5] =	dma.local [spmem:s11], $0x2800  }
0x67: {  	_ =	swait.ge [sflag:s12], $0x2800  }
0x68: {  	[sflag:s12] =	ssyncset.done $0x0  }
0x69: {  	[sflag:s12] =	ssyncadd.s32 $0xFFFFD800  }
0x6a: {  	_ =	sfence.sel $0x180000  }
0x6b: {  	[bflag:$0x0] =	sbarrier.arrive $0xFFFF  }
0x6c: {  	p0 =	sne.s32 s1, $0x0;
	_ =	strace $0x90000056  }
0x6d: {  	s0 =	sadd.s32 @!p0 $0x100000, s0;
	[bflag:$0x2] =	sbarrier.arrive $0xFFFF  }
0x6e: {  	[sflag:s0] =	ssyncadd.tile.s32 @!p0 $0x1;
	_ =	shalt  }
.Lfunc_end2:
_tile_overlayer_lowered:
.L_overlay_start_2:
0x6f: {  	(tag) =	ssettag $0x2  }
0x70: {  	s0 =	rddreg [dreg:$0x0];
	s2 =	stileid.u32  }
0x71: {  	s1 =	rddreg [dreg:$0x1];
	p0 =	sne.s32 s2, $0x0  }
0x72: {  	s3 =	rddreg [dreg:$0x2];
	[bflag:$0x3] =	sbarrier.arrive $0xFFFF;
	s2 =	simm.s32 @!p0 $0x1C03  }
0x73: {  	[timem:s3], [sflag:s2] =	dma.local @!p0 [hbm:s0], s1  }
0x74: {  	s0 =	simm.s32 @!p0 $0x3  }
0x75: {  	_ =	swait.ge @!p0 [sflag:s0], s1  }
0x76: {  	s1 =	ssub.s32 @!p0 $0x0, s1;
	[sflag:s0] =	ssyncset.done @!p0 $0x0  }
0x77: {  	[sflag:s0] =	ssyncadd.s32 @!p0 s1  }
0x78: {  	[bflag:$0x3] =	sbarrier.arrive $0xFFFF  }
0x79: {  	_ =	shalt  }

</sc_bundles>
